<compile_context>
chip_gen: v7x
topology: tpu7x:2x2x1
jax: 0.10.2.dev20260603
libtpu: 0.0.44.dev20260713+nightly
codegen_flags: <defaults>
</compile_context>

<pallas_src>
import jax
import jax.numpy as jnp
from jax import lax
from jax.experimental import pallas as pl

_N = 4096
_K = 2048


def _pbit(b):
    return b + 3 if b < 9 else b - 9


def _sort_block(x_ref, o_ref):
    T = x_ref[...]
    C = T.shape[1]
    sidx = lax.broadcasted_iota(jnp.int32, (_N, 1), 0)

    def slice_round(Tc, H, D):
        G = H // (2 * D)
        Tr = Tc.reshape(G, 2, D, C)
        na = jnp.maximum(Tr[:, 0], Tr[:, 1])
        nb = jnp.minimum(Tr[:, 0], Tr[:, 1])
        return jnp.concatenate([na[:, None], nb[:, None]], axis=1).reshape(H, C)

    def roll_round(Tc, idx, D):
        up = jnp.concatenate([Tc[D:], Tc[:D]], axis=0)
        dn = jnp.concatenate([Tc[-D:], Tc[:-D]], axis=0)
        is_a = (idx & D) == 0
        partner = jnp.where(is_a, up, dn)
        mn = jnp.minimum(Tc, partner)
        mx = jnp.maximum(Tc, partner)
        return jnp.where(is_a, mx, mn)

    for st in range(1, 9):
        for j in range(st - 1, -1, -1):
            Dj = 1 << (j + 3)
            A = _N >> (st + 4)
            Bm = 1 << (st - j - 1)
            Tr = T.reshape(A, 2, Bm, 2, Dj, C)
            nda = jnp.maximum(Tr[:, 0, :, 0], Tr[:, 0, :, 1])
            ndb = jnp.minimum(Tr[:, 0, :, 0], Tr[:, 0, :, 1])
            nea = jnp.minimum(Tr[:, 1, :, 0], Tr[:, 1, :, 1])
            neb = jnp.maximum(Tr[:, 1, :, 0], Tr[:, 1, :, 1])
            nd = jnp.concatenate([nda[:, :, None], ndb[:, :, None]], axis=2)
            ne = jnp.concatenate([nea[:, :, None], neb[:, :, None]], axis=2)
            T = jnp.concatenate([nd[:, None], ne[:, None]], axis=1)
            T = T.reshape(_N, C)

    cur = (sidx >> _pbit(9)) & 1
    T = jnp.where(cur == 1, -T, T)
    for st in range(9, 12):
        for j in range(st - 1, -1, -1):
            D = 1 << _pbit(j)
            if D >= 8:
                T = slice_round(T, _N, D)
            else:
                T = roll_round(T, sidx, D)
        nxt = ((sidx >> _pbit(st + 1)) & 1) if st < 11 else jnp.zeros_like(sidx)
        flip = cur ^ nxt
        T = jnp.where(flip == 1, -T, T)
        cur = nxt

    Tr = T.reshape(512, 2, 4, C)
    T2 = jnp.maximum(Tr[:, 0], Tr[:, 1]).reshape(_K, C)
    s2idx = lax.broadcasted_iota(jnp.int32, (_K, 1), 0)
    for j in range(10, -1, -1):
        if j >= 9:
            T2 = roll_round(T2, s2idx, 1 << (j - 9))
        elif j >= 1:
            T2 = slice_round(T2, _K, 1 << (j + 2))
        else:
            T2 = roll_round(T2, s2idx, 4)

    o_ref[...] = T2.reshape(512, 4, C)


def kernel(x):
    B, CH, N = x.shape
    R = B * CH
    xr = x.reshape(R, 8, 512).transpose(2, 1, 0).reshape(_N, R)
    C = 128
    out = pl.pallas_call(
        _sort_block,
        grid=(R // C,),
        in_specs=[pl.BlockSpec((_N, C), lambda g: (0, g))],
        out_specs=pl.BlockSpec((_N // 8, 4, C), lambda g: (0, 0, g)),
        out_shape=jax.ShapeDtypeStruct((_N // 8, 4, R), jnp.float32),
    )(xr)
    y = out.transpose(2, 1, 0).reshape(R, _K)
    return y.reshape(B, CH, _K)

# --- scband reference (transcript-rebuilt; emitter-appended) ---
"""Pipeline reference for scband-kmax-pool-49984829391294 (READ-ONLY COPY).

The authoritative reference and input builder live on the scoring server;
editing this copy changes nothing except your own understanding.
"""

import jax, jax.numpy as jnp
import numpy as np

K = 2048

def setup_inputs(seed: int = 0) -> dict:
    key = jax.random.key(seed)
    x = jax.random.normal(key, (8, 768, 4096), dtype=jnp.float32)
    return {"x": x}

def reference(x):
    # KMaxPool: kmax, kargmax = x.topk(k, dim=2); return kmax
    # dim=2 is the last axis of the 3D input, so lax.top_k applies directly.
    kmax, kargmax = jax.lax.top_k(x, K)
    return kmax

if __name__ == "__main__":
    import jax
    _d = setup_inputs()
    print(jax.jit(kernel)(*tuple(_d.values())))

</pallas_src>

<mosaic_0001>
module attributes {stable_mosaic.version = 14 : i64} {
  func.func @_sort_block(%arg0: i32, %arg1: memref<4096x128xf32, #tpu.memory_space<vmem>>, %arg2: memref<512x4x128xf32, #tpu.memory_space<vmem>>) attributes {dimension_semantics = [#tpu.dimension_semantics<arbitrary>], iteration_bounds = array<i64: 48>, scalar_prefetch = 0 : i64, scratch_operands = 0 : i64, tpu.core_type = #tpu.core_type<tc>, window_params = [{transform_indices = @transform_0, window_bounds = array<i64: 4096, 128>}, {transform_indices = @transform_1, window_bounds = array<i64: 512, 4, 128>}]} {
    %get3A = arith.constant 0 : index
    %get3A_0 = arith.constant 0 : index
    %get3A_1 = vector.load %arg1[%get3A, %get3A_0] : memref<4096x128xf32, #tpu.memory_space<vmem>>, vector<4096x128xf32>
    %iota3A = tpu.iota {dimensions = array<i32: 0>} : vector<4096x1xi32>
    %reshape3A = vector.shape_cast %get3A_1 : vector<4096x128xf32> to vector<128x2x1x2x8x128xf32>
    %slice3A = vector.extract_strided_slice %reshape3A {offsets = [0, 0, 0, 0, 0, 0], sizes = [128, 1, 1, 1, 8, 128], strides = [1, 1, 1, 1, 1, 1]} : vector<128x2x1x2x8x128xf32> to vector<128x1x1x1x8x128xf32>
    %squeeze3A = vector.shape_cast %slice3A : vector<128x1x1x1x8x128xf32> to vector<128x1x8x128xf32>
    %slice3A_2 = vector.extract_strided_slice %reshape3A {offsets = [0, 0, 0, 1, 0, 0], sizes = [128, 1, 1, 1, 8, 128], strides = [1, 1, 1, 1, 1, 1]} : vector<128x2x1x2x8x128xf32> to vector<128x1x1x1x8x128xf32>
    %squeeze3A_3 = vector.shape_cast %slice3A_2 : vector<128x1x1x1x8x128xf32> to vector<128x1x8x128xf32>
    %max3A = arith.maximumf %squeeze3A, %squeeze3A_3 : vector<128x1x8x128xf32>
    %slice3A_4 = vector.extract_strided_slice %reshape3A {offsets = [0, 0, 0, 0, 0, 0], sizes = [128, 1, 1, 1, 8, 128], strides = [1, 1, 1, 1, 1, 1]} : vector<128x2x1x2x8x128xf32> to vector<128x1x1x1x8x128xf32>
    %squeeze3A_5 = vector.shape_cast %slice3A_4 : vector<128x1x1x1x8x128xf32> to vector<128x1x8x128xf32>
    %slice3A_6 = vector.extract_strided_slice %reshape3A {offsets = [0, 0, 0, 1, 0, 0], sizes = [128, 1, 1, 1, 8, 128], strides = [1, 1, 1, 1, 1, 1]} : vector<128x2x1x2x8x128xf32> to vector<128x1x1x1x8x128xf32>
    %squeeze3A_7 = vector.shape_cast %slice3A_6 : vector<128x1x1x1x8x128xf32> to vector<128x1x8x128xf32>
    %min3A = arith.minimumf %squeeze3A_5, %squeeze3A_7 : vector<128x1x8x128xf32>
    %slice3A_8 = vector.extract_strided_slice %reshape3A {offsets = [0, 1, 0, 0, 0, 0], sizes = [128, 1, 1, 1, 8, 128], strides = [1, 1, 1, 1, 1, 1]} : vector<128x2x1x2x8x128xf32> to vector<128x1x1x1x8x128xf32>
    %squeeze3A_9 = vector.shape_cast %slice3A_8 : vector<128x1x1x1x8x128xf32> to vector<128x1x8x128xf32>
    %slice3A_10 = vector.extract_strided_slice %reshape3A {offsets = [0, 1, 0, 1, 0, 0], sizes = [128, 1, 1, 1, 8, 128], strides = [1, 1, 1, 1, 1, 1]} : vector<128x2x1x2x8x128xf32> to vector<128x1x1x1x8x128xf32>
    %squeeze3A_11 = vector.shape_cast %slice3A_10 : vector<128x1x1x1x8x128xf32> to vector<128x1x8x128xf32>
    %min3A_12 = arith.minimumf %squeeze3A_9, %squeeze3A_11 : vector<128x1x8x128xf32>
    %slice3A_13 = vector.extract_strided_slice %reshape3A {offsets = [0, 1, 0, 0, 0, 0], sizes = [128, 1, 1, 1, 8, 128], strides = [1, 1, 1, 1, 1, 1]} : vector<128x2x1x2x8x128xf32> to vector<128x1x1x1x8x128xf32>
    %squeeze3A_14 = vector.shape_cast %slice3A_13 : vector<128x1x1x1x8x128xf32> to vector<128x1x8x128xf32>
    %slice3A_15 = vector.extract_strided_slice %reshape3A {offsets = [0, 1, 0, 1, 0, 0], sizes = [128, 1, 1, 1, 8, 128], strides = [1, 1, 1, 1, 1, 1]} : vector<128x2x1x2x8x128xf32> to vector<128x1x1x1x8x128xf32>
    %squeeze3A_16 = vector.shape_cast %slice3A_15 : vector<128x1x1x1x8x128xf32> to vector<128x1x8x128xf32>
    %max3A_17 = arith.maximumf %squeeze3A_14, %squeeze3A_16 : vector<128x1x8x128xf32>
    %broadcast_in_dim3A = vector.shape_cast %max3A : vector<128x1x8x128xf32> to vector<128x1x1x8x128xf32>
    %broadcast_in_dim3A_18 = vector.shape_cast %min3A : vector<128x1x8x128xf32> to vector<128x1x1x8x128xf32>
    %concatenate3A = tpu.concatenate %broadcast_in_dim3A, %broadcast_in_dim3A_18 in 2 : vector<128x1x1x8x128xf32>, vector<128x1x1x8x128xf32> -> vector<128x1x2x8x128xf32>
    %broadcast_in_dim3A_19 = vector.shape_cast %min3A_12 : vector<128x1x8x128xf32> to vector<128x1x1x8x128xf32>
    %broadcast_in_dim3A_20 = vector.shape_cast %max3A_17 : vector<128x1x8x128xf32> to vector<128x1x1x8x128xf32>
    %concatenate3A_21 = tpu.concatenate %broadcast_in_dim3A_19, %broadcast_in_dim3A_20 in 2 : vector<128x1x1x8x128xf32>, vector<128x1x1x8x128xf32> -> vector<128x1x2x8x128xf32>
    %broadcast_in_dim3A_22 = vector.shape_cast %concatenate3A : vector<128x1x2x8x128xf32> to vector<128x1x1x2x8x128xf32>
    %broadcast_in_dim3A_23 = vector.shape_cast %concatenate3A_21 : vector<128x1x2x8x128xf32> to vector<128x1x1x2x8x128xf32>
    %concatenate3A_24 = tpu.concatenate %broadcast_in_dim3A_22, %broadcast_in_dim3A_23 in 1 : vector<128x1x1x2x8x128xf32>, vector<128x1x1x2x8x128xf32> -> vector<128x2x1x2x8x128xf32>
    %reshape3A_25 = vector.shape_cast %concatenate3A_24 : vector<128x2x1x2x8x128xf32> to vector<4096x128xf32>
    %reshape3A_26 = vector.shape_cast %reshape3A_25 : vector<4096x128xf32> to vector<64x2x1x2x16x128xf32>
    %slice3A_27 = vector.extract_strided_slice %reshape3A_26 {offsets = [0, 0, 0, 0, 0, 0], sizes = [64, 1, 1, 1, 16, 128], strides = [1, 1, 1, 1, 1, 1]} : vector<64x2x1x2x16x128xf32> to vector<64x1x1x1x16x128xf32>
    %squeeze3A_28 = vector.shape_cast %slice3A_27 : vector<64x1x1x1x16x128xf32> to vector<64x1x16x128xf32>
    %slice3A_29 = vector.extract_strided_slice %reshape3A_26 {offsets = [0, 0, 0, 1, 0, 0], sizes = [64, 1, 1, 1, 16, 128], strides = [1, 1, 1, 1, 1, 1]} : vector<64x2x1x2x16x128xf32> to vector<64x1x1x1x16x128xf32>
    %squeeze3A_30 = vector.shape_cast %slice3A_29 : vector<64x1x1x1x16x128xf32> to vector<64x1x16x128xf32>
    %max3A_31 = arith.maximumf %squeeze3A_28, %squeeze3A_30 : vector<64x1x16x128xf32>
    %slice3A_32 = vector.extract_strided_slice %reshape3A_26 {offsets = [0, 0, 0, 0, 0, 0], sizes = [64, 1, 1, 1, 16, 128], strides = [1, 1, 1, 1, 1, 1]} : vector<64x2x1x2x16x128xf32> to vector<64x1x1x1x16x128xf32>
    %squeeze3A_33 = vector.shape_cast %slice3A_32 : vector<64x1x1x1x16x128xf32> to vector<64x1x16x128xf32>
    %slice3A_34 = vector.extract_strided_slice %reshape3A_26 {offsets = [0, 0, 0, 1, 0, 0], sizes = [64, 1, 1, 1, 16, 128], strides = [1, 1, 1, 1, 1, 1]} : vector<64x2x1x2x16x128xf32> to vector<64x1x1x1x16x128xf32>
    %squeeze3A_35 = vector.shape_cast %slice3A_34 : vector<64x1x1x1x16x128xf32> to vector<64x1x16x128xf32>
    %min3A_36 = arith.minimumf %squeeze3A_33, %squeeze3A_35 : vector<64x1x16x128xf32>
    %slice3A_37 = vector.extract_strided_slice %reshape3A_26 {offsets = [0, 1, 0, 0, 0, 0], sizes = [64, 1, 1, 1, 16, 128], strides = [1, 1, 1, 1, 1, 1]} : vector<64x2x1x2x16x128xf32> to vector<64x1x1x1x16x128xf32>
    %squeeze3A_38 = vector.shape_cast %slice3A_37 : vector<64x1x1x1x16x128xf32> to vector<64x1x16x128xf32>
    %slice3A_39 = vector.extract_strided_slice %reshape3A_26 {offsets = [0, 1, 0, 1, 0, 0], sizes = [64, 1, 1, 1, 16, 128], strides = [1, 1, 1, 1, 1, 1]} : vector<64x2x1x2x16x128xf32> to vector<64x1x1x1x16x128xf32>
    %squeeze3A_40 = vector.shape_cast %slice3A_39 : vector<64x1x1x1x16x128xf32> to vector<64x1x16x128xf32>
    %min3A_41 = arith.minimumf %squeeze3A_38, %squeeze3A_40 : vector<64x1x16x128xf32>
    %slice3A_42 = vector.extract_strided_slice %reshape3A_26 {offsets = [0, 1, 0, 0, 0, 0], sizes = [64, 1, 1, 1, 16, 128], strides = [1, 1, 1, 1, 1, 1]} : vector<64x2x1x2x16x128xf32> to vector<64x1x1x1x16x128xf32>
    %squeeze3A_43 = vector.shape_cast %slice3A_42 : vector<64x1x1x1x16x128xf32> to vector<64x1x16x128xf32>
    %slice3A_44 = vector.extract_strided_slice %reshape3A_26 {offsets = [0, 1, 0, 1, 0, 0], sizes = [64, 1, 1, 1, 16, 128], strides = [1, 1, 1, 1, 1, 1]} : vector<64x2x1x2x16x128xf32> to vector<64x1x1x1x16x128xf32>
    %squeeze3A_45 = vector.shape_cast %slice3A_44 : vector<64x1x1x1x16x128xf32> to vector<64x1x16x128xf32>
    %max3A_46 = arith.maximumf %squeeze3A_43, %squeeze3A_45 : vector<64x1x16x128xf32>
    %broadcast_in_dim3A_47 = vector.shape_cast %max3A_31 : vector<64x1x16x128xf32> to vector<64x1x1x16x128xf32>
    %broadcast_in_dim3A_48 = vector.shape_cast %min3A_36 : vector<64x1x16x128xf32> to vector<64x1x1x16x128xf32>
    %concatenate3A_49 = tpu.concatenate %broadcast_in_dim3A_47, %broadcast_in_dim3A_48 in 2 : vector<64x1x1x16x128xf32>, vector<64x1x1x16x128xf32> -> vector<64x1x2x16x128xf32>
    %broadcast_in_dim3A_50 = vector.shape_cast %min3A_41 : vector<64x1x16x128xf32> to vector<64x1x1x16x128xf32>
    %broadcast_in_dim3A_51 = vector.shape_cast %max3A_46 : vector<64x1x16x128xf32> to vector<64x1x1x16x128xf32>
    %concatenate3A_52 = tpu.concatenate %broadcast_in_dim3A_50, %broadcast_in_dim3A_51 in 2 : vector<64x1x1x16x128xf32>, vector<64x1x1x16x128xf32> -> vector<64x1x2x16x128xf32>
    %broadcast_in_dim3A_53 = vector.shape_cast %concatenate3A_49 : vector<64x1x2x16x128xf32> to vector<64x1x1x2x16x128xf32>
    %broadcast_in_dim3A_54 = vector.shape_cast %concatenate3A_52 : vector<64x1x2x16x128xf32> to vector<64x1x1x2x16x128xf32>
    %concatenate3A_55 = tpu.concatenate %broadcast_in_dim3A_53, %broadcast_in_dim3A_54 in 1 : vector<64x1x1x2x16x128xf32>, vector<64x1x1x2x16x128xf32> -> vector<64x2x1x2x16x128xf32>
    %reshape3A_56 = vector.shape_cast %concatenate3A_55 : vector<64x2x1x2x16x128xf32> to vector<4096x128xf32>
    %reshape3A_57 = vector.shape_cast %reshape3A_56 : vector<4096x128xf32> to vector<64x2x2x2x8x128xf32>
    %slice3A_58 = vector.extract_strided_slice %reshape3A_57 {offsets = [0, 0, 0, 0, 0, 0], sizes = [64, 1, 2, 1, 8, 128], strides = [1, 1, 1, 1, 1, 1]} : vector<64x2x2x2x8x128xf32> to vector<64x1x2x1x8x128xf32>
    %squeeze3A_59 = vector.shape_cast %slice3A_58 : vector<64x1x2x1x8x128xf32> to vector<64x2x8x128xf32>
    %slice3A_60 = vector.extract_strided_slice %reshape3A_57 {offsets = [0, 0, 0, 1, 0, 0], sizes = [64, 1, 2, 1, 8, 128], strides = [1, 1, 1, 1, 1, 1]} : vector<64x2x2x2x8x128xf32> to vector<64x1x2x1x8x128xf32>
    %squeeze3A_61 = vector.shape_cast %slice3A_60 : vector<64x1x2x1x8x128xf32> to vector<64x2x8x128xf32>
    %max3A_62 = arith.maximumf %squeeze3A_59, %squeeze3A_61 : vector<64x2x8x128xf32>
    %slice3A_63 = vector.extract_strided_slice %reshape3A_57 {offsets = [0, 0, 0, 0, 0, 0], sizes = [64, 1, 2, 1, 8, 128], strides = [1, 1, 1, 1, 1, 1]} : vector<64x2x2x2x8x128xf32> to vector<64x1x2x1x8x128xf32>
    %squeeze3A_64 = vector.shape_cast %slice3A_63 : vector<64x1x2x1x8x128xf32> to vector<64x2x8x128xf32>
    %slice3A_65 = vector.extract_strided_slice %reshape3A_57 {offsets = [0, 0, 0, 1, 0, 0], sizes = [64, 1, 2, 1, 8, 128], strides = [1, 1, 1, 1, 1, 1]} : vector<64x2x2x2x8x128xf32> to vector<64x1x2x1x8x128xf32>
    %squeeze3A_66 = vector.shape_cast %slice3A_65 : vector<64x1x2x1x8x128xf32> to vector<64x2x8x128xf32>
    %min3A_67 = arith.minimumf %squeeze3A_64, %squeeze3A_66 : vector<64x2x8x128xf32>
    %slice3A_68 = vector.extract_strided_slice %reshape3A_57 {offsets = [0, 1, 0, 0, 0, 0], sizes = [64, 1, 2, 1, 8, 128], strides = [1, 1, 1, 1, 1, 1]} : vector<64x2x2x2x8x128xf32> to vector<64x1x2x1x8x128xf32>
    %squeeze3A_69 = vector.shape_cast %slice3A_68 : vector<64x1x2x1x8x128xf32> to vector<64x2x8x128xf32>
    %slice3A_70 = vector.extract_strided_slice %reshape3A_57 {offsets = [0, 1, 0, 1, 0, 0], sizes = [64, 1, 2, 1, 8, 128], strides = [1, 1, 1, 1, 1, 1]} : vector<64x2x2x2x8x128xf32> to vector<64x1x2x1x8x128xf32>
    %squeeze3A_71 = vector.shape_cast %slice3A_70 : vector<64x1x2x1x8x128xf32> to vector<64x2x8x128xf32>
    %min3A_72 = arith.minimumf %squeeze3A_69, %squeeze3A_71 : vector<64x2x8x128xf32>
    %slice3A_73 = vector.extract_strided_slice %reshape3A_57 {offsets = [0, 1, 0, 0, 0, 0], sizes = [64, 1, 2, 1, 8, 128], strides = [1, 1, 1, 1, 1, 1]} : vector<64x2x2x2x8x128xf32> to vector<64x1x2x1x8x128xf32>
    %squeeze3A_74 = vector.shape_cast %slice3A_73 : vector<64x1x2x1x8x128xf32> to vector<64x2x8x128xf32>
    %slice3A_75 = vector.extract_strided_slice %reshape3A_57 {offsets = [0, 1, 0, 1, 0, 0], sizes = [64, 1, 2, 1, 8, 128], strides = [1, 1, 1, 1, 1, 1]} : vector<64x2x2x2x8x128xf32> to vector<64x1x2x1x8x128xf32>
    %squeeze3A_76 = vector.shape_cast %slice3A_75 : vector<64x1x2x1x8x128xf32> to vector<64x2x8x128xf32>
    %max3A_77 = arith.maximumf %squeeze3A_74, %squeeze3A_76 : vector<64x2x8x128xf32>
    %broadcast_in_dim3A_78 = vector.shape_cast %max3A_62 : vector<64x2x8x128xf32> to vector<64x2x1x8x128xf32>
    %broadcast_in_dim3A_79 = vector.shape_cast %min3A_67 : vector<64x2x8x128xf32> to vector<64x2x1x8x128xf32>
    %concatenate3A_80 = tpu.concatenate %broadcast_in_dim3A_78, %broadcast_in_dim3A_79 in 2 : vector<64x2x1x8x128xf32>, vector<64x2x1x8x128xf32> -> vector<64x2x2x8x128xf32>
    %broadcast_in_dim3A_81 = vector.shape_cast %min3A_72 : vector<64x2x8x128xf32> to vector<64x2x1x8x128xf32>
    %broadcast_in_dim3A_82 = vector.shape_cast %max3A_77 : vector<64x2x8x128xf32> to vector<64x2x1x8x128xf32>
    %concatenate3A_83 = tpu.concatenate %broadcast_in_dim3A_81, %broadcast_in_dim3A_82 in 2 : vector<64x2x1x8x128xf32>, vector<64x2x1x8x128xf32> -> vector<64x2x2x8x128xf32>
    %broadcast_in_dim3A_84 = vector.shape_cast %concatenate3A_80 : vector<64x2x2x8x128xf32> to vector<64x1x2x2x8x128xf32>
    %broadcast_in_dim3A_85 = vector.shape_cast %concatenate3A_83 : vector<64x2x2x8x128xf32> to vector<64x1x2x2x8x128xf32>
    %concatenate3A_86 = tpu.concatenate %broadcast_in_dim3A_84, %broadcast_in_dim3A_85 in 1 : vector<64x1x2x2x8x128xf32>, vector<64x1x2x2x8x128xf32> -> vector<64x2x2x2x8x128xf32>
    %reshape3A_87 = vector.shape_cast %concatenate3A_86 : vector<64x2x2x2x8x128xf32> to vector<4096x128xf32>
    %reshape3A_88 = vector.shape_cast %reshape3A_87 : vector<4096x128xf32> to vector<32x2x1x2x32x128xf32>
    %slice3A_89 = vector.extract_strided_slice %reshape3A_88 {offsets = [0, 0, 0, 0, 0, 0], sizes = [32, 1, 1, 1, 32, 128], strides = [1, 1, 1, 1, 1, 1]} : vector<32x2x1x2x32x128xf32> to vector<32x1x1x1x32x128xf32>
    %squeeze3A_90 = vector.shape_cast %slice3A_89 : vector<32x1x1x1x32x128xf32> to vector<32x1x32x128xf32>
    %slice3A_91 = vector.extract_strided_slice %reshape3A_88 {offsets = [0, 0, 0, 1, 0, 0], sizes = [32, 1, 1, 1, 32, 128], strides = [1, 1, 1, 1, 1, 1]} : vector<32x2x1x2x32x128xf32> to vector<32x1x1x1x32x128xf32>
    %squeeze3A_92 = vector.shape_cast %slice3A_91 : vector<32x1x1x1x32x128xf32> to vector<32x1x32x128xf32>
    %max3A_93 = arith.maximumf %squeeze3A_90, %squeeze3A_92 : vector<32x1x32x128xf32>
    %slice3A_94 = vector.extract_strided_slice %reshape3A_88 {offsets = [0, 0, 0, 0, 0, 0], sizes = [32, 1, 1, 1, 32, 128], strides = [1, 1, 1, 1, 1, 1]} : vector<32x2x1x2x32x128xf32> to vector<32x1x1x1x32x128xf32>
    %squeeze3A_95 = vector.shape_cast %slice3A_94 : vector<32x1x1x1x32x128xf32> to vector<32x1x32x128xf32>
    %slice3A_96 = vector.extract_strided_slice %reshape3A_88 {offsets = [0, 0, 0, 1, 0, 0], sizes = [32, 1, 1, 1, 32, 128], strides = [1, 1, 1, 1, 1, 1]} : vector<32x2x1x2x32x128xf32> to vector<32x1x1x1x32x128xf32>
    %squeeze3A_97 = vector.shape_cast %slice3A_96 : vector<32x1x1x1x32x128xf32> to vector<32x1x32x128xf32>
    %min3A_98 = arith.minimumf %squeeze3A_95, %squeeze3A_97 : vector<32x1x32x128xf32>
    %slice3A_99 = vector.extract_strided_slice %reshape3A_88 {offsets = [0, 1, 0, 0, 0, 0], sizes = [32, 1, 1, 1, 32, 128], strides = [1, 1, 1, 1, 1, 1]} : vector<32x2x1x2x32x128xf32> to vector<32x1x1x1x32x128xf32>
    %squeeze3A_100 = vector.shape_cast %slice3A_99 : vector<32x1x1x1x32x128xf32> to vector<32x1x32x128xf32>
    %slice3A_101 = vector.extract_strided_slice %reshape3A_88 {offsets = [0, 1, 0, 1, 0, 0], sizes = [32, 1, 1, 1, 32, 128], strides = [1, 1, 1, 1, 1, 1]} : vector<32x2x1x2x32x128xf32> to vector<32x1x1x1x32x128xf32>
    %squeeze3A_102 = vector.shape_cast %slice3A_101 : vector<32x1x1x1x32x128xf32> to vector<32x1x32x128xf32>
    %min3A_103 = arith.minimumf %squeeze3A_100, %squeeze3A_102 : vector<32x1x32x128xf32>
    %slice3A_104 = vector.extract_strided_slice %reshape3A_88 {offsets = [0, 1, 0, 0, 0, 0], sizes = [32, 1, 1, 1, 32, 128], strides = [1, 1, 1, 1, 1, 1]} : vector<32x2x1x2x32x128xf32> to vector<32x1x1x1x32x128xf32>
    %squeeze3A_105 = vector.shape_cast %slice3A_104 : vector<32x1x1x1x32x128xf32> to vector<32x1x32x128xf32>
    %slice3A_106 = vector.extract_strided_slice %reshape3A_88 {offsets = [0, 1, 0, 1, 0, 0], sizes = [32, 1, 1, 1, 32, 128], strides = [1, 1, 1, 1, 1, 1]} : vector<32x2x1x2x32x128xf32> to vector<32x1x1x1x32x128xf32>
    %squeeze3A_107 = vector.shape_cast %slice3A_106 : vector<32x1x1x1x32x128xf32> to vector<32x1x32x128xf32>
    %max3A_108 = arith.maximumf %squeeze3A_105, %squeeze3A_107 : vector<32x1x32x128xf32>
    %broadcast_in_dim3A_109 = vector.shape_cast %max3A_93 : vector<32x1x32x128xf32> to vector<32x1x1x32x128xf32>
    %broadcast_in_dim3A_110 = vector.shape_cast %min3A_98 : vector<32x1x32x128xf32> to vector<32x1x1x32x128xf32>
    %concatenate3A_111 = tpu.concatenate %broadcast_in_dim3A_109, %broadcast_in_dim3A_110 in 2 : vector<32x1x1x32x128xf32>, vector<32x1x1x32x128xf32> -> vector<32x1x2x32x128xf32>
    %broadcast_in_dim3A_112 = vector.shape_cast %min3A_103 : vector<32x1x32x128xf32> to vector<32x1x1x32x128xf32>
    %broadcast_in_dim3A_113 = vector.shape_cast %max3A_108 : vector<32x1x32x128xf32> to vector<32x1x1x32x128xf32>
    %concatenate3A_114 = tpu.concatenate %broadcast_in_dim3A_112, %broadcast_in_dim3A_113 in 2 : vector<32x1x1x32x128xf32>, vector<32x1x1x32x128xf32> -> vector<32x1x2x32x128xf32>
    %broadcast_in_dim3A_115 = vector.shape_cast %concatenate3A_111 : vector<32x1x2x32x128xf32> to vector<32x1x1x2x32x128xf32>
    %broadcast_in_dim3A_116 = vector.shape_cast %concatenate3A_114 : vector<32x1x2x32x128xf32> to vector<32x1x1x2x32x128xf32>
    %concatenate3A_117 = tpu.concatenate %broadcast_in_dim3A_115, %broadcast_in_dim3A_116 in 1 : vector<32x1x1x2x32x128xf32>, vector<32x1x1x2x32x128xf32> -> vector<32x2x1x2x32x128xf32>
    %reshape3A_118 = vector.shape_cast %concatenate3A_117 : vector<32x2x1x2x32x128xf32> to vector<4096x128xf32>
    %reshape3A_119 = vector.shape_cast %reshape3A_118 : vector<4096x128xf32> to vector<32x2x2x2x16x128xf32>
    %slice3A_120 = vector.extract_strided_slice %reshape3A_119 {offsets = [0, 0, 0, 0, 0, 0], sizes = [32, 1, 2, 1, 16, 128], strides = [1, 1, 1, 1, 1, 1]} : vector<32x2x2x2x16x128xf32> to vector<32x1x2x1x16x128xf32>
    %squeeze3A_121 = vector.shape_cast %slice3A_120 : vector<32x1x2x1x16x128xf32> to vector<32x2x16x128xf32>
    %slice3A_122 = vector.extract_strided_slice %reshape3A_119 {offsets = [0, 0, 0, 1, 0, 0], sizes = [32, 1, 2, 1, 16, 128], strides = [1, 1, 1, 1, 1, 1]} : vector<32x2x2x2x16x128xf32> to vector<32x1x2x1x16x128xf32>
    %squeeze3A_123 = vector.shape_cast %slice3A_122 : vector<32x1x2x1x16x128xf32> to vector<32x2x16x128xf32>
    %max3A_124 = arith.maximumf %squeeze3A_121, %squeeze3A_123 : vector<32x2x16x128xf32>
    %slice3A_125 = vector.extract_strided_slice %reshape3A_119 {offsets = [0, 0, 0, 0, 0, 0], sizes = [32, 1, 2, 1, 16, 128], strides = [1, 1, 1, 1, 1, 1]} : vector<32x2x2x2x16x128xf32> to vector<32x1x2x1x16x128xf32>
    %squeeze3A_126 = vector.shape_cast %slice3A_125 : vector<32x1x2x1x16x128xf32> to vector<32x2x16x128xf32>
    %slice3A_127 = vector.extract_strided_slice %reshape3A_119 {offsets = [0, 0, 0, 1, 0, 0], sizes = [32, 1, 2, 1, 16, 128], strides = [1, 1, 1, 1, 1, 1]} : vector<32x2x2x2x16x128xf32> to vector<32x1x2x1x16x128xf32>
    %squeeze3A_128 = vector.shape_cast %slice3A_127 : vector<32x1x2x1x16x128xf32> to vector<32x2x16x128xf32>
    %min3A_129 = arith.minimumf %squeeze3A_126, %squeeze3A_128 : vector<32x2x16x128xf32>
    %slice3A_130 = vector.extract_strided_slice %reshape3A_119 {offsets = [0, 1, 0, 0, 0, 0], sizes = [32, 1, 2, 1, 16, 128], strides = [1, 1, 1, 1, 1, 1]} : vector<32x2x2x2x16x128xf32> to vector<32x1x2x1x16x128xf32>
    %squeeze3A_131 = vector.shape_cast %slice3A_130 : vector<32x1x2x1x16x128xf32> to vector<32x2x16x128xf32>
    %slice3A_132 = vector.extract_strided_slice %reshape3A_119 {offsets = [0, 1, 0, 1, 0, 0], sizes = [32, 1, 2, 1, 16, 128], strides = [1, 1, 1, 1, 1, 1]} : vector<32x2x2x2x16x128xf32> to vector<32x1x2x1x16x128xf32>
    %squeeze3A_133 = vector.shape_cast %slice3A_132 : vector<32x1x2x1x16x128xf32> to vector<32x2x16x128xf32>
    %min3A_134 = arith.minimumf %squeeze3A_131, %squeeze3A_133 : vector<32x2x16x128xf32>
    %slice3A_135 = vector.extract_strided_slice %reshape3A_119 {offsets = [0, 1, 0, 0, 0, 0], sizes = [32, 1, 2, 1, 16, 128], strides = [1, 1, 1, 1, 1, 1]} : vector<32x2x2x2x16x128xf32> to vector<32x1x2x1x16x128xf32>
    %squeeze3A_136 = vector.shape_cast %slice3A_135 : vector<32x1x2x1x16x128xf32> to vector<32x2x16x128xf32>
    %slice3A_137 = vector.extract_strided_slice %reshape3A_119 {offsets = [0, 1, 0, 1, 0, 0], sizes = [32, 1, 2, 1, 16, 128], strides = [1, 1, 1, 1, 1, 1]} : vector<32x2x2x2x16x128xf32> to vector<32x1x2x1x16x128xf32>
    %squeeze3A_138 = vector.shape_cast %slice3A_137 : vector<32x1x2x1x16x128xf32> to vector<32x2x16x128xf32>
    %max3A_139 = arith.maximumf %squeeze3A_136, %squeeze3A_138 : vector<32x2x16x128xf32>
    %broadcast_in_dim3A_140 = vector.shape_cast %max3A_124 : vector<32x2x16x128xf32> to vector<32x2x1x16x128xf32>
    %broadcast_in_dim3A_141 = vector.shape_cast %min3A_129 : vector<32x2x16x128xf32> to vector<32x2x1x16x128xf32>
    %concatenate3A_142 = tpu.concatenate %broadcast_in_dim3A_140, %broadcast_in_dim3A_141 in 2 : vector<32x2x1x16x128xf32>, vector<32x2x1x16x128xf32> -> vector<32x2x2x16x128xf32>
    %broadcast_in_dim3A_143 = vector.shape_cast %min3A_134 : vector<32x2x16x128xf32> to vector<32x2x1x16x128xf32>
    %broadcast_in_dim3A_144 = vector.shape_cast %max3A_139 : vector<32x2x16x128xf32> to vector<32x2x1x16x128xf32>
    %concatenate3A_145 = tpu.concatenate %broadcast_in_dim3A_143, %broadcast_in_dim3A_144 in 2 : vector<32x2x1x16x128xf32>, vector<32x2x1x16x128xf32> -> vector<32x2x2x16x128xf32>
    %broadcast_in_dim3A_146 = vector.shape_cast %concatenate3A_142 : vector<32x2x2x16x128xf32> to vector<32x1x2x2x16x128xf32>
    %broadcast_in_dim3A_147 = vector.shape_cast %concatenate3A_145 : vector<32x2x2x16x128xf32> to vector<32x1x2x2x16x128xf32>
    %concatenate3A_148 = tpu.concatenate %broadcast_in_dim3A_146, %broadcast_in_dim3A_147 in 1 : vector<32x1x2x2x16x128xf32>, vector<32x1x2x2x16x128xf32> -> vector<32x2x2x2x16x128xf32>
    %reshape3A_149 = vector.shape_cast %concatenate3A_148 : vector<32x2x2x2x16x128xf32> to vector<4096x128xf32>
    %reshape3A_150 = vector.shape_cast %reshape3A_149 : vector<4096x128xf32> to vector<32x2x4x2x8x128xf32>
    %slice3A_151 = vector.extract_strided_slice %reshape3A_150 {offsets = [0, 0, 0, 0, 0, 0], sizes = [32, 1, 4, 1, 8, 128], strides = [1, 1, 1, 1, 1, 1]} : vector<32x2x4x2x8x128xf32> to vector<32x1x4x1x8x128xf32>
    %squeeze3A_152 = vector.shape_cast %slice3A_151 : vector<32x1x4x1x8x128xf32> to vector<32x4x8x128xf32>
    %slice3A_153 = vector.extract_strided_slice %reshape3A_150 {offsets = [0, 0, 0, 1, 0, 0], sizes = [32, 1, 4, 1, 8, 128], strides = [1, 1, 1, 1, 1, 1]} : vector<32x2x4x2x8x128xf32> to vector<32x1x4x1x8x128xf32>
    %squeeze3A_154 = vector.shape_cast %slice3A_153 : vector<32x1x4x1x8x128xf32> to vector<32x4x8x128xf32>
    %max3A_155 = arith.maximumf %squeeze3A_152, %squeeze3A_154 : vector<32x4x8x128xf32>
    %slice3A_156 = vector.extract_strided_slice %reshape3A_150 {offsets = [0, 0, 0, 0, 0, 0], sizes = [32, 1, 4, 1, 8, 128], strides = [1, 1, 1, 1, 1, 1]} : vector<32x2x4x2x8x128xf32> to vector<32x1x4x1x8x128xf32>
    %squeeze3A_157 = vector.shape_cast %slice3A_156 : vector<32x1x4x1x8x128xf32> to vector<32x4x8x128xf32>
    %slice3A_158 = vector.extract_strided_slice %reshape3A_150 {offsets = [0, 0, 0, 1, 0, 0], sizes = [32, 1, 4, 1, 8, 128], strides = [1, 1, 1, 1, 1, 1]} : vector<32x2x4x2x8x128xf32> to vector<32x1x4x1x8x128xf32>
    %squeeze3A_159 = vector.shape_cast %slice3A_158 : vector<32x1x4x1x8x128xf32> to vector<32x4x8x128xf32>
    %min3A_160 = arith.minimumf %squeeze3A_157, %squeeze3A_159 : vector<32x4x8x128xf32>
    %slice3A_161 = vector.extract_strided_slice %reshape3A_150 {offsets = [0, 1, 0, 0, 0, 0], sizes = [32, 1, 4, 1, 8, 128], strides = [1, 1, 1, 1, 1, 1]} : vector<32x2x4x2x8x128xf32> to vector<32x1x4x1x8x128xf32>
    %squeeze3A_162 = vector.shape_cast %slice3A_161 : vector<32x1x4x1x8x128xf32> to vector<32x4x8x128xf32>
    %slice3A_163 = vector.extract_strided_slice %reshape3A_150 {offsets = [0, 1, 0, 1, 0, 0], sizes = [32, 1, 4, 1, 8, 128], strides = [1, 1, 1, 1, 1, 1]} : vector<32x2x4x2x8x128xf32> to vector<32x1x4x1x8x128xf32>
    %squeeze3A_164 = vector.shape_cast %slice3A_163 : vector<32x1x4x1x8x128xf32> to vector<32x4x8x128xf32>
    %min3A_165 = arith.minimumf %squeeze3A_162, %squeeze3A_164 : vector<32x4x8x128xf32>
    %slice3A_166 = vector.extract_strided_slice %reshape3A_150 {offsets = [0, 1, 0, 0, 0, 0], sizes = [32, 1, 4, 1, 8, 128], strides = [1, 1, 1, 1, 1, 1]} : vector<32x2x4x2x8x128xf32> to vector<32x1x4x1x8x128xf32>
    %squeeze3A_167 = vector.shape_cast %slice3A_166 : vector<32x1x4x1x8x128xf32> to vector<32x4x8x128xf32>
    %slice3A_168 = vector.extract_strided_slice %reshape3A_150 {offsets = [0, 1, 0, 1, 0, 0], sizes = [32, 1, 4, 1, 8, 128], strides = [1, 1, 1, 1, 1, 1]} : vector<32x2x4x2x8x128xf32> to vector<32x1x4x1x8x128xf32>
    %squeeze3A_169 = vector.shape_cast %slice3A_168 : vector<32x1x4x1x8x128xf32> to vector<32x4x8x128xf32>
    %max3A_170 = arith.maximumf %squeeze3A_167, %squeeze3A_169 : vector<32x4x8x128xf32>
    %broadcast_in_dim3A_171 = vector.shape_cast %max3A_155 : vector<32x4x8x128xf32> to vector<32x4x1x8x128xf32>
    %broadcast_in_dim3A_172 = vector.shape_cast %min3A_160 : vector<32x4x8x128xf32> to vector<32x4x1x8x128xf32>
    %concatenate3A_173 = tpu.concatenate %broadcast_in_dim3A_171, %broadcast_in_dim3A_172 in 2 : vector<32x4x1x8x128xf32>, vector<32x4x1x8x128xf32> -> vector<32x4x2x8x128xf32>
    %broadcast_in_dim3A_174 = vector.shape_cast %min3A_165 : vector<32x4x8x128xf32> to vector<32x4x1x8x128xf32>
    %broadcast_in_dim3A_175 = vector.shape_cast %max3A_170 : vector<32x4x8x128xf32> to vector<32x4x1x8x128xf32>
    %concatenate3A_176 = tpu.concatenate %broadcast_in_dim3A_174, %broadcast_in_dim3A_175 in 2 : vector<32x4x1x8x128xf32>, vector<32x4x1x8x128xf32> -> vector<32x4x2x8x128xf32>
    %broadcast_in_dim3A_177 = vector.shape_cast %concatenate3A_173 : vector<32x4x2x8x128xf32> to vector<32x1x4x2x8x128xf32>
    %broadcast_in_dim3A_178 = vector.shape_cast %concatenate3A_176 : vector<32x4x2x8x128xf32> to vector<32x1x4x2x8x128xf32>
    %concatenate3A_179 = tpu.concatenate %broadcast_in_dim3A_177, %broadcast_in_dim3A_178 in 1 : vector<32x1x4x2x8x128xf32>, vector<32x1x4x2x8x128xf32> -> vector<32x2x4x2x8x128xf32>
    %reshape3A_180 = vector.shape_cast %concatenate3A_179 : vector<32x2x4x2x8x128xf32> to vector<4096x128xf32>
    %reshape3A_181 = vector.shape_cast %reshape3A_180 : vector<4096x128xf32> to vector<16x2x1x2x64x128xf32>
    %slice3A_182 = vector.extract_strided_slice %reshape3A_181 {offsets = [0, 0, 0, 0, 0, 0], sizes = [16, 1, 1, 1, 64, 128], strides = [1, 1, 1, 1, 1, 1]} : vector<16x2x1x2x64x128xf32> to vector<16x1x1x1x64x128xf32>
    %squeeze3A_183 = vector.shape_cast %slice3A_182 : vector<16x1x1x1x64x128xf32> to vector<16x1x64x128xf32>
    %slice3A_184 = vector.extract_strided_slice %reshape3A_181 {offsets = [0, 0, 0, 1, 0, 0], sizes = [16, 1, 1, 1, 64, 128], strides = [1, 1, 1, 1, 1, 1]} : vector<16x2x1x2x64x128xf32> to vector<16x1x1x1x64x128xf32>
    %squeeze3A_185 = vector.shape_cast %slice3A_184 : vector<16x1x1x1x64x128xf32> to vector<16x1x64x128xf32>
    %max3A_186 = arith.maximumf %squeeze3A_183, %squeeze3A_185 : vector<16x1x64x128xf32>
    %slice3A_187 = vector.extract_strided_slice %reshape3A_181 {offsets = [0, 0, 0, 0, 0, 0], sizes = [16, 1, 1, 1, 64, 128], strides = [1, 1, 1, 1, 1, 1]} : vector<16x2x1x2x64x128xf32> to vector<16x1x1x1x64x128xf32>
    %squeeze3A_188 = vector.shape_cast %slice3A_187 : vector<16x1x1x1x64x128xf32> to vector<16x1x64x128xf32>
    %slice3A_189 = vector.extract_strided_slice %reshape3A_181 {offsets = [0, 0, 0, 1, 0, 0], sizes = [16, 1, 1, 1, 64, 128], strides = [1, 1, 1, 1, 1, 1]} : vector<16x2x1x2x64x128xf32> to vector<16x1x1x1x64x128xf32>
    %squeeze3A_190 = vector.shape_cast %slice3A_189 : vector<16x1x1x1x64x128xf32> to vector<16x1x64x128xf32>
    %min3A_191 = arith.minimumf %squeeze3A_188, %squeeze3A_190 : vector<16x1x64x128xf32>
    %slice3A_192 = vector.extract_strided_slice %reshape3A_181 {offsets = [0, 1, 0, 0, 0, 0], sizes = [16, 1, 1, 1, 64, 128], strides = [1, 1, 1, 1, 1, 1]} : vector<16x2x1x2x64x128xf32> to vector<16x1x1x1x64x128xf32>
    %squeeze3A_193 = vector.shape_cast %slice3A_192 : vector<16x1x1x1x64x128xf32> to vector<16x1x64x128xf32>
    %slice3A_194 = vector.extract_strided_slice %reshape3A_181 {offsets = [0, 1, 0, 1, 0, 0], sizes = [16, 1, 1, 1, 64, 128], strides = [1, 1, 1, 1, 1, 1]} : vector<16x2x1x2x64x128xf32> to vector<16x1x1x1x64x128xf32>
    %squeeze3A_195 = vector.shape_cast %slice3A_194 : vector<16x1x1x1x64x128xf32> to vector<16x1x64x128xf32>
    %min3A_196 = arith.minimumf %squeeze3A_193, %squeeze3A_195 : vector<16x1x64x128xf32>
    %slice3A_197 = vector.extract_strided_slice %reshape3A_181 {offsets = [0, 1, 0, 0, 0, 0], sizes = [16, 1, 1, 1, 64, 128], strides = [1, 1, 1, 1, 1, 1]} : vector<16x2x1x2x64x128xf32> to vector<16x1x1x1x64x128xf32>
    %squeeze3A_198 = vector.shape_cast %slice3A_197 : vector<16x1x1x1x64x128xf32> to vector<16x1x64x128xf32>
    %slice3A_199 = vector.extract_strided_slice %reshape3A_181 {offsets = [0, 1, 0, 1, 0, 0], sizes = [16, 1, 1, 1, 64, 128], strides = [1, 1, 1, 1, 1, 1]} : vector<16x2x1x2x64x128xf32> to vector<16x1x1x1x64x128xf32>
    %squeeze3A_200 = vector.shape_cast %slice3A_199 : vector<16x1x1x1x64x128xf32> to vector<16x1x64x128xf32>
    %max3A_201 = arith.maximumf %squeeze3A_198, %squeeze3A_200 : vector<16x1x64x128xf32>
    %broadcast_in_dim3A_202 = vector.shape_cast %max3A_186 : vector<16x1x64x128xf32> to vector<16x1x1x64x128xf32>
    %broadcast_in_dim3A_203 = vector.shape_cast %min3A_191 : vector<16x1x64x128xf32> to vector<16x1x1x64x128xf32>
    %concatenate3A_204 = tpu.concatenate %broadcast_in_dim3A_202, %broadcast_in_dim3A_203 in 2 : vector<16x1x1x64x128xf32>, vector<16x1x1x64x128xf32> -> vector<16x1x2x64x128xf32>
    %broadcast_in_dim3A_205 = vector.shape_cast %min3A_196 : vector<16x1x64x128xf32> to vector<16x1x1x64x128xf32>
    %broadcast_in_dim3A_206 = vector.shape_cast %max3A_201 : vector<16x1x64x128xf32> to vector<16x1x1x64x128xf32>
    %concatenate3A_207 = tpu.concatenate %broadcast_in_dim3A_205, %broadcast_in_dim3A_206 in 2 : vector<16x1x1x64x128xf32>, vector<16x1x1x64x128xf32> -> vector<16x1x2x64x128xf32>
    %broadcast_in_dim3A_208 = vector.shape_cast %concatenate3A_204 : vector<16x1x2x64x128xf32> to vector<16x1x1x2x64x128xf32>
    %broadcast_in_dim3A_209 = vector.shape_cast %concatenate3A_207 : vector<16x1x2x64x128xf32> to vector<16x1x1x2x64x128xf32>
    %concatenate3A_210 = tpu.concatenate %broadcast_in_dim3A_208, %broadcast_in_dim3A_209 in 1 : vector<16x1x1x2x64x128xf32>, vector<16x1x1x2x64x128xf32> -> vector<16x2x1x2x64x128xf32>
    %reshape3A_211 = vector.shape_cast %concatenate3A_210 : vector<16x2x1x2x64x128xf32> to vector<4096x128xf32>
    %reshape3A_212 = vector.shape_cast %reshape3A_211 : vector<4096x128xf32> to vector<16x2x2x2x32x128xf32>
    %slice3A_213 = vector.extract_strided_slice %reshape3A_212 {offsets = [0, 0, 0, 0, 0, 0], sizes = [16, 1, 2, 1, 32, 128], strides = [1, 1, 1, 1, 1, 1]} : vector<16x2x2x2x32x128xf32> to vector<16x1x2x1x32x128xf32>
    %squeeze3A_214 = vector.shape_cast %slice3A_213 : vector<16x1x2x1x32x128xf32> to vector<16x2x32x128xf32>
    %slice3A_215 = vector.extract_strided_slice %reshape3A_212 {offsets = [0, 0, 0, 1, 0, 0], sizes = [16, 1, 2, 1, 32, 128], strides = [1, 1, 1, 1, 1, 1]} : vector<16x2x2x2x32x128xf32> to vector<16x1x2x1x32x128xf32>
    %squeeze3A_216 = vector.shape_cast %slice3A_215 : vector<16x1x2x1x32x128xf32> to vector<16x2x32x128xf32>
    %max3A_217 = arith.maximumf %squeeze3A_214, %squeeze3A_216 : vector<16x2x32x128xf32>
    %slice3A_218 = vector.extract_strided_slice %reshape3A_212 {offsets = [0, 0, 0, 0, 0, 0], sizes = [16, 1, 2, 1, 32, 128], strides = [1, 1, 1, 1, 1, 1]} : vector<16x2x2x2x32x128xf32> to vector<16x1x2x1x32x128xf32>
    %squeeze3A_219 = vector.shape_cast %slice3A_218 : vector<16x1x2x1x32x128xf32> to vector<16x2x32x128xf32>
    %slice3A_220 = vector.extract_strided_slice %reshape3A_212 {offsets = [0, 0, 0, 1, 0, 0], sizes = [16, 1, 2, 1, 32, 128], strides = [1, 1, 1, 1, 1, 1]} : vector<16x2x2x2x32x128xf32> to vector<16x1x2x1x32x128xf32>
    %squeeze3A_221 = vector.shape_cast %slice3A_220 : vector<16x1x2x1x32x128xf32> to vector<16x2x32x128xf32>
    %min3A_222 = arith.minimumf %squeeze3A_219, %squeeze3A_221 : vector<16x2x32x128xf32>
    %slice3A_223 = vector.extract_strided_slice %reshape3A_212 {offsets = [0, 1, 0, 0, 0, 0], sizes = [16, 1, 2, 1, 32, 128], strides = [1, 1, 1, 1, 1, 1]} : vector<16x2x2x2x32x128xf32> to vector<16x1x2x1x32x128xf32>
    %squeeze3A_224 = vector.shape_cast %slice3A_223 : vector<16x1x2x1x32x128xf32> to vector<16x2x32x128xf32>
    %slice3A_225 = vector.extract_strided_slice %reshape3A_212 {offsets = [0, 1, 0, 1, 0, 0], sizes = [16, 1, 2, 1, 32, 128], strides = [1, 1, 1, 1, 1, 1]} : vector<16x2x2x2x32x128xf32> to vector<16x1x2x1x32x128xf32>
    %squeeze3A_226 = vector.shape_cast %slice3A_225 : vector<16x1x2x1x32x128xf32> to vector<16x2x32x128xf32>
    %min3A_227 = arith.minimumf %squeeze3A_224, %squeeze3A_226 : vector<16x2x32x128xf32>
    %slice3A_228 = vector.extract_strided_slice %reshape3A_212 {offsets = [0, 1, 0, 0, 0, 0], sizes = [16, 1, 2, 1, 32, 128], strides = [1, 1, 1, 1, 1, 1]} : vector<16x2x2x2x32x128xf32> to vector<16x1x2x1x32x128xf32>
    %squeeze3A_229 = vector.shape_cast %slice3A_228 : vector<16x1x2x1x32x128xf32> to vector<16x2x32x128xf32>
    %slice3A_230 = vector.extract_strided_slice %reshape3A_212 {offsets = [0, 1, 0, 1, 0, 0], sizes = [16, 1, 2, 1, 32, 128], strides = [1, 1, 1, 1, 1, 1]} : vector<16x2x2x2x32x128xf32> to vector<16x1x2x1x32x128xf32>
    %squeeze3A_231 = vector.shape_cast %slice3A_230 : vector<16x1x2x1x32x128xf32> to vector<16x2x32x128xf32>
    %max3A_232 = arith.maximumf %squeeze3A_229, %squeeze3A_231 : vector<16x2x32x128xf32>
    %broadcast_in_dim3A_233 = vector.shape_cast %max3A_217 : vector<16x2x32x128xf32> to vector<16x2x1x32x128xf32>
    %broadcast_in_dim3A_234 = vector.shape_cast %min3A_222 : vector<16x2x32x128xf32> to vector<16x2x1x32x128xf32>
    %concatenate3A_235 = tpu.concatenate %broadcast_in_dim3A_233, %broadcast_in_dim3A_234 in 2 : vector<16x2x1x32x128xf32>, vector<16x2x1x32x128xf32> -> vector<16x2x2x32x128xf32>
    %broadcast_in_dim3A_236 = vector.shape_cast %min3A_227 : vector<16x2x32x128xf32> to vector<16x2x1x32x128xf32>
    %broadcast_in_dim3A_237 = vector.shape_cast %max3A_232 : vector<16x2x32x128xf32> to vector<16x2x1x32x128xf32>
    %concatenate3A_238 = tpu.concatenate %broadcast_in_dim3A_236, %broadcast_in_dim3A_237 in 2 : vector<16x2x1x32x128xf32>, vector<16x2x1x32x128xf32> -> vector<16x2x2x32x128xf32>
    %broadcast_in_dim3A_239 = vector.shape_cast %concatenate3A_235 : vector<16x2x2x32x128xf32> to vector<16x1x2x2x32x128xf32>
    %broadcast_in_dim3A_240 = vector.shape_cast %concatenate3A_238 : vector<16x2x2x32x128xf32> to vector<16x1x2x2x32x128xf32>
    %concatenate3A_241 = tpu.concatenate %broadcast_in_dim3A_239, %broadcast_in_dim3A_240 in 1 : vector<16x1x2x2x32x128xf32>, vector<16x1x2x2x32x128xf32> -> vector<16x2x2x2x32x128xf32>
    %reshape3A_242 = vector.shape_cast %concatenate3A_241 : vector<16x2x2x2x32x128xf32> to vector<4096x128xf32>
    %reshape3A_243 = vector.shape_cast %reshape3A_242 : vector<4096x128xf32> to vector<16x2x4x2x16x128xf32>
    %slice3A_244 = vector.extract_strided_slice %reshape3A_243 {offsets = [0, 0, 0, 0, 0, 0], sizes = [16, 1, 4, 1, 16, 128], strides = [1, 1, 1, 1, 1, 1]} : vector<16x2x4x2x16x128xf32> to vector<16x1x4x1x16x128xf32>
    %squeeze3A_245 = vector.shape_cast %slice3A_244 : vector<16x1x4x1x16x128xf32> to vector<16x4x16x128xf32>
    %slice3A_246 = vector.extract_strided_slice %reshape3A_243 {offsets = [0, 0, 0, 1, 0, 0], sizes = [16, 1, 4, 1, 16, 128], strides = [1, 1, 1, 1, 1, 1]} : vector<16x2x4x2x16x128xf32> to vector<16x1x4x1x16x128xf32>
    %squeeze3A_247 = vector.shape_cast %slice3A_246 : vector<16x1x4x1x16x128xf32> to vector<16x4x16x128xf32>
    %max3A_248 = arith.maximumf %squeeze3A_245, %squeeze3A_247 : vector<16x4x16x128xf32>
    %slice3A_249 = vector.extract_strided_slice %reshape3A_243 {offsets = [0, 0, 0, 0, 0, 0], sizes = [16, 1, 4, 1, 16, 128], strides = [1, 1, 1, 1, 1, 1]} : vector<16x2x4x2x16x128xf32> to vector<16x1x4x1x16x128xf32>
    %squeeze3A_250 = vector.shape_cast %slice3A_249 : vector<16x1x4x1x16x128xf32> to vector<16x4x16x128xf32>
    %slice3A_251 = vector.extract_strided_slice %reshape3A_243 {offsets = [0, 0, 0, 1, 0, 0], sizes = [16, 1, 4, 1, 16, 128], strides = [1, 1, 1, 1, 1, 1]} : vector<16x2x4x2x16x128xf32> to vector<16x1x4x1x16x128xf32>
    %squeeze3A_252 = vector.shape_cast %slice3A_251 : vector<16x1x4x1x16x128xf32> to vector<16x4x16x128xf32>
    %min3A_253 = arith.minimumf %squeeze3A_250, %squeeze3A_252 : vector<16x4x16x128xf32>
    %slice3A_254 = vector.extract_strided_slice %reshape3A_243 {offsets = [0, 1, 0, 0, 0, 0], sizes = [16, 1, 4, 1, 16, 128], strides = [1, 1, 1, 1, 1, 1]} : vector<16x2x4x2x16x128xf32> to vector<16x1x4x1x16x128xf32>
    %squeeze3A_255 = vector.shape_cast %slice3A_254 : vector<16x1x4x1x16x128xf32> to vector<16x4x16x128xf32>
    %slice3A_256 = vector.extract_strided_slice %reshape3A_243 {offsets = [0, 1, 0, 1, 0, 0], sizes = [16, 1, 4, 1, 16, 128], strides = [1, 1, 1, 1, 1, 1]} : vector<16x2x4x2x16x128xf32> to vector<16x1x4x1x16x128xf32>
    %squeeze3A_257 = vector.shape_cast %slice3A_256 : vector<16x1x4x1x16x128xf32> to vector<16x4x16x128xf32>
    %min3A_258 = arith.minimumf %squeeze3A_255, %squeeze3A_257 : vector<16x4x16x128xf32>
    %slice3A_259 = vector.extract_strided_slice %reshape3A_243 {offsets = [0, 1, 0, 0, 0, 0], sizes = [16, 1, 4, 1, 16, 128], strides = [1, 1, 1, 1, 1, 1]} : vector<16x2x4x2x16x128xf32> to vector<16x1x4x1x16x128xf32>
    %squeeze3A_260 = vector.shape_cast %slice3A_259 : vector<16x1x4x1x16x128xf32> to vector<16x4x16x128xf32>
    %slice3A_261 = vector.extract_strided_slice %reshape3A_243 {offsets = [0, 1, 0, 1, 0, 0], sizes = [16, 1, 4, 1, 16, 128], strides = [1, 1, 1, 1, 1, 1]} : vector<16x2x4x2x16x128xf32> to vector<16x1x4x1x16x128xf32>
    %squeeze3A_262 = vector.shape_cast %slice3A_261 : vector<16x1x4x1x16x128xf32> to vector<16x4x16x128xf32>
    %max3A_263 = arith.maximumf %squeeze3A_260, %squeeze3A_262 : vector<16x4x16x128xf32>
    %broadcast_in_dim3A_264 = vector.shape_cast %max3A_248 : vector<16x4x16x128xf32> to vector<16x4x1x16x128xf32>
    %broadcast_in_dim3A_265 = vector.shape_cast %min3A_253 : vector<16x4x16x128xf32> to vector<16x4x1x16x128xf32>
    %concatenate3A_266 = tpu.concatenate %broadcast_in_dim3A_264, %broadcast_in_dim3A_265 in 2 : vector<16x4x1x16x128xf32>, vector<16x4x1x16x128xf32> -> vector<16x4x2x16x128xf32>
    %broadcast_in_dim3A_267 = vector.shape_cast %min3A_258 : vector<16x4x16x128xf32> to vector<16x4x1x16x128xf32>
    %broadcast_in_dim3A_268 = vector.shape_cast %max3A_263 : vector<16x4x16x128xf32> to vector<16x4x1x16x128xf32>
    %concatenate3A_269 = tpu.concatenate %broadcast_in_dim3A_267, %broadcast_in_dim3A_268 in 2 : vector<16x4x1x16x128xf32>, vector<16x4x1x16x128xf32> -> vector<16x4x2x16x128xf32>
    %broadcast_in_dim3A_270 = vector.shape_cast %concatenate3A_266 : vector<16x4x2x16x128xf32> to vector<16x1x4x2x16x128xf32>
    %broadcast_in_dim3A_271 = vector.shape_cast %concatenate3A_269 : vector<16x4x2x16x128xf32> to vector<16x1x4x2x16x128xf32>
    %concatenate3A_272 = tpu.concatenate %broadcast_in_dim3A_270, %broadcast_in_dim3A_271 in 1 : vector<16x1x4x2x16x128xf32>, vector<16x1x4x2x16x128xf32> -> vector<16x2x4x2x16x128xf32>
    %reshape3A_273 = vector.shape_cast %concatenate3A_272 : vector<16x2x4x2x16x128xf32> to vector<4096x128xf32>
    %reshape3A_274 = vector.shape_cast %reshape3A_273 : vector<4096x128xf32> to vector<16x2x8x2x8x128xf32>
    %slice3A_275 = vector.extract_strided_slice %reshape3A_274 {offsets = [0, 0, 0, 0, 0, 0], sizes = [16, 1, 8, 1, 8, 128], strides = [1, 1, 1, 1, 1, 1]} : vector<16x2x8x2x8x128xf32> to vector<16x1x8x1x8x128xf32>
    %squeeze3A_276 = vector.shape_cast %slice3A_275 : vector<16x1x8x1x8x128xf32> to vector<16x8x8x128xf32>
    %slice3A_277 = vector.extract_strided_slice %reshape3A_274 {offsets = [0, 0, 0, 1, 0, 0], sizes = [16, 1, 8, 1, 8, 128], strides = [1, 1, 1, 1, 1, 1]} : vector<16x2x8x2x8x128xf32> to vector<16x1x8x1x8x128xf32>
    %squeeze3A_278 = vector.shape_cast %slice3A_277 : vector<16x1x8x1x8x128xf32> to vector<16x8x8x128xf32>
    %max3A_279 = arith.maximumf %squeeze3A_276, %squeeze3A_278 : vector<16x8x8x128xf32>
    %slice3A_280 = vector.extract_strided_slice %reshape3A_274 {offsets = [0, 0, 0, 0, 0, 0], sizes = [16, 1, 8, 1, 8, 128], strides = [1, 1, 1, 1, 1, 1]} : vector<16x2x8x2x8x128xf32> to vector<16x1x8x1x8x128xf32>
    %squeeze3A_281 = vector.shape_cast %slice3A_280 : vector<16x1x8x1x8x128xf32> to vector<16x8x8x128xf32>
    %slice3A_282 = vector.extract_strided_slice %reshape3A_274 {offsets = [0, 0, 0, 1, 0, 0], sizes = [16, 1, 8, 1, 8, 128], strides = [1, 1, 1, 1, 1, 1]} : vector<16x2x8x2x8x128xf32> to vector<16x1x8x1x8x128xf32>
    %squeeze3A_283 = vector.shape_cast %slice3A_282 : vector<16x1x8x1x8x128xf32> to vector<16x8x8x128xf32>
    %min3A_284 = arith.minimumf %squeeze3A_281, %squeeze3A_283 : vector<16x8x8x128xf32>
    %slice3A_285 = vector.extract_strided_slice %reshape3A_274 {offsets = [0, 1, 0, 0, 0, 0], sizes = [16, 1, 8, 1, 8, 128], strides = [1, 1, 1, 1, 1, 1]} : vector<16x2x8x2x8x128xf32> to vector<16x1x8x1x8x128xf32>
    %squeeze3A_286 = vector.shape_cast %slice3A_285 : vector<16x1x8x1x8x128xf32> to vector<16x8x8x128xf32>
    %slice3A_287 = vector.extract_strided_slice %reshape3A_274 {offsets = [0, 1, 0, 1, 0, 0], sizes = [16, 1, 8, 1, 8, 128], strides = [1, 1, 1, 1, 1, 1]} : vector<16x2x8x2x8x128xf32> to vector<16x1x8x1x8x128xf32>
    %squeeze3A_288 = vector.shape_cast %slice3A_287 : vector<16x1x8x1x8x128xf32> to vector<16x8x8x128xf32>
    %min3A_289 = arith.minimumf %squeeze3A_286, %squeeze3A_288 : vector<16x8x8x128xf32>
    %slice3A_290 = vector.extract_strided_slice %reshape3A_274 {offsets = [0, 1, 0, 0, 0, 0], sizes = [16, 1, 8, 1, 8, 128], strides = [1, 1, 1, 1, 1, 1]} : vector<16x2x8x2x8x128xf32> to vector<16x1x8x1x8x128xf32>
    %squeeze3A_291 = vector.shape_cast %slice3A_290 : vector<16x1x8x1x8x128xf32> to vector<16x8x8x128xf32>
    %slice3A_292 = vector.extract_strided_slice %reshape3A_274 {offsets = [0, 1, 0, 1, 0, 0], sizes = [16, 1, 8, 1, 8, 128], strides = [1, 1, 1, 1, 1, 1]} : vector<16x2x8x2x8x128xf32> to vector<16x1x8x1x8x128xf32>
    %squeeze3A_293 = vector.shape_cast %slice3A_292 : vector<16x1x8x1x8x128xf32> to vector<16x8x8x128xf32>
    %max3A_294 = arith.maximumf %squeeze3A_291, %squeeze3A_293 : vector<16x8x8x128xf32>
    %broadcast_in_dim3A_295 = vector.shape_cast %max3A_279 : vector<16x8x8x128xf32> to vector<16x8x1x8x128xf32>
    %broadcast_in_dim3A_296 = vector.shape_cast %min3A_284 : vector<16x8x8x128xf32> to vector<16x8x1x8x128xf32>
    %concatenate3A_297 = tpu.concatenate %broadcast_in_dim3A_295, %broadcast_in_dim3A_296 in 2 : vector<16x8x1x8x128xf32>, vector<16x8x1x8x128xf32> -> vector<16x8x2x8x128xf32>
    %broadcast_in_dim3A_298 = vector.shape_cast %min3A_289 : vector<16x8x8x128xf32> to vector<16x8x1x8x128xf32>
    %broadcast_in_dim3A_299 = vector.shape_cast %max3A_294 : vector<16x8x8x128xf32> to vector<16x8x1x8x128xf32>
    %concatenate3A_300 = tpu.concatenate %broadcast_in_dim3A_298, %broadcast_in_dim3A_299 in 2 : vector<16x8x1x8x128xf32>, vector<16x8x1x8x128xf32> -> vector<16x8x2x8x128xf32>
    %broadcast_in_dim3A_301 = vector.shape_cast %concatenate3A_297 : vector<16x8x2x8x128xf32> to vector<16x1x8x2x8x128xf32>
    %broadcast_in_dim3A_302 = vector.shape_cast %concatenate3A_300 : vector<16x8x2x8x128xf32> to vector<16x1x8x2x8x128xf32>
    %concatenate3A_303 = tpu.concatenate %broadcast_in_dim3A_301, %broadcast_in_dim3A_302 in 1 : vector<16x1x8x2x8x128xf32>, vector<16x1x8x2x8x128xf32> -> vector<16x2x8x2x8x128xf32>
    %reshape3A_304 = vector.shape_cast %concatenate3A_303 : vector<16x2x8x2x8x128xf32> to vector<4096x128xf32>
    %reshape3A_305 = vector.shape_cast %reshape3A_304 : vector<4096x128xf32> to vector<8x2x1x2x128x128xf32>
    %slice3A_306 = vector.extract_strided_slice %reshape3A_305 {offsets = [0, 0, 0, 0, 0, 0], sizes = [8, 1, 1, 1, 128, 128], strides = [1, 1, 1, 1, 1, 1]} : vector<8x2x1x2x128x128xf32> to vector<8x1x1x1x128x128xf32>
    %squeeze3A_307 = vector.shape_cast %slice3A_306 : vector<8x1x1x1x128x128xf32> to vector<8x1x128x128xf32>
    %slice3A_308 = vector.extract_strided_slice %reshape3A_305 {offsets = [0, 0, 0, 1, 0, 0], sizes = [8, 1, 1, 1, 128, 128], strides = [1, 1, 1, 1, 1, 1]} : vector<8x2x1x2x128x128xf32> to vector<8x1x1x1x128x128xf32>
    %squeeze3A_309 = vector.shape_cast %slice3A_308 : vector<8x1x1x1x128x128xf32> to vector<8x1x128x128xf32>
    %max3A_310 = arith.maximumf %squeeze3A_307, %squeeze3A_309 : vector<8x1x128x128xf32>
    %slice3A_311 = vector.extract_strided_slice %reshape3A_305 {offsets = [0, 0, 0, 0, 0, 0], sizes = [8, 1, 1, 1, 128, 128], strides = [1, 1, 1, 1, 1, 1]} : vector<8x2x1x2x128x128xf32> to vector<8x1x1x1x128x128xf32>
    %squeeze3A_312 = vector.shape_cast %slice3A_311 : vector<8x1x1x1x128x128xf32> to vector<8x1x128x128xf32>
    %slice3A_313 = vector.extract_strided_slice %reshape3A_305 {offsets = [0, 0, 0, 1, 0, 0], sizes = [8, 1, 1, 1, 128, 128], strides = [1, 1, 1, 1, 1, 1]} : vector<8x2x1x2x128x128xf32> to vector<8x1x1x1x128x128xf32>
    %squeeze3A_314 = vector.shape_cast %slice3A_313 : vector<8x1x1x1x128x128xf32> to vector<8x1x128x128xf32>
    %min3A_315 = arith.minimumf %squeeze3A_312, %squeeze3A_314 : vector<8x1x128x128xf32>
    %slice3A_316 = vector.extract_strided_slice %reshape3A_305 {offsets = [0, 1, 0, 0, 0, 0], sizes = [8, 1, 1, 1, 128, 128], strides = [1, 1, 1, 1, 1, 1]} : vector<8x2x1x2x128x128xf32> to vector<8x1x1x1x128x128xf32>
    %squeeze3A_317 = vector.shape_cast %slice3A_316 : vector<8x1x1x1x128x128xf32> to vector<8x1x128x128xf32>
    %slice3A_318 = vector.extract_strided_slice %reshape3A_305 {offsets = [0, 1, 0, 1, 0, 0], sizes = [8, 1, 1, 1, 128, 128], strides = [1, 1, 1, 1, 1, 1]} : vector<8x2x1x2x128x128xf32> to vector<8x1x1x1x128x128xf32>
    %squeeze3A_319 = vector.shape_cast %slice3A_318 : vector<8x1x1x1x128x128xf32> to vector<8x1x128x128xf32>
    %min3A_320 = arith.minimumf %squeeze3A_317, %squeeze3A_319 : vector<8x1x128x128xf32>
    %slice3A_321 = vector.extract_strided_slice %reshape3A_305 {offsets = [0, 1, 0, 0, 0, 0], sizes = [8, 1, 1, 1, 128, 128], strides = [1, 1, 1, 1, 1, 1]} : vector<8x2x1x2x128x128xf32> to vector<8x1x1x1x128x128xf32>
    %squeeze3A_322 = vector.shape_cast %slice3A_321 : vector<8x1x1x1x128x128xf32> to vector<8x1x128x128xf32>
    %slice3A_323 = vector.extract_strided_slice %reshape3A_305 {offsets = [0, 1, 0, 1, 0, 0], sizes = [8, 1, 1, 1, 128, 128], strides = [1, 1, 1, 1, 1, 1]} : vector<8x2x1x2x128x128xf32> to vector<8x1x1x1x128x128xf32>
    %squeeze3A_324 = vector.shape_cast %slice3A_323 : vector<8x1x1x1x128x128xf32> to vector<8x1x128x128xf32>
    %max3A_325 = arith.maximumf %squeeze3A_322, %squeeze3A_324 : vector<8x1x128x128xf32>
    %broadcast_in_dim3A_326 = vector.shape_cast %max3A_310 : vector<8x1x128x128xf32> to vector<8x1x1x128x128xf32>
    %broadcast_in_dim3A_327 = vector.shape_cast %min3A_315 : vector<8x1x128x128xf32> to vector<8x1x1x128x128xf32>
    %concatenate3A_328 = tpu.concatenate %broadcast_in_dim3A_326, %broadcast_in_dim3A_327 in 2 : vector<8x1x1x128x128xf32>, vector<8x1x1x128x128xf32> -> vector<8x1x2x128x128xf32>
    %broadcast_in_dim3A_329 = vector.shape_cast %min3A_320 : vector<8x1x128x128xf32> to vector<8x1x1x128x128xf32>
    %broadcast_in_dim3A_330 = vector.shape_cast %max3A_325 : vector<8x1x128x128xf32> to vector<8x1x1x128x128xf32>
    %concatenate3A_331 = tpu.concatenate %broadcast_in_dim3A_329, %broadcast_in_dim3A_330 in 2 : vector<8x1x1x128x128xf32>, vector<8x1x1x128x128xf32> -> vector<8x1x2x128x128xf32>
    %broadcast_in_dim3A_332 = vector.shape_cast %concatenate3A_328 : vector<8x1x2x128x128xf32> to vector<8x1x1x2x128x128xf32>
    %broadcast_in_dim3A_333 = vector.shape_cast %concatenate3A_331 : vector<8x1x2x128x128xf32> to vector<8x1x1x2x128x128xf32>
    %concatenate3A_334 = tpu.concatenate %broadcast_in_dim3A_332, %broadcast_in_dim3A_333 in 1 : vector<8x1x1x2x128x128xf32>, vector<8x1x1x2x128x128xf32> -> vector<8x2x1x2x128x128xf32>
    %reshape3A_335 = vector.shape_cast %concatenate3A_334 : vector<8x2x1x2x128x128xf32> to vector<4096x128xf32>
    %reshape3A_336 = vector.shape_cast %reshape3A_335 : vector<4096x128xf32> to vector<8x2x2x2x64x128xf32>
    %slice3A_337 = vector.extract_strided_slice %reshape3A_336 {offsets = [0, 0, 0, 0, 0, 0], sizes = [8, 1, 2, 1, 64, 128], strides = [1, 1, 1, 1, 1, 1]} : vector<8x2x2x2x64x128xf32> to vector<8x1x2x1x64x128xf32>
    %squeeze3A_338 = vector.shape_cast %slice3A_337 : vector<8x1x2x1x64x128xf32> to vector<8x2x64x128xf32>
    %slice3A_339 = vector.extract_strided_slice %reshape3A_336 {offsets = [0, 0, 0, 1, 0, 0], sizes = [8, 1, 2, 1, 64, 128], strides = [1, 1, 1, 1, 1, 1]} : vector<8x2x2x2x64x128xf32> to vector<8x1x2x1x64x128xf32>
    %squeeze3A_340 = vector.shape_cast %slice3A_339 : vector<8x1x2x1x64x128xf32> to vector<8x2x64x128xf32>
    %max3A_341 = arith.maximumf %squeeze3A_338, %squeeze3A_340 : vector<8x2x64x128xf32>
    %slice3A_342 = vector.extract_strided_slice %reshape3A_336 {offsets = [0, 0, 0, 0, 0, 0], sizes = [8, 1, 2, 1, 64, 128], strides = [1, 1, 1, 1, 1, 1]} : vector<8x2x2x2x64x128xf32> to vector<8x1x2x1x64x128xf32>
    %squeeze3A_343 = vector.shape_cast %slice3A_342 : vector<8x1x2x1x64x128xf32> to vector<8x2x64x128xf32>
    %slice3A_344 = vector.extract_strided_slice %reshape3A_336 {offsets = [0, 0, 0, 1, 0, 0], sizes = [8, 1, 2, 1, 64, 128], strides = [1, 1, 1, 1, 1, 1]} : vector<8x2x2x2x64x128xf32> to vector<8x1x2x1x64x128xf32>
    %squeeze3A_345 = vector.shape_cast %slice3A_344 : vector<8x1x2x1x64x128xf32> to vector<8x2x64x128xf32>
    %min3A_346 = arith.minimumf %squeeze3A_343, %squeeze3A_345 : vector<8x2x64x128xf32>
    %slice3A_347 = vector.extract_strided_slice %reshape3A_336 {offsets = [0, 1, 0, 0, 0, 0], sizes = [8, 1, 2, 1, 64, 128], strides = [1, 1, 1, 1, 1, 1]} : vector<8x2x2x2x64x128xf32> to vector<8x1x2x1x64x128xf32>
    %squeeze3A_348 = vector.shape_cast %slice3A_347 : vector<8x1x2x1x64x128xf32> to vector<8x2x64x128xf32>
    %slice3A_349 = vector.extract_strided_slice %reshape3A_336 {offsets = [0, 1, 0, 1, 0, 0], sizes = [8, 1, 2, 1, 64, 128], strides = [1, 1, 1, 1, 1, 1]} : vector<8x2x2x2x64x128xf32> to vector<8x1x2x1x64x128xf32>
    %squeeze3A_350 = vector.shape_cast %slice3A_349 : vector<8x1x2x1x64x128xf32> to vector<8x2x64x128xf32>
    %min3A_351 = arith.minimumf %squeeze3A_348, %squeeze3A_350 : vector<8x2x64x128xf32>
    %slice3A_352 = vector.extract_strided_slice %reshape3A_336 {offsets = [0, 1, 0, 0, 0, 0], sizes = [8, 1, 2, 1, 64, 128], strides = [1, 1, 1, 1, 1, 1]} : vector<8x2x2x2x64x128xf32> to vector<8x1x2x1x64x128xf32>
    %squeeze3A_353 = vector.shape_cast %slice3A_352 : vector<8x1x2x1x64x128xf32> to vector<8x2x64x128xf32>
    %slice3A_354 = vector.extract_strided_slice %reshape3A_336 {offsets = [0, 1, 0, 1, 0, 0], sizes = [8, 1, 2, 1, 64, 128], strides = [1, 1, 1, 1, 1, 1]} : vector<8x2x2x2x64x128xf32> to vector<8x1x2x1x64x128xf32>
    %squeeze3A_355 = vector.shape_cast %slice3A_354 : vector<8x1x2x1x64x128xf32> to vector<8x2x64x128xf32>
    %max3A_356 = arith.maximumf %squeeze3A_353, %squeeze3A_355 : vector<8x2x64x128xf32>
    %broadcast_in_dim3A_357 = vector.shape_cast %max3A_341 : vector<8x2x64x128xf32> to vector<8x2x1x64x128xf32>
    %broadcast_in_dim3A_358 = vector.shape_cast %min3A_346 : vector<8x2x64x128xf32> to vector<8x2x1x64x128xf32>
    %concatenate3A_359 = tpu.concatenate %broadcast_in_dim3A_357, %broadcast_in_dim3A_358 in 2 : vector<8x2x1x64x128xf32>, vector<8x2x1x64x128xf32> -> vector<8x2x2x64x128xf32>
    %broadcast_in_dim3A_360 = vector.shape_cast %min3A_351 : vector<8x2x64x128xf32> to vector<8x2x1x64x128xf32>
    %broadcast_in_dim3A_361 = vector.shape_cast %max3A_356 : vector<8x2x64x128xf32> to vector<8x2x1x64x128xf32>
    %concatenate3A_362 = tpu.concatenate %broadcast_in_dim3A_360, %broadcast_in_dim3A_361 in 2 : vector<8x2x1x64x128xf32>, vector<8x2x1x64x128xf32> -> vector<8x2x2x64x128xf32>
    %broadcast_in_dim3A_363 = vector.shape_cast %concatenate3A_359 : vector<8x2x2x64x128xf32> to vector<8x1x2x2x64x128xf32>
    %broadcast_in_dim3A_364 = vector.shape_cast %concatenate3A_362 : vector<8x2x2x64x128xf32> to vector<8x1x2x2x64x128xf32>
    %concatenate3A_365 = tpu.concatenate %broadcast_in_dim3A_363, %broadcast_in_dim3A_364 in 1 : vector<8x1x2x2x64x128xf32>, vector<8x1x2x2x64x128xf32> -> vector<8x2x2x2x64x128xf32>
    %reshape3A_366 = vector.shape_cast %concatenate3A_365 : vector<8x2x2x2x64x128xf32> to vector<4096x128xf32>
    %reshape3A_367 = vector.shape_cast %reshape3A_366 : vector<4096x128xf32> to vector<8x2x4x2x32x128xf32>
    %slice3A_368 = vector.extract_strided_slice %reshape3A_367 {offsets = [0, 0, 0, 0, 0, 0], sizes = [8, 1, 4, 1, 32, 128], strides = [1, 1, 1, 1, 1, 1]} : vector<8x2x4x2x32x128xf32> to vector<8x1x4x1x32x128xf32>
    %squeeze3A_369 = vector.shape_cast %slice3A_368 : vector<8x1x4x1x32x128xf32> to vector<8x4x32x128xf32>
    %slice3A_370 = vector.extract_strided_slice %reshape3A_367 {offsets = [0, 0, 0, 1, 0, 0], sizes = [8, 1, 4, 1, 32, 128], strides = [1, 1, 1, 1, 1, 1]} : vector<8x2x4x2x32x128xf32> to vector<8x1x4x1x32x128xf32>
    %squeeze3A_371 = vector.shape_cast %slice3A_370 : vector<8x1x4x1x32x128xf32> to vector<8x4x32x128xf32>
    %max3A_372 = arith.maximumf %squeeze3A_369, %squeeze3A_371 : vector<8x4x32x128xf32>
    %slice3A_373 = vector.extract_strided_slice %reshape3A_367 {offsets = [0, 0, 0, 0, 0, 0], sizes = [8, 1, 4, 1, 32, 128], strides = [1, 1, 1, 1, 1, 1]} : vector<8x2x4x2x32x128xf32> to vector<8x1x4x1x32x128xf32>
    %squeeze3A_374 = vector.shape_cast %slice3A_373 : vector<8x1x4x1x32x128xf32> to vector<8x4x32x128xf32>
    %slice3A_375 = vector.extract_strided_slice %reshape3A_367 {offsets = [0, 0, 0, 1, 0, 0], sizes = [8, 1, 4, 1, 32, 128], strides = [1, 1, 1, 1, 1, 1]} : vector<8x2x4x2x32x128xf32> to vector<8x1x4x1x32x128xf32>
    %squeeze3A_376 = vector.shape_cast %slice3A_375 : vector<8x1x4x1x32x128xf32> to vector<8x4x32x128xf32>
    %min3A_377 = arith.minimumf %squeeze3A_374, %squeeze3A_376 : vector<8x4x32x128xf32>
    %slice3A_378 = vector.extract_strided_slice %reshape3A_367 {offsets = [0, 1, 0, 0, 0, 0], sizes = [8, 1, 4, 1, 32, 128], strides = [1, 1, 1, 1, 1, 1]} : vector<8x2x4x2x32x128xf32> to vector<8x1x4x1x32x128xf32>
    %squeeze3A_379 = vector.shape_cast %slice3A_378 : vector<8x1x4x1x32x128xf32> to vector<8x4x32x128xf32>
    %slice3A_380 = vector.extract_strided_slice %reshape3A_367 {offsets = [0, 1, 0, 1, 0, 0], sizes = [8, 1, 4, 1, 32, 128], strides = [1, 1, 1, 1, 1, 1]} : vector<8x2x4x2x32x128xf32> to vector<8x1x4x1x32x128xf32>
    %squeeze3A_381 = vector.shape_cast %slice3A_380 : vector<8x1x4x1x32x128xf32> to vector<8x4x32x128xf32>
    %min3A_382 = arith.minimumf %squeeze3A_379, %squeeze3A_381 : vector<8x4x32x128xf32>
    %slice3A_383 = vector.extract_strided_slice %reshape3A_367 {offsets = [0, 1, 0, 0, 0, 0], sizes = [8, 1, 4, 1, 32, 128], strides = [1, 1, 1, 1, 1, 1]} : vector<8x2x4x2x32x128xf32> to vector<8x1x4x1x32x128xf32>
    %squeeze3A_384 = vector.shape_cast %slice3A_383 : vector<8x1x4x1x32x128xf32> to vector<8x4x32x128xf32>
    %slice3A_385 = vector.extract_strided_slice %reshape3A_367 {offsets = [0, 1, 0, 1, 0, 0], sizes = [8, 1, 4, 1, 32, 128], strides = [1, 1, 1, 1, 1, 1]} : vector<8x2x4x2x32x128xf32> to vector<8x1x4x1x32x128xf32>
    %squeeze3A_386 = vector.shape_cast %slice3A_385 : vector<8x1x4x1x32x128xf32> to vector<8x4x32x128xf32>
    %max3A_387 = arith.maximumf %squeeze3A_384, %squeeze3A_386 : vector<8x4x32x128xf32>
    %broadcast_in_dim3A_388 = vector.shape_cast %max3A_372 : vector<8x4x32x128xf32> to vector<8x4x1x32x128xf32>
    %broadcast_in_dim3A_389 = vector.shape_cast %min3A_377 : vector<8x4x32x128xf32> to vector<8x4x1x32x128xf32>
    %concatenate3A_390 = tpu.concatenate %broadcast_in_dim3A_388, %broadcast_in_dim3A_389 in 2 : vector<8x4x1x32x128xf32>, vector<8x4x1x32x128xf32> -> vector<8x4x2x32x128xf32>
    %broadcast_in_dim3A_391 = vector.shape_cast %min3A_382 : vector<8x4x32x128xf32> to vector<8x4x1x32x128xf32>
    %broadcast_in_dim3A_392 = vector.shape_cast %max3A_387 : vector<8x4x32x128xf32> to vector<8x4x1x32x128xf32>
    %concatenate3A_393 = tpu.concatenate %broadcast_in_dim3A_391, %broadcast_in_dim3A_392 in 2 : vector<8x4x1x32x128xf32>, vector<8x4x1x32x128xf32> -> vector<8x4x2x32x128xf32>
    %broadcast_in_dim3A_394 = vector.shape_cast %concatenate3A_390 : vector<8x4x2x32x128xf32> to vector<8x1x4x2x32x128xf32>
    %broadcast_in_dim3A_395 = vector.shape_cast %concatenate3A_393 : vector<8x4x2x32x128xf32> to vector<8x1x4x2x32x128xf32>
    %concatenate3A_396 = tpu.concatenate %broadcast_in_dim3A_394, %broadcast_in_dim3A_395 in 1 : vector<8x1x4x2x32x128xf32>, vector<8x1x4x2x32x128xf32> -> vector<8x2x4x2x32x128xf32>
    %reshape3A_397 = vector.shape_cast %concatenate3A_396 : vector<8x2x4x2x32x128xf32> to vector<4096x128xf32>
    %reshape3A_398 = vector.shape_cast %reshape3A_397 : vector<4096x128xf32> to vector<8x2x8x2x16x128xf32>
    %slice3A_399 = vector.extract_strided_slice %reshape3A_398 {offsets = [0, 0, 0, 0, 0, 0], sizes = [8, 1, 8, 1, 16, 128], strides = [1, 1, 1, 1, 1, 1]} : vector<8x2x8x2x16x128xf32> to vector<8x1x8x1x16x128xf32>
    %squeeze3A_400 = vector.shape_cast %slice3A_399 : vector<8x1x8x1x16x128xf32> to vector<8x8x16x128xf32>
    %slice3A_401 = vector.extract_strided_slice %reshape3A_398 {offsets = [0, 0, 0, 1, 0, 0], sizes = [8, 1, 8, 1, 16, 128], strides = [1, 1, 1, 1, 1, 1]} : vector<8x2x8x2x16x128xf32> to vector<8x1x8x1x16x128xf32>
    %squeeze3A_402 = vector.shape_cast %slice3A_401 : vector<8x1x8x1x16x128xf32> to vector<8x8x16x128xf32>
    %max3A_403 = arith.maximumf %squeeze3A_400, %squeeze3A_402 : vector<8x8x16x128xf32>
    %slice3A_404 = vector.extract_strided_slice %reshape3A_398 {offsets = [0, 0, 0, 0, 0, 0], sizes = [8, 1, 8, 1, 16, 128], strides = [1, 1, 1, 1, 1, 1]} : vector<8x2x8x2x16x128xf32> to vector<8x1x8x1x16x128xf32>
    %squeeze3A_405 = vector.shape_cast %slice3A_404 : vector<8x1x8x1x16x128xf32> to vector<8x8x16x128xf32>
    %slice3A_406 = vector.extract_strided_slice %reshape3A_398 {offsets = [0, 0, 0, 1, 0, 0], sizes = [8, 1, 8, 1, 16, 128], strides = [1, 1, 1, 1, 1, 1]} : vector<8x2x8x2x16x128xf32> to vector<8x1x8x1x16x128xf32>
    %squeeze3A_407 = vector.shape_cast %slice3A_406 : vector<8x1x8x1x16x128xf32> to vector<8x8x16x128xf32>
    %min3A_408 = arith.minimumf %squeeze3A_405, %squeeze3A_407 : vector<8x8x16x128xf32>
    %slice3A_409 = vector.extract_strided_slice %reshape3A_398 {offsets = [0, 1, 0, 0, 0, 0], sizes = [8, 1, 8, 1, 16, 128], strides = [1, 1, 1, 1, 1, 1]} : vector<8x2x8x2x16x128xf32> to vector<8x1x8x1x16x128xf32>
    %squeeze3A_410 = vector.shape_cast %slice3A_409 : vector<8x1x8x1x16x128xf32> to vector<8x8x16x128xf32>
    %slice3A_411 = vector.extract_strided_slice %reshape3A_398 {offsets = [0, 1, 0, 1, 0, 0], sizes = [8, 1, 8, 1, 16, 128], strides = [1, 1, 1, 1, 1, 1]} : vector<8x2x8x2x16x128xf32> to vector<8x1x8x1x16x128xf32>
    %squeeze3A_412 = vector.shape_cast %slice3A_411 : vector<8x1x8x1x16x128xf32> to vector<8x8x16x128xf32>
    %min3A_413 = arith.minimumf %squeeze3A_410, %squeeze3A_412 : vector<8x8x16x128xf32>
    %slice3A_414 = vector.extract_strided_slice %reshape3A_398 {offsets = [0, 1, 0, 0, 0, 0], sizes = [8, 1, 8, 1, 16, 128], strides = [1, 1, 1, 1, 1, 1]} : vector<8x2x8x2x16x128xf32> to vector<8x1x8x1x16x128xf32>
    %squeeze3A_415 = vector.shape_cast %slice3A_414 : vector<8x1x8x1x16x128xf32> to vector<8x8x16x128xf32>
    %slice3A_416 = vector.extract_strided_slice %reshape3A_398 {offsets = [0, 1, 0, 1, 0, 0], sizes = [8, 1, 8, 1, 16, 128], strides = [1, 1, 1, 1, 1, 1]} : vector<8x2x8x2x16x128xf32> to vector<8x1x8x1x16x128xf32>
    %squeeze3A_417 = vector.shape_cast %slice3A_416 : vector<8x1x8x1x16x128xf32> to vector<8x8x16x128xf32>
    %max3A_418 = arith.maximumf %squeeze3A_415, %squeeze3A_417 : vector<8x8x16x128xf32>
    %broadcast_in_dim3A_419 = vector.shape_cast %max3A_403 : vector<8x8x16x128xf32> to vector<8x8x1x16x128xf32>
    %broadcast_in_dim3A_420 = vector.shape_cast %min3A_408 : vector<8x8x16x128xf32> to vector<8x8x1x16x128xf32>
    %concatenate3A_421 = tpu.concatenate %broadcast_in_dim3A_419, %broadcast_in_dim3A_420 in 2 : vector<8x8x1x16x128xf32>, vector<8x8x1x16x128xf32> -> vector<8x8x2x16x128xf32>
    %broadcast_in_dim3A_422 = vector.shape_cast %min3A_413 : vector<8x8x16x128xf32> to vector<8x8x1x16x128xf32>
    %broadcast_in_dim3A_423 = vector.shape_cast %max3A_418 : vector<8x8x16x128xf32> to vector<8x8x1x16x128xf32>
    %concatenate3A_424 = tpu.concatenate %broadcast_in_dim3A_422, %broadcast_in_dim3A_423 in 2 : vector<8x8x1x16x128xf32>, vector<8x8x1x16x128xf32> -> vector<8x8x2x16x128xf32>
    %broadcast_in_dim3A_425 = vector.shape_cast %concatenate3A_421 : vector<8x8x2x16x128xf32> to vector<8x1x8x2x16x128xf32>
    %broadcast_in_dim3A_426 = vector.shape_cast %concatenate3A_424 : vector<8x8x2x16x128xf32> to vector<8x1x8x2x16x128xf32>
    %concatenate3A_427 = tpu.concatenate %broadcast_in_dim3A_425, %broadcast_in_dim3A_426 in 1 : vector<8x1x8x2x16x128xf32>, vector<8x1x8x2x16x128xf32> -> vector<8x2x8x2x16x128xf32>
    %reshape3A_428 = vector.shape_cast %concatenate3A_427 : vector<8x2x8x2x16x128xf32> to vector<4096x128xf32>
    %reshape3A_429 = vector.shape_cast %reshape3A_428 : vector<4096x128xf32> to vector<8x2x16x2x8x128xf32>
    %slice3A_430 = vector.extract_strided_slice %reshape3A_429 {offsets = [0, 0, 0, 0, 0, 0], sizes = [8, 1, 16, 1, 8, 128], strides = [1, 1, 1, 1, 1, 1]} : vector<8x2x16x2x8x128xf32> to vector<8x1x16x1x8x128xf32>
    %squeeze3A_431 = vector.shape_cast %slice3A_430 : vector<8x1x16x1x8x128xf32> to vector<8x16x8x128xf32>
    %slice3A_432 = vector.extract_strided_slice %reshape3A_429 {offsets = [0, 0, 0, 1, 0, 0], sizes = [8, 1, 16, 1, 8, 128], strides = [1, 1, 1, 1, 1, 1]} : vector<8x2x16x2x8x128xf32> to vector<8x1x16x1x8x128xf32>
    %squeeze3A_433 = vector.shape_cast %slice3A_432 : vector<8x1x16x1x8x128xf32> to vector<8x16x8x128xf32>
    %max3A_434 = arith.maximumf %squeeze3A_431, %squeeze3A_433 : vector<8x16x8x128xf32>
    %slice3A_435 = vector.extract_strided_slice %reshape3A_429 {offsets = [0, 0, 0, 0, 0, 0], sizes = [8, 1, 16, 1, 8, 128], strides = [1, 1, 1, 1, 1, 1]} : vector<8x2x16x2x8x128xf32> to vector<8x1x16x1x8x128xf32>
    %squeeze3A_436 = vector.shape_cast %slice3A_435 : vector<8x1x16x1x8x128xf32> to vector<8x16x8x128xf32>
    %slice3A_437 = vector.extract_strided_slice %reshape3A_429 {offsets = [0, 0, 0, 1, 0, 0], sizes = [8, 1, 16, 1, 8, 128], strides = [1, 1, 1, 1, 1, 1]} : vector<8x2x16x2x8x128xf32> to vector<8x1x16x1x8x128xf32>
    %squeeze3A_438 = vector.shape_cast %slice3A_437 : vector<8x1x16x1x8x128xf32> to vector<8x16x8x128xf32>
    %min3A_439 = arith.minimumf %squeeze3A_436, %squeeze3A_438 : vector<8x16x8x128xf32>
    %slice3A_440 = vector.extract_strided_slice %reshape3A_429 {offsets = [0, 1, 0, 0, 0, 0], sizes = [8, 1, 16, 1, 8, 128], strides = [1, 1, 1, 1, 1, 1]} : vector<8x2x16x2x8x128xf32> to vector<8x1x16x1x8x128xf32>
    %squeeze3A_441 = vector.shape_cast %slice3A_440 : vector<8x1x16x1x8x128xf32> to vector<8x16x8x128xf32>
    %slice3A_442 = vector.extract_strided_slice %reshape3A_429 {offsets = [0, 1, 0, 1, 0, 0], sizes = [8, 1, 16, 1, 8, 128], strides = [1, 1, 1, 1, 1, 1]} : vector<8x2x16x2x8x128xf32> to vector<8x1x16x1x8x128xf32>
    %squeeze3A_443 = vector.shape_cast %slice3A_442 : vector<8x1x16x1x8x128xf32> to vector<8x16x8x128xf32>
    %min3A_444 = arith.minimumf %squeeze3A_441, %squeeze3A_443 : vector<8x16x8x128xf32>
    %slice3A_445 = vector.extract_strided_slice %reshape3A_429 {offsets = [0, 1, 0, 0, 0, 0], sizes = [8, 1, 16, 1, 8, 128], strides = [1, 1, 1, 1, 1, 1]} : vector<8x2x16x2x8x128xf32> to vector<8x1x16x1x8x128xf32>
    %squeeze3A_446 = vector.shape_cast %slice3A_445 : vector<8x1x16x1x8x128xf32> to vector<8x16x8x128xf32>
    %slice3A_447 = vector.extract_strided_slice %reshape3A_429 {offsets = [0, 1, 0, 1, 0, 0], sizes = [8, 1, 16, 1, 8, 128], strides = [1, 1, 1, 1, 1, 1]} : vector<8x2x16x2x8x128xf32> to vector<8x1x16x1x8x128xf32>
    %squeeze3A_448 = vector.shape_cast %slice3A_447 : vector<8x1x16x1x8x128xf32> to vector<8x16x8x128xf32>
    %max3A_449 = arith.maximumf %squeeze3A_446, %squeeze3A_448 : vector<8x16x8x128xf32>
    %broadcast_in_dim3A_450 = vector.shape_cast %max3A_434 : vector<8x16x8x128xf32> to vector<8x16x1x8x128xf32>
    %broadcast_in_dim3A_451 = vector.shape_cast %min3A_439 : vector<8x16x8x128xf32> to vector<8x16x1x8x128xf32>
    %concatenate3A_452 = tpu.concatenate %broadcast_in_dim3A_450, %broadcast_in_dim3A_451 in 2 : vector<8x16x1x8x128xf32>, vector<8x16x1x8x128xf32> -> vector<8x16x2x8x128xf32>
    %broadcast_in_dim3A_453 = vector.shape_cast %min3A_444 : vector<8x16x8x128xf32> to vector<8x16x1x8x128xf32>
    %broadcast_in_dim3A_454 = vector.shape_cast %max3A_449 : vector<8x16x8x128xf32> to vector<8x16x1x8x128xf32>
    %concatenate3A_455 = tpu.concatenate %broadcast_in_dim3A_453, %broadcast_in_dim3A_454 in 2 : vector<8x16x1x8x128xf32>, vector<8x16x1x8x128xf32> -> vector<8x16x2x8x128xf32>
    %broadcast_in_dim3A_456 = vector.shape_cast %concatenate3A_452 : vector<8x16x2x8x128xf32> to vector<8x1x16x2x8x128xf32>
    %broadcast_in_dim3A_457 = vector.shape_cast %concatenate3A_455 : vector<8x16x2x8x128xf32> to vector<8x1x16x2x8x128xf32>
    %concatenate3A_458 = tpu.concatenate %broadcast_in_dim3A_456, %broadcast_in_dim3A_457 in 1 : vector<8x1x16x2x8x128xf32>, vector<8x1x16x2x8x128xf32> -> vector<8x2x16x2x8x128xf32>
    %reshape3A_459 = vector.shape_cast %concatenate3A_458 : vector<8x2x16x2x8x128xf32> to vector<4096x128xf32>
    %reshape3A_460 = vector.shape_cast %reshape3A_459 : vector<4096x128xf32> to vector<4x2x1x2x256x128xf32>
    %slice3A_461 = vector.extract_strided_slice %reshape3A_460 {offsets = [0, 0, 0, 0, 0, 0], sizes = [4, 1, 1, 1, 256, 128], strides = [1, 1, 1, 1, 1, 1]} : vector<4x2x1x2x256x128xf32> to vector<4x1x1x1x256x128xf32>
    %squeeze3A_462 = vector.shape_cast %slice3A_461 : vector<4x1x1x1x256x128xf32> to vector<4x1x256x128xf32>
    %slice3A_463 = vector.extract_strided_slice %reshape3A_460 {offsets = [0, 0, 0, 1, 0, 0], sizes = [4, 1, 1, 1, 256, 128], strides = [1, 1, 1, 1, 1, 1]} : vector<4x2x1x2x256x128xf32> to vector<4x1x1x1x256x128xf32>
    %squeeze3A_464 = vector.shape_cast %slice3A_463 : vector<4x1x1x1x256x128xf32> to vector<4x1x256x128xf32>
    %max3A_465 = arith.maximumf %squeeze3A_462, %squeeze3A_464 : vector<4x1x256x128xf32>
    %slice3A_466 = vector.extract_strided_slice %reshape3A_460 {offsets = [0, 0, 0, 0, 0, 0], sizes = [4, 1, 1, 1, 256, 128], strides = [1, 1, 1, 1, 1, 1]} : vector<4x2x1x2x256x128xf32> to vector<4x1x1x1x256x128xf32>
    %squeeze3A_467 = vector.shape_cast %slice3A_466 : vector<4x1x1x1x256x128xf32> to vector<4x1x256x128xf32>
    %slice3A_468 = vector.extract_strided_slice %reshape3A_460 {offsets = [0, 0, 0, 1, 0, 0], sizes = [4, 1, 1, 1, 256, 128], strides = [1, 1, 1, 1, 1, 1]} : vector<4x2x1x2x256x128xf32> to vector<4x1x1x1x256x128xf32>
    %squeeze3A_469 = vector.shape_cast %slice3A_468 : vector<4x1x1x1x256x128xf32> to vector<4x1x256x128xf32>
    %min3A_470 = arith.minimumf %squeeze3A_467, %squeeze3A_469 : vector<4x1x256x128xf32>
    %slice3A_471 = vector.extract_strided_slice %reshape3A_460 {offsets = [0, 1, 0, 0, 0, 0], sizes = [4, 1, 1, 1, 256, 128], strides = [1, 1, 1, 1, 1, 1]} : vector<4x2x1x2x256x128xf32> to vector<4x1x1x1x256x128xf32>
    %squeeze3A_472 = vector.shape_cast %slice3A_471 : vector<4x1x1x1x256x128xf32> to vector<4x1x256x128xf32>
    %slice3A_473 = vector.extract_strided_slice %reshape3A_460 {offsets = [0, 1, 0, 1, 0, 0], sizes = [4, 1, 1, 1, 256, 128], strides = [1, 1, 1, 1, 1, 1]} : vector<4x2x1x2x256x128xf32> to vector<4x1x1x1x256x128xf32>
    %squeeze3A_474 = vector.shape_cast %slice3A_473 : vector<4x1x1x1x256x128xf32> to vector<4x1x256x128xf32>
    %min3A_475 = arith.minimumf %squeeze3A_472, %squeeze3A_474 : vector<4x1x256x128xf32>
    %slice3A_476 = vector.extract_strided_slice %reshape3A_460 {offsets = [0, 1, 0, 0, 0, 0], sizes = [4, 1, 1, 1, 256, 128], strides = [1, 1, 1, 1, 1, 1]} : vector<4x2x1x2x256x128xf32> to vector<4x1x1x1x256x128xf32>
    %squeeze3A_477 = vector.shape_cast %slice3A_476 : vector<4x1x1x1x256x128xf32> to vector<4x1x256x128xf32>
    %slice3A_478 = vector.extract_strided_slice %reshape3A_460 {offsets = [0, 1, 0, 1, 0, 0], sizes = [4, 1, 1, 1, 256, 128], strides = [1, 1, 1, 1, 1, 1]} : vector<4x2x1x2x256x128xf32> to vector<4x1x1x1x256x128xf32>
    %squeeze3A_479 = vector.shape_cast %slice3A_478 : vector<4x1x1x1x256x128xf32> to vector<4x1x256x128xf32>
    %max3A_480 = arith.maximumf %squeeze3A_477, %squeeze3A_479 : vector<4x1x256x128xf32>
    %broadcast_in_dim3A_481 = vector.shape_cast %max3A_465 : vector<4x1x256x128xf32> to vector<4x1x1x256x128xf32>
    %broadcast_in_dim3A_482 = vector.shape_cast %min3A_470 : vector<4x1x256x128xf32> to vector<4x1x1x256x128xf32>
    %concatenate3A_483 = tpu.concatenate %broadcast_in_dim3A_481, %broadcast_in_dim3A_482 in 2 : vector<4x1x1x256x128xf32>, vector<4x1x1x256x128xf32> -> vector<4x1x2x256x128xf32>
    %broadcast_in_dim3A_484 = vector.shape_cast %min3A_475 : vector<4x1x256x128xf32> to vector<4x1x1x256x128xf32>
    %broadcast_in_dim3A_485 = vector.shape_cast %max3A_480 : vector<4x1x256x128xf32> to vector<4x1x1x256x128xf32>
    %concatenate3A_486 = tpu.concatenate %broadcast_in_dim3A_484, %broadcast_in_dim3A_485 in 2 : vector<4x1x1x256x128xf32>, vector<4x1x1x256x128xf32> -> vector<4x1x2x256x128xf32>
    %broadcast_in_dim3A_487 = vector.shape_cast %concatenate3A_483 : vector<4x1x2x256x128xf32> to vector<4x1x1x2x256x128xf32>
    %broadcast_in_dim3A_488 = vector.shape_cast %concatenate3A_486 : vector<4x1x2x256x128xf32> to vector<4x1x1x2x256x128xf32>
    %concatenate3A_489 = tpu.concatenate %broadcast_in_dim3A_487, %broadcast_in_dim3A_488 in 1 : vector<4x1x1x2x256x128xf32>, vector<4x1x1x2x256x128xf32> -> vector<4x2x1x2x256x128xf32>
    %reshape3A_490 = vector.shape_cast %concatenate3A_489 : vector<4x2x1x2x256x128xf32> to vector<4096x128xf32>
    %reshape3A_491 = vector.shape_cast %reshape3A_490 : vector<4096x128xf32> to vector<4x2x2x2x128x128xf32>
    %slice3A_492 = vector.extract_strided_slice %reshape3A_491 {offsets = [0, 0, 0, 0, 0, 0], sizes = [4, 1, 2, 1, 128, 128], strides = [1, 1, 1, 1, 1, 1]} : vector<4x2x2x2x128x128xf32> to vector<4x1x2x1x128x128xf32>
    %squeeze3A_493 = vector.shape_cast %slice3A_492 : vector<4x1x2x1x128x128xf32> to vector<4x2x128x128xf32>
    %slice3A_494 = vector.extract_strided_slice %reshape3A_491 {offsets = [0, 0, 0, 1, 0, 0], sizes = [4, 1, 2, 1, 128, 128], strides = [1, 1, 1, 1, 1, 1]} : vector<4x2x2x2x128x128xf32> to vector<4x1x2x1x128x128xf32>
    %squeeze3A_495 = vector.shape_cast %slice3A_494 : vector<4x1x2x1x128x128xf32> to vector<4x2x128x128xf32>
    %max3A_496 = arith.maximumf %squeeze3A_493, %squeeze3A_495 : vector<4x2x128x128xf32>
    %slice3A_497 = vector.extract_strided_slice %reshape3A_491 {offsets = [0, 0, 0, 0, 0, 0], sizes = [4, 1, 2, 1, 128, 128], strides = [1, 1, 1, 1, 1, 1]} : vector<4x2x2x2x128x128xf32> to vector<4x1x2x1x128x128xf32>
    %squeeze3A_498 = vector.shape_cast %slice3A_497 : vector<4x1x2x1x128x128xf32> to vector<4x2x128x128xf32>
    %slice3A_499 = vector.extract_strided_slice %reshape3A_491 {offsets = [0, 0, 0, 1, 0, 0], sizes = [4, 1, 2, 1, 128, 128], strides = [1, 1, 1, 1, 1, 1]} : vector<4x2x2x2x128x128xf32> to vector<4x1x2x1x128x128xf32>
    %squeeze3A_500 = vector.shape_cast %slice3A_499 : vector<4x1x2x1x128x128xf32> to vector<4x2x128x128xf32>
    %min3A_501 = arith.minimumf %squeeze3A_498, %squeeze3A_500 : vector<4x2x128x128xf32>
    %slice3A_502 = vector.extract_strided_slice %reshape3A_491 {offsets = [0, 1, 0, 0, 0, 0], sizes = [4, 1, 2, 1, 128, 128], strides = [1, 1, 1, 1, 1, 1]} : vector<4x2x2x2x128x128xf32> to vector<4x1x2x1x128x128xf32>
    %squeeze3A_503 = vector.shape_cast %slice3A_502 : vector<4x1x2x1x128x128xf32> to vector<4x2x128x128xf32>
    %slice3A_504 = vector.extract_strided_slice %reshape3A_491 {offsets = [0, 1, 0, 1, 0, 0], sizes = [4, 1, 2, 1, 128, 128], strides = [1, 1, 1, 1, 1, 1]} : vector<4x2x2x2x128x128xf32> to vector<4x1x2x1x128x128xf32>
    %squeeze3A_505 = vector.shape_cast %slice3A_504 : vector<4x1x2x1x128x128xf32> to vector<4x2x128x128xf32>
    %min3A_506 = arith.minimumf %squeeze3A_503, %squeeze3A_505 : vector<4x2x128x128xf32>
    %slice3A_507 = vector.extract_strided_slice %reshape3A_491 {offsets = [0, 1, 0, 0, 0, 0], sizes = [4, 1, 2, 1, 128, 128], strides = [1, 1, 1, 1, 1, 1]} : vector<4x2x2x2x128x128xf32> to vector<4x1x2x1x128x128xf32>
    %squeeze3A_508 = vector.shape_cast %slice3A_507 : vector<4x1x2x1x128x128xf32> to vector<4x2x128x128xf32>
    %slice3A_509 = vector.extract_strided_slice %reshape3A_491 {offsets = [0, 1, 0, 1, 0, 0], sizes = [4, 1, 2, 1, 128, 128], strides = [1, 1, 1, 1, 1, 1]} : vector<4x2x2x2x128x128xf32> to vector<4x1x2x1x128x128xf32>
    %squeeze3A_510 = vector.shape_cast %slice3A_509 : vector<4x1x2x1x128x128xf32> to vector<4x2x128x128xf32>
    %max3A_511 = arith.maximumf %squeeze3A_508, %squeeze3A_510 : vector<4x2x128x128xf32>
    %broadcast_in_dim3A_512 = vector.shape_cast %max3A_496 : vector<4x2x128x128xf32> to vector<4x2x1x128x128xf32>
    %broadcast_in_dim3A_513 = vector.shape_cast %min3A_501 : vector<4x2x128x128xf32> to vector<4x2x1x128x128xf32>
    %concatenate3A_514 = tpu.concatenate %broadcast_in_dim3A_512, %broadcast_in_dim3A_513 in 2 : vector<4x2x1x128x128xf32>, vector<4x2x1x128x128xf32> -> vector<4x2x2x128x128xf32>
    %broadcast_in_dim3A_515 = vector.shape_cast %min3A_506 : vector<4x2x128x128xf32> to vector<4x2x1x128x128xf32>
    %broadcast_in_dim3A_516 = vector.shape_cast %max3A_511 : vector<4x2x128x128xf32> to vector<4x2x1x128x128xf32>
    %concatenate3A_517 = tpu.concatenate %broadcast_in_dim3A_515, %broadcast_in_dim3A_516 in 2 : vector<4x2x1x128x128xf32>, vector<4x2x1x128x128xf32> -> vector<4x2x2x128x128xf32>
    %broadcast_in_dim3A_518 = vector.shape_cast %concatenate3A_514 : vector<4x2x2x128x128xf32> to vector<4x1x2x2x128x128xf32>
    %broadcast_in_dim3A_519 = vector.shape_cast %concatenate3A_517 : vector<4x2x2x128x128xf32> to vector<4x1x2x2x128x128xf32>
    %concatenate3A_520 = tpu.concatenate %broadcast_in_dim3A_518, %broadcast_in_dim3A_519 in 1 : vector<4x1x2x2x128x128xf32>, vector<4x1x2x2x128x128xf32> -> vector<4x2x2x2x128x128xf32>
    %reshape3A_521 = vector.shape_cast %concatenate3A_520 : vector<4x2x2x2x128x128xf32> to vector<4096x128xf32>
    %reshape3A_522 = vector.shape_cast %reshape3A_521 : vector<4096x128xf32> to vector<4x2x4x2x64x128xf32>
    %slice3A_523 = vector.extract_strided_slice %reshape3A_522 {offsets = [0, 0, 0, 0, 0, 0], sizes = [4, 1, 4, 1, 64, 128], strides = [1, 1, 1, 1, 1, 1]} : vector<4x2x4x2x64x128xf32> to vector<4x1x4x1x64x128xf32>
    %squeeze3A_524 = vector.shape_cast %slice3A_523 : vector<4x1x4x1x64x128xf32> to vector<4x4x64x128xf32>
    %slice3A_525 = vector.extract_strided_slice %reshape3A_522 {offsets = [0, 0, 0, 1, 0, 0], sizes = [4, 1, 4, 1, 64, 128], strides = [1, 1, 1, 1, 1, 1]} : vector<4x2x4x2x64x128xf32> to vector<4x1x4x1x64x128xf32>
    %squeeze3A_526 = vector.shape_cast %slice3A_525 : vector<4x1x4x1x64x128xf32> to vector<4x4x64x128xf32>
    %max3A_527 = arith.maximumf %squeeze3A_524, %squeeze3A_526 : vector<4x4x64x128xf32>
    %slice3A_528 = vector.extract_strided_slice %reshape3A_522 {offsets = [0, 0, 0, 0, 0, 0], sizes = [4, 1, 4, 1, 64, 128], strides = [1, 1, 1, 1, 1, 1]} : vector<4x2x4x2x64x128xf32> to vector<4x1x4x1x64x128xf32>
    %squeeze3A_529 = vector.shape_cast %slice3A_528 : vector<4x1x4x1x64x128xf32> to vector<4x4x64x128xf32>
    %slice3A_530 = vector.extract_strided_slice %reshape3A_522 {offsets = [0, 0, 0, 1, 0, 0], sizes = [4, 1, 4, 1, 64, 128], strides = [1, 1, 1, 1, 1, 1]} : vector<4x2x4x2x64x128xf32> to vector<4x1x4x1x64x128xf32>
    %squeeze3A_531 = vector.shape_cast %slice3A_530 : vector<4x1x4x1x64x128xf32> to vector<4x4x64x128xf32>
    %min3A_532 = arith.minimumf %squeeze3A_529, %squeeze3A_531 : vector<4x4x64x128xf32>
    %slice3A_533 = vector.extract_strided_slice %reshape3A_522 {offsets = [0, 1, 0, 0, 0, 0], sizes = [4, 1, 4, 1, 64, 128], strides = [1, 1, 1, 1, 1, 1]} : vector<4x2x4x2x64x128xf32> to vector<4x1x4x1x64x128xf32>
    %squeeze3A_534 = vector.shape_cast %slice3A_533 : vector<4x1x4x1x64x128xf32> to vector<4x4x64x128xf32>
    %slice3A_535 = vector.extract_strided_slice %reshape3A_522 {offsets = [0, 1, 0, 1, 0, 0], sizes = [4, 1, 4, 1, 64, 128], strides = [1, 1, 1, 1, 1, 1]} : vector<4x2x4x2x64x128xf32> to vector<4x1x4x1x64x128xf32>
    %squeeze3A_536 = vector.shape_cast %slice3A_535 : vector<4x1x4x1x64x128xf32> to vector<4x4x64x128xf32>
    %min3A_537 = arith.minimumf %squeeze3A_534, %squeeze3A_536 : vector<4x4x64x128xf32>
    %slice3A_538 = vector.extract_strided_slice %reshape3A_522 {offsets = [0, 1, 0, 0, 0, 0], sizes = [4, 1, 4, 1, 64, 128], strides = [1, 1, 1, 1, 1, 1]} : vector<4x2x4x2x64x128xf32> to vector<4x1x4x1x64x128xf32>
    %squeeze3A_539 = vector.shape_cast %slice3A_538 : vector<4x1x4x1x64x128xf32> to vector<4x4x64x128xf32>
    %slice3A_540 = vector.extract_strided_slice %reshape3A_522 {offsets = [0, 1, 0, 1, 0, 0], sizes = [4, 1, 4, 1, 64, 128], strides = [1, 1, 1, 1, 1, 1]} : vector<4x2x4x2x64x128xf32> to vector<4x1x4x1x64x128xf32>
    %squeeze3A_541 = vector.shape_cast %slice3A_540 : vector<4x1x4x1x64x128xf32> to vector<4x4x64x128xf32>
    %max3A_542 = arith.maximumf %squeeze3A_539, %squeeze3A_541 : vector<4x4x64x128xf32>
    %broadcast_in_dim3A_543 = vector.shape_cast %max3A_527 : vector<4x4x64x128xf32> to vector<4x4x1x64x128xf32>
    %broadcast_in_dim3A_544 = vector.shape_cast %min3A_532 : vector<4x4x64x128xf32> to vector<4x4x1x64x128xf32>
    %concatenate3A_545 = tpu.concatenate %broadcast_in_dim3A_543, %broadcast_in_dim3A_544 in 2 : vector<4x4x1x64x128xf32>, vector<4x4x1x64x128xf32> -> vector<4x4x2x64x128xf32>
    %broadcast_in_dim3A_546 = vector.shape_cast %min3A_537 : vector<4x4x64x128xf32> to vector<4x4x1x64x128xf32>
    %broadcast_in_dim3A_547 = vector.shape_cast %max3A_542 : vector<4x4x64x128xf32> to vector<4x4x1x64x128xf32>
    %concatenate3A_548 = tpu.concatenate %broadcast_in_dim3A_546, %broadcast_in_dim3A_547 in 2 : vector<4x4x1x64x128xf32>, vector<4x4x1x64x128xf32> -> vector<4x4x2x64x128xf32>
    %broadcast_in_dim3A_549 = vector.shape_cast %concatenate3A_545 : vector<4x4x2x64x128xf32> to vector<4x1x4x2x64x128xf32>
    %broadcast_in_dim3A_550 = vector.shape_cast %concatenate3A_548 : vector<4x4x2x64x128xf32> to vector<4x1x4x2x64x128xf32>
    %concatenate3A_551 = tpu.concatenate %broadcast_in_dim3A_549, %broadcast_in_dim3A_550 in 1 : vector<4x1x4x2x64x128xf32>, vector<4x1x4x2x64x128xf32> -> vector<4x2x4x2x64x128xf32>
    %reshape3A_552 = vector.shape_cast %concatenate3A_551 : vector<4x2x4x2x64x128xf32> to vector<4096x128xf32>
    %reshape3A_553 = vector.shape_cast %reshape3A_552 : vector<4096x128xf32> to vector<4x2x8x2x32x128xf32>
    %slice3A_554 = vector.extract_strided_slice %reshape3A_553 {offsets = [0, 0, 0, 0, 0, 0], sizes = [4, 1, 8, 1, 32, 128], strides = [1, 1, 1, 1, 1, 1]} : vector<4x2x8x2x32x128xf32> to vector<4x1x8x1x32x128xf32>
    %squeeze3A_555 = vector.shape_cast %slice3A_554 : vector<4x1x8x1x32x128xf32> to vector<4x8x32x128xf32>
    %slice3A_556 = vector.extract_strided_slice %reshape3A_553 {offsets = [0, 0, 0, 1, 0, 0], sizes = [4, 1, 8, 1, 32, 128], strides = [1, 1, 1, 1, 1, 1]} : vector<4x2x8x2x32x128xf32> to vector<4x1x8x1x32x128xf32>
    %squeeze3A_557 = vector.shape_cast %slice3A_556 : vector<4x1x8x1x32x128xf32> to vector<4x8x32x128xf32>
    %max3A_558 = arith.maximumf %squeeze3A_555, %squeeze3A_557 : vector<4x8x32x128xf32>
    %slice3A_559 = vector.extract_strided_slice %reshape3A_553 {offsets = [0, 0, 0, 0, 0, 0], sizes = [4, 1, 8, 1, 32, 128], strides = [1, 1, 1, 1, 1, 1]} : vector<4x2x8x2x32x128xf32> to vector<4x1x8x1x32x128xf32>
    %squeeze3A_560 = vector.shape_cast %slice3A_559 : vector<4x1x8x1x32x128xf32> to vector<4x8x32x128xf32>
    %slice3A_561 = vector.extract_strided_slice %reshape3A_553 {offsets = [0, 0, 0, 1, 0, 0], sizes = [4, 1, 8, 1, 32, 128], strides = [1, 1, 1, 1, 1, 1]} : vector<4x2x8x2x32x128xf32> to vector<4x1x8x1x32x128xf32>
    %squeeze3A_562 = vector.shape_cast %slice3A_561 : vector<4x1x8x1x32x128xf32> to vector<4x8x32x128xf32>
    %min3A_563 = arith.minimumf %squeeze3A_560, %squeeze3A_562 : vector<4x8x32x128xf32>
    %slice3A_564 = vector.extract_strided_slice %reshape3A_553 {offsets = [0, 1, 0, 0, 0, 0], sizes = [4, 1, 8, 1, 32, 128], strides = [1, 1, 1, 1, 1, 1]} : vector<4x2x8x2x32x128xf32> to vector<4x1x8x1x32x128xf32>
    %squeeze3A_565 = vector.shape_cast %slice3A_564 : vector<4x1x8x1x32x128xf32> to vector<4x8x32x128xf32>
    %slice3A_566 = vector.extract_strided_slice %reshape3A_553 {offsets = [0, 1, 0, 1, 0, 0], sizes = [4, 1, 8, 1, 32, 128], strides = [1, 1, 1, 1, 1, 1]} : vector<4x2x8x2x32x128xf32> to vector<4x1x8x1x32x128xf32>
    %squeeze3A_567 = vector.shape_cast %slice3A_566 : vector<4x1x8x1x32x128xf32> to vector<4x8x32x128xf32>
    %min3A_568 = arith.minimumf %squeeze3A_565, %squeeze3A_567 : vector<4x8x32x128xf32>
    %slice3A_569 = vector.extract_strided_slice %reshape3A_553 {offsets = [0, 1, 0, 0, 0, 0], sizes = [4, 1, 8, 1, 32, 128], strides = [1, 1, 1, 1, 1, 1]} : vector<4x2x8x2x32x128xf32> to vector<4x1x8x1x32x128xf32>
    %squeeze3A_570 = vector.shape_cast %slice3A_569 : vector<4x1x8x1x32x128xf32> to vector<4x8x32x128xf32>
    %slice3A_571 = vector.extract_strided_slice %reshape3A_553 {offsets = [0, 1, 0, 1, 0, 0], sizes = [4, 1, 8, 1, 32, 128], strides = [1, 1, 1, 1, 1, 1]} : vector<4x2x8x2x32x128xf32> to vector<4x1x8x1x32x128xf32>
    %squeeze3A_572 = vector.shape_cast %slice3A_571 : vector<4x1x8x1x32x128xf32> to vector<4x8x32x128xf32>
    %max3A_573 = arith.maximumf %squeeze3A_570, %squeeze3A_572 : vector<4x8x32x128xf32>
    %broadcast_in_dim3A_574 = vector.shape_cast %max3A_558 : vector<4x8x32x128xf32> to vector<4x8x1x32x128xf32>
    %broadcast_in_dim3A_575 = vector.shape_cast %min3A_563 : vector<4x8x32x128xf32> to vector<4x8x1x32x128xf32>
    %concatenate3A_576 = tpu.concatenate %broadcast_in_dim3A_574, %broadcast_in_dim3A_575 in 2 : vector<4x8x1x32x128xf32>, vector<4x8x1x32x128xf32> -> vector<4x8x2x32x128xf32>
    %broadcast_in_dim3A_577 = vector.shape_cast %min3A_568 : vector<4x8x32x128xf32> to vector<4x8x1x32x128xf32>
    %broadcast_in_dim3A_578 = vector.shape_cast %max3A_573 : vector<4x8x32x128xf32> to vector<4x8x1x32x128xf32>
    %concatenate3A_579 = tpu.concatenate %broadcast_in_dim3A_577, %broadcast_in_dim3A_578 in 2 : vector<4x8x1x32x128xf32>, vector<4x8x1x32x128xf32> -> vector<4x8x2x32x128xf32>
    %broadcast_in_dim3A_580 = vector.shape_cast %concatenate3A_576 : vector<4x8x2x32x128xf32> to vector<4x1x8x2x32x128xf32>
    %broadcast_in_dim3A_581 = vector.shape_cast %concatenate3A_579 : vector<4x8x2x32x128xf32> to vector<4x1x8x2x32x128xf32>
    %concatenate3A_582 = tpu.concatenate %broadcast_in_dim3A_580, %broadcast_in_dim3A_581 in 1 : vector<4x1x8x2x32x128xf32>, vector<4x1x8x2x32x128xf32> -> vector<4x2x8x2x32x128xf32>
    %reshape3A_583 = vector.shape_cast %concatenate3A_582 : vector<4x2x8x2x32x128xf32> to vector<4096x128xf32>
    %reshape3A_584 = vector.shape_cast %reshape3A_583 : vector<4096x128xf32> to vector<4x2x16x2x16x128xf32>
    %slice3A_585 = vector.extract_strided_slice %reshape3A_584 {offsets = [0, 0, 0, 0, 0, 0], sizes = [4, 1, 16, 1, 16, 128], strides = [1, 1, 1, 1, 1, 1]} : vector<4x2x16x2x16x128xf32> to vector<4x1x16x1x16x128xf32>
    %squeeze3A_586 = vector.shape_cast %slice3A_585 : vector<4x1x16x1x16x128xf32> to vector<4x16x16x128xf32>
    %slice3A_587 = vector.extract_strided_slice %reshape3A_584 {offsets = [0, 0, 0, 1, 0, 0], sizes = [4, 1, 16, 1, 16, 128], strides = [1, 1, 1, 1, 1, 1]} : vector<4x2x16x2x16x128xf32> to vector<4x1x16x1x16x128xf32>
    %squeeze3A_588 = vector.shape_cast %slice3A_587 : vector<4x1x16x1x16x128xf32> to vector<4x16x16x128xf32>
    %max3A_589 = arith.maximumf %squeeze3A_586, %squeeze3A_588 : vector<4x16x16x128xf32>
    %slice3A_590 = vector.extract_strided_slice %reshape3A_584 {offsets = [0, 0, 0, 0, 0, 0], sizes = [4, 1, 16, 1, 16, 128], strides = [1, 1, 1, 1, 1, 1]} : vector<4x2x16x2x16x128xf32> to vector<4x1x16x1x16x128xf32>
    %squeeze3A_591 = vector.shape_cast %slice3A_590 : vector<4x1x16x1x16x128xf32> to vector<4x16x16x128xf32>
    %slice3A_592 = vector.extract_strided_slice %reshape3A_584 {offsets = [0, 0, 0, 1, 0, 0], sizes = [4, 1, 16, 1, 16, 128], strides = [1, 1, 1, 1, 1, 1]} : vector<4x2x16x2x16x128xf32> to vector<4x1x16x1x16x128xf32>
    %squeeze3A_593 = vector.shape_cast %slice3A_592 : vector<4x1x16x1x16x128xf32> to vector<4x16x16x128xf32>
    %min3A_594 = arith.minimumf %squeeze3A_591, %squeeze3A_593 : vector<4x16x16x128xf32>
    %slice3A_595 = vector.extract_strided_slice %reshape3A_584 {offsets = [0, 1, 0, 0, 0, 0], sizes = [4, 1, 16, 1, 16, 128], strides = [1, 1, 1, 1, 1, 1]} : vector<4x2x16x2x16x128xf32> to vector<4x1x16x1x16x128xf32>
    %squeeze3A_596 = vector.shape_cast %slice3A_595 : vector<4x1x16x1x16x128xf32> to vector<4x16x16x128xf32>
    %slice3A_597 = vector.extract_strided_slice %reshape3A_584 {offsets = [0, 1, 0, 1, 0, 0], sizes = [4, 1, 16, 1, 16, 128], strides = [1, 1, 1, 1, 1, 1]} : vector<4x2x16x2x16x128xf32> to vector<4x1x16x1x16x128xf32>
    %squeeze3A_598 = vector.shape_cast %slice3A_597 : vector<4x1x16x1x16x128xf32> to vector<4x16x16x128xf32>
    %min3A_599 = arith.minimumf %squeeze3A_596, %squeeze3A_598 : vector<4x16x16x128xf32>
    %slice3A_600 = vector.extract_strided_slice %reshape3A_584 {offsets = [0, 1, 0, 0, 0, 0], sizes = [4, 1, 16, 1, 16, 128], strides = [1, 1, 1, 1, 1, 1]} : vector<4x2x16x2x16x128xf32> to vector<4x1x16x1x16x128xf32>
    %squeeze3A_601 = vector.shape_cast %slice3A_600 : vector<4x1x16x1x16x128xf32> to vector<4x16x16x128xf32>
    %slice3A_602 = vector.extract_strided_slice %reshape3A_584 {offsets = [0, 1, 0, 1, 0, 0], sizes = [4, 1, 16, 1, 16, 128], strides = [1, 1, 1, 1, 1, 1]} : vector<4x2x16x2x16x128xf32> to vector<4x1x16x1x16x128xf32>
    %squeeze3A_603 = vector.shape_cast %slice3A_602 : vector<4x1x16x1x16x128xf32> to vector<4x16x16x128xf32>
    %max3A_604 = arith.maximumf %squeeze3A_601, %squeeze3A_603 : vector<4x16x16x128xf32>
    %broadcast_in_dim3A_605 = vector.shape_cast %max3A_589 : vector<4x16x16x128xf32> to vector<4x16x1x16x128xf32>
    %broadcast_in_dim3A_606 = vector.shape_cast %min3A_594 : vector<4x16x16x128xf32> to vector<4x16x1x16x128xf32>
    %concatenate3A_607 = tpu.concatenate %broadcast_in_dim3A_605, %broadcast_in_dim3A_606 in 2 : vector<4x16x1x16x128xf32>, vector<4x16x1x16x128xf32> -> vector<4x16x2x16x128xf32>
    %broadcast_in_dim3A_608 = vector.shape_cast %min3A_599 : vector<4x16x16x128xf32> to vector<4x16x1x16x128xf32>
    %broadcast_in_dim3A_609 = vector.shape_cast %max3A_604 : vector<4x16x16x128xf32> to vector<4x16x1x16x128xf32>
    %concatenate3A_610 = tpu.concatenate %broadcast_in_dim3A_608, %broadcast_in_dim3A_609 in 2 : vector<4x16x1x16x128xf32>, vector<4x16x1x16x128xf32> -> vector<4x16x2x16x128xf32>
    %broadcast_in_dim3A_611 = vector.shape_cast %concatenate3A_607 : vector<4x16x2x16x128xf32> to vector<4x1x16x2x16x128xf32>
    %broadcast_in_dim3A_612 = vector.shape_cast %concatenate3A_610 : vector<4x16x2x16x128xf32> to vector<4x1x16x2x16x128xf32>
    %concatenate3A_613 = tpu.concatenate %broadcast_in_dim3A_611, %broadcast_in_dim3A_612 in 1 : vector<4x1x16x2x16x128xf32>, vector<4x1x16x2x16x128xf32> -> vector<4x2x16x2x16x128xf32>
    %reshape3A_614 = vector.shape_cast %concatenate3A_613 : vector<4x2x16x2x16x128xf32> to vector<4096x128xf32>
    %reshape3A_615 = vector.shape_cast %reshape3A_614 : vector<4096x128xf32> to vector<4x2x32x2x8x128xf32>
    %slice3A_616 = vector.extract_strided_slice %reshape3A_615 {offsets = [0, 0, 0, 0, 0, 0], sizes = [4, 1, 32, 1, 8, 128], strides = [1, 1, 1, 1, 1, 1]} : vector<4x2x32x2x8x128xf32> to vector<4x1x32x1x8x128xf32>
    %squeeze3A_617 = vector.shape_cast %slice3A_616 : vector<4x1x32x1x8x128xf32> to vector<4x32x8x128xf32>
    %slice3A_618 = vector.extract_strided_slice %reshape3A_615 {offsets = [0, 0, 0, 1, 0, 0], sizes = [4, 1, 32, 1, 8, 128], strides = [1, 1, 1, 1, 1, 1]} : vector<4x2x32x2x8x128xf32> to vector<4x1x32x1x8x128xf32>
    %squeeze3A_619 = vector.shape_cast %slice3A_618 : vector<4x1x32x1x8x128xf32> to vector<4x32x8x128xf32>
    %max3A_620 = arith.maximumf %squeeze3A_617, %squeeze3A_619 : vector<4x32x8x128xf32>
    %slice3A_621 = vector.extract_strided_slice %reshape3A_615 {offsets = [0, 0, 0, 0, 0, 0], sizes = [4, 1, 32, 1, 8, 128], strides = [1, 1, 1, 1, 1, 1]} : vector<4x2x32x2x8x128xf32> to vector<4x1x32x1x8x128xf32>
    %squeeze3A_622 = vector.shape_cast %slice3A_621 : vector<4x1x32x1x8x128xf32> to vector<4x32x8x128xf32>
    %slice3A_623 = vector.extract_strided_slice %reshape3A_615 {offsets = [0, 0, 0, 1, 0, 0], sizes = [4, 1, 32, 1, 8, 128], strides = [1, 1, 1, 1, 1, 1]} : vector<4x2x32x2x8x128xf32> to vector<4x1x32x1x8x128xf32>
    %squeeze3A_624 = vector.shape_cast %slice3A_623 : vector<4x1x32x1x8x128xf32> to vector<4x32x8x128xf32>
    %min3A_625 = arith.minimumf %squeeze3A_622, %squeeze3A_624 : vector<4x32x8x128xf32>
    %slice3A_626 = vector.extract_strided_slice %reshape3A_615 {offsets = [0, 1, 0, 0, 0, 0], sizes = [4, 1, 32, 1, 8, 128], strides = [1, 1, 1, 1, 1, 1]} : vector<4x2x32x2x8x128xf32> to vector<4x1x32x1x8x128xf32>
    %squeeze3A_627 = vector.shape_cast %slice3A_626 : vector<4x1x32x1x8x128xf32> to vector<4x32x8x128xf32>
    %slice3A_628 = vector.extract_strided_slice %reshape3A_615 {offsets = [0, 1, 0, 1, 0, 0], sizes = [4, 1, 32, 1, 8, 128], strides = [1, 1, 1, 1, 1, 1]} : vector<4x2x32x2x8x128xf32> to vector<4x1x32x1x8x128xf32>
    %squeeze3A_629 = vector.shape_cast %slice3A_628 : vector<4x1x32x1x8x128xf32> to vector<4x32x8x128xf32>
    %min3A_630 = arith.minimumf %squeeze3A_627, %squeeze3A_629 : vector<4x32x8x128xf32>
    %slice3A_631 = vector.extract_strided_slice %reshape3A_615 {offsets = [0, 1, 0, 0, 0, 0], sizes = [4, 1, 32, 1, 8, 128], strides = [1, 1, 1, 1, 1, 1]} : vector<4x2x32x2x8x128xf32> to vector<4x1x32x1x8x128xf32>
    %squeeze3A_632 = vector.shape_cast %slice3A_631 : vector<4x1x32x1x8x128xf32> to vector<4x32x8x128xf32>
    %slice3A_633 = vector.extract_strided_slice %reshape3A_615 {offsets = [0, 1, 0, 1, 0, 0], sizes = [4, 1, 32, 1, 8, 128], strides = [1, 1, 1, 1, 1, 1]} : vector<4x2x32x2x8x128xf32> to vector<4x1x32x1x8x128xf32>
    %squeeze3A_634 = vector.shape_cast %slice3A_633 : vector<4x1x32x1x8x128xf32> to vector<4x32x8x128xf32>
    %max3A_635 = arith.maximumf %squeeze3A_632, %squeeze3A_634 : vector<4x32x8x128xf32>
    %broadcast_in_dim3A_636 = vector.shape_cast %max3A_620 : vector<4x32x8x128xf32> to vector<4x32x1x8x128xf32>
    %broadcast_in_dim3A_637 = vector.shape_cast %min3A_625 : vector<4x32x8x128xf32> to vector<4x32x1x8x128xf32>
    %concatenate3A_638 = tpu.concatenate %broadcast_in_dim3A_636, %broadcast_in_dim3A_637 in 2 : vector<4x32x1x8x128xf32>, vector<4x32x1x8x128xf32> -> vector<4x32x2x8x128xf32>
    %broadcast_in_dim3A_639 = vector.shape_cast %min3A_630 : vector<4x32x8x128xf32> to vector<4x32x1x8x128xf32>
    %broadcast_in_dim3A_640 = vector.shape_cast %max3A_635 : vector<4x32x8x128xf32> to vector<4x32x1x8x128xf32>
    %concatenate3A_641 = tpu.concatenate %broadcast_in_dim3A_639, %broadcast_in_dim3A_640 in 2 : vector<4x32x1x8x128xf32>, vector<4x32x1x8x128xf32> -> vector<4x32x2x8x128xf32>
    %broadcast_in_dim3A_642 = vector.shape_cast %concatenate3A_638 : vector<4x32x2x8x128xf32> to vector<4x1x32x2x8x128xf32>
    %broadcast_in_dim3A_643 = vector.shape_cast %concatenate3A_641 : vector<4x32x2x8x128xf32> to vector<4x1x32x2x8x128xf32>
    %concatenate3A_644 = tpu.concatenate %broadcast_in_dim3A_642, %broadcast_in_dim3A_643 in 1 : vector<4x1x32x2x8x128xf32>, vector<4x1x32x2x8x128xf32> -> vector<4x2x32x2x8x128xf32>
    %reshape3A_645 = vector.shape_cast %concatenate3A_644 : vector<4x2x32x2x8x128xf32> to vector<4096x128xf32>
    %reshape3A_646 = vector.shape_cast %reshape3A_645 : vector<4096x128xf32> to vector<2x2x1x2x512x128xf32>
    %slice3A_647 = vector.extract_strided_slice %reshape3A_646 {offsets = [0, 0, 0, 0, 0, 0], sizes = [2, 1, 1, 1, 512, 128], strides = [1, 1, 1, 1, 1, 1]} : vector<2x2x1x2x512x128xf32> to vector<2x1x1x1x512x128xf32>
    %squeeze3A_648 = vector.shape_cast %slice3A_647 : vector<2x1x1x1x512x128xf32> to vector<2x1x512x128xf32>
    %slice3A_649 = vector.extract_strided_slice %reshape3A_646 {offsets = [0, 0, 0, 1, 0, 0], sizes = [2, 1, 1, 1, 512, 128], strides = [1, 1, 1, 1, 1, 1]} : vector<2x2x1x2x512x128xf32> to vector<2x1x1x1x512x128xf32>
    %squeeze3A_650 = vector.shape_cast %slice3A_649 : vector<2x1x1x1x512x128xf32> to vector<2x1x512x128xf32>
    %max3A_651 = arith.maximumf %squeeze3A_648, %squeeze3A_650 : vector<2x1x512x128xf32>
    %slice3A_652 = vector.extract_strided_slice %reshape3A_646 {offsets = [0, 0, 0, 0, 0, 0], sizes = [2, 1, 1, 1, 512, 128], strides = [1, 1, 1, 1, 1, 1]} : vector<2x2x1x2x512x128xf32> to vector<2x1x1x1x512x128xf32>
    %squeeze3A_653 = vector.shape_cast %slice3A_652 : vector<2x1x1x1x512x128xf32> to vector<2x1x512x128xf32>
    %slice3A_654 = vector.extract_strided_slice %reshape3A_646 {offsets = [0, 0, 0, 1, 0, 0], sizes = [2, 1, 1, 1, 512, 128], strides = [1, 1, 1, 1, 1, 1]} : vector<2x2x1x2x512x128xf32> to vector<2x1x1x1x512x128xf32>
    %squeeze3A_655 = vector.shape_cast %slice3A_654 : vector<2x1x1x1x512x128xf32> to vector<2x1x512x128xf32>
    %min3A_656 = arith.minimumf %squeeze3A_653, %squeeze3A_655 : vector<2x1x512x128xf32>
    %slice3A_657 = vector.extract_strided_slice %reshape3A_646 {offsets = [0, 1, 0, 0, 0, 0], sizes = [2, 1, 1, 1, 512, 128], strides = [1, 1, 1, 1, 1, 1]} : vector<2x2x1x2x512x128xf32> to vector<2x1x1x1x512x128xf32>
    %squeeze3A_658 = vector.shape_cast %slice3A_657 : vector<2x1x1x1x512x128xf32> to vector<2x1x512x128xf32>
    %slice3A_659 = vector.extract_strided_slice %reshape3A_646 {offsets = [0, 1, 0, 1, 0, 0], sizes = [2, 1, 1, 1, 512, 128], strides = [1, 1, 1, 1, 1, 1]} : vector<2x2x1x2x512x128xf32> to vector<2x1x1x1x512x128xf32>
    %squeeze3A_660 = vector.shape_cast %slice3A_659 : vector<2x1x1x1x512x128xf32> to vector<2x1x512x128xf32>
    %min3A_661 = arith.minimumf %squeeze3A_658, %squeeze3A_660 : vector<2x1x512x128xf32>
    %slice3A_662 = vector.extract_strided_slice %reshape3A_646 {offsets = [0, 1, 0, 0, 0, 0], sizes = [2, 1, 1, 1, 512, 128], strides = [1, 1, 1, 1, 1, 1]} : vector<2x2x1x2x512x128xf32> to vector<2x1x1x1x512x128xf32>
    %squeeze3A_663 = vector.shape_cast %slice3A_662 : vector<2x1x1x1x512x128xf32> to vector<2x1x512x128xf32>
    %slice3A_664 = vector.extract_strided_slice %reshape3A_646 {offsets = [0, 1, 0, 1, 0, 0], sizes = [2, 1, 1, 1, 512, 128], strides = [1, 1, 1, 1, 1, 1]} : vector<2x2x1x2x512x128xf32> to vector<2x1x1x1x512x128xf32>
    %squeeze3A_665 = vector.shape_cast %slice3A_664 : vector<2x1x1x1x512x128xf32> to vector<2x1x512x128xf32>
    %max3A_666 = arith.maximumf %squeeze3A_663, %squeeze3A_665 : vector<2x1x512x128xf32>
    %broadcast_in_dim3A_667 = vector.shape_cast %max3A_651 : vector<2x1x512x128xf32> to vector<2x1x1x512x128xf32>
    %broadcast_in_dim3A_668 = vector.shape_cast %min3A_656 : vector<2x1x512x128xf32> to vector<2x1x1x512x128xf32>
    %concatenate3A_669 = tpu.concatenate %broadcast_in_dim3A_667, %broadcast_in_dim3A_668 in 2 : vector<2x1x1x512x128xf32>, vector<2x1x1x512x128xf32> -> vector<2x1x2x512x128xf32>
    %broadcast_in_dim3A_670 = vector.shape_cast %min3A_661 : vector<2x1x512x128xf32> to vector<2x1x1x512x128xf32>
    %broadcast_in_dim3A_671 = vector.shape_cast %max3A_666 : vector<2x1x512x128xf32> to vector<2x1x1x512x128xf32>
    %concatenate3A_672 = tpu.concatenate %broadcast_in_dim3A_670, %broadcast_in_dim3A_671 in 2 : vector<2x1x1x512x128xf32>, vector<2x1x1x512x128xf32> -> vector<2x1x2x512x128xf32>
    %broadcast_in_dim3A_673 = vector.shape_cast %concatenate3A_669 : vector<2x1x2x512x128xf32> to vector<2x1x1x2x512x128xf32>
    %broadcast_in_dim3A_674 = vector.shape_cast %concatenate3A_672 : vector<2x1x2x512x128xf32> to vector<2x1x1x2x512x128xf32>
    %concatenate3A_675 = tpu.concatenate %broadcast_in_dim3A_673, %broadcast_in_dim3A_674 in 1 : vector<2x1x1x2x512x128xf32>, vector<2x1x1x2x512x128xf32> -> vector<2x2x1x2x512x128xf32>
    %reshape3A_676 = vector.shape_cast %concatenate3A_675 : vector<2x2x1x2x512x128xf32> to vector<4096x128xf32>
    %reshape3A_677 = vector.shape_cast %reshape3A_676 : vector<4096x128xf32> to vector<2x2x2x2x256x128xf32>
    %slice3A_678 = vector.extract_strided_slice %reshape3A_677 {offsets = [0, 0, 0, 0, 0, 0], sizes = [2, 1, 2, 1, 256, 128], strides = [1, 1, 1, 1, 1, 1]} : vector<2x2x2x2x256x128xf32> to vector<2x1x2x1x256x128xf32>
    %squeeze3A_679 = vector.shape_cast %slice3A_678 : vector<2x1x2x1x256x128xf32> to vector<2x2x256x128xf32>
    %slice3A_680 = vector.extract_strided_slice %reshape3A_677 {offsets = [0, 0, 0, 1, 0, 0], sizes = [2, 1, 2, 1, 256, 128], strides = [1, 1, 1, 1, 1, 1]} : vector<2x2x2x2x256x128xf32> to vector<2x1x2x1x256x128xf32>
    %squeeze3A_681 = vector.shape_cast %slice3A_680 : vector<2x1x2x1x256x128xf32> to vector<2x2x256x128xf32>
    %max3A_682 = arith.maximumf %squeeze3A_679, %squeeze3A_681 : vector<2x2x256x128xf32>
    %slice3A_683 = vector.extract_strided_slice %reshape3A_677 {offsets = [0, 0, 0, 0, 0, 0], sizes = [2, 1, 2, 1, 256, 128], strides = [1, 1, 1, 1, 1, 1]} : vector<2x2x2x2x256x128xf32> to vector<2x1x2x1x256x128xf32>
    %squeeze3A_684 = vector.shape_cast %slice3A_683 : vector<2x1x2x1x256x128xf32> to vector<2x2x256x128xf32>
    %slice3A_685 = vector.extract_strided_slice %reshape3A_677 {offsets = [0, 0, 0, 1, 0, 0], sizes = [2, 1, 2, 1, 256, 128], strides = [1, 1, 1, 1, 1, 1]} : vector<2x2x2x2x256x128xf32> to vector<2x1x2x1x256x128xf32>
    %squeeze3A_686 = vector.shape_cast %slice3A_685 : vector<2x1x2x1x256x128xf32> to vector<2x2x256x128xf32>
    %min3A_687 = arith.minimumf %squeeze3A_684, %squeeze3A_686 : vector<2x2x256x128xf32>
    %slice3A_688 = vector.extract_strided_slice %reshape3A_677 {offsets = [0, 1, 0, 0, 0, 0], sizes = [2, 1, 2, 1, 256, 128], strides = [1, 1, 1, 1, 1, 1]} : vector<2x2x2x2x256x128xf32> to vector<2x1x2x1x256x128xf32>
    %squeeze3A_689 = vector.shape_cast %slice3A_688 : vector<2x1x2x1x256x128xf32> to vector<2x2x256x128xf32>
    %slice3A_690 = vector.extract_strided_slice %reshape3A_677 {offsets = [0, 1, 0, 1, 0, 0], sizes = [2, 1, 2, 1, 256, 128], strides = [1, 1, 1, 1, 1, 1]} : vector<2x2x2x2x256x128xf32> to vector<2x1x2x1x256x128xf32>
    %squeeze3A_691 = vector.shape_cast %slice3A_690 : vector<2x1x2x1x256x128xf32> to vector<2x2x256x128xf32>
    %min3A_692 = arith.minimumf %squeeze3A_689, %squeeze3A_691 : vector<2x2x256x128xf32>
    %slice3A_693 = vector.extract_strided_slice %reshape3A_677 {offsets = [0, 1, 0, 0, 0, 0], sizes = [2, 1, 2, 1, 256, 128], strides = [1, 1, 1, 1, 1, 1]} : vector<2x2x2x2x256x128xf32> to vector<2x1x2x1x256x128xf32>
    %squeeze3A_694 = vector.shape_cast %slice3A_693 : vector<2x1x2x1x256x128xf32> to vector<2x2x256x128xf32>
    %slice3A_695 = vector.extract_strided_slice %reshape3A_677 {offsets = [0, 1, 0, 1, 0, 0], sizes = [2, 1, 2, 1, 256, 128], strides = [1, 1, 1, 1, 1, 1]} : vector<2x2x2x2x256x128xf32> to vector<2x1x2x1x256x128xf32>
    %squeeze3A_696 = vector.shape_cast %slice3A_695 : vector<2x1x2x1x256x128xf32> to vector<2x2x256x128xf32>
    %max3A_697 = arith.maximumf %squeeze3A_694, %squeeze3A_696 : vector<2x2x256x128xf32>
    %broadcast_in_dim3A_698 = vector.shape_cast %max3A_682 : vector<2x2x256x128xf32> to vector<2x2x1x256x128xf32>
    %broadcast_in_dim3A_699 = vector.shape_cast %min3A_687 : vector<2x2x256x128xf32> to vector<2x2x1x256x128xf32>
    %concatenate3A_700 = tpu.concatenate %broadcast_in_dim3A_698, %broadcast_in_dim3A_699 in 2 : vector<2x2x1x256x128xf32>, vector<2x2x1x256x128xf32> -> vector<2x2x2x256x128xf32>
    %broadcast_in_dim3A_701 = vector.shape_cast %min3A_692 : vector<2x2x256x128xf32> to vector<2x2x1x256x128xf32>
    %broadcast_in_dim3A_702 = vector.shape_cast %max3A_697 : vector<2x2x256x128xf32> to vector<2x2x1x256x128xf32>
    %concatenate3A_703 = tpu.concatenate %broadcast_in_dim3A_701, %broadcast_in_dim3A_702 in 2 : vector<2x2x1x256x128xf32>, vector<2x2x1x256x128xf32> -> vector<2x2x2x256x128xf32>
    %broadcast_in_dim3A_704 = vector.shape_cast %concatenate3A_700 : vector<2x2x2x256x128xf32> to vector<2x1x2x2x256x128xf32>
    %broadcast_in_dim3A_705 = vector.shape_cast %concatenate3A_703 : vector<2x2x2x256x128xf32> to vector<2x1x2x2x256x128xf32>
    %concatenate3A_706 = tpu.concatenate %broadcast_in_dim3A_704, %broadcast_in_dim3A_705 in 1 : vector<2x1x2x2x256x128xf32>, vector<2x1x2x2x256x128xf32> -> vector<2x2x2x2x256x128xf32>
    %reshape3A_707 = vector.shape_cast %concatenate3A_706 : vector<2x2x2x2x256x128xf32> to vector<4096x128xf32>
    %reshape3A_708 = vector.shape_cast %reshape3A_707 : vector<4096x128xf32> to vector<2x2x4x2x128x128xf32>
    %slice3A_709 = vector.extract_strided_slice %reshape3A_708 {offsets = [0, 0, 0, 0, 0, 0], sizes = [2, 1, 4, 1, 128, 128], strides = [1, 1, 1, 1, 1, 1]} : vector<2x2x4x2x128x128xf32> to vector<2x1x4x1x128x128xf32>
    %squeeze3A_710 = vector.shape_cast %slice3A_709 : vector<2x1x4x1x128x128xf32> to vector<2x4x128x128xf32>
    %slice3A_711 = vector.extract_strided_slice %reshape3A_708 {offsets = [0, 0, 0, 1, 0, 0], sizes = [2, 1, 4, 1, 128, 128], strides = [1, 1, 1, 1, 1, 1]} : vector<2x2x4x2x128x128xf32> to vector<2x1x4x1x128x128xf32>
    %squeeze3A_712 = vector.shape_cast %slice3A_711 : vector<2x1x4x1x128x128xf32> to vector<2x4x128x128xf32>
    %max3A_713 = arith.maximumf %squeeze3A_710, %squeeze3A_712 : vector<2x4x128x128xf32>
    %slice3A_714 = vector.extract_strided_slice %reshape3A_708 {offsets = [0, 0, 0, 0, 0, 0], sizes = [2, 1, 4, 1, 128, 128], strides = [1, 1, 1, 1, 1, 1]} : vector<2x2x4x2x128x128xf32> to vector<2x1x4x1x128x128xf32>
    %squeeze3A_715 = vector.shape_cast %slice3A_714 : vector<2x1x4x1x128x128xf32> to vector<2x4x128x128xf32>
    %slice3A_716 = vector.extract_strided_slice %reshape3A_708 {offsets = [0, 0, 0, 1, 0, 0], sizes = [2, 1, 4, 1, 128, 128], strides = [1, 1, 1, 1, 1, 1]} : vector<2x2x4x2x128x128xf32> to vector<2x1x4x1x128x128xf32>
    %squeeze3A_717 = vector.shape_cast %slice3A_716 : vector<2x1x4x1x128x128xf32> to vector<2x4x128x128xf32>
    %min3A_718 = arith.minimumf %squeeze3A_715, %squeeze3A_717 : vector<2x4x128x128xf32>
    %slice3A_719 = vector.extract_strided_slice %reshape3A_708 {offsets = [0, 1, 0, 0, 0, 0], sizes = [2, 1, 4, 1, 128, 128], strides = [1, 1, 1, 1, 1, 1]} : vector<2x2x4x2x128x128xf32> to vector<2x1x4x1x128x128xf32>
    %squeeze3A_720 = vector.shape_cast %slice3A_719 : vector<2x1x4x1x128x128xf32> to vector<2x4x128x128xf32>
    %slice3A_721 = vector.extract_strided_slice %reshape3A_708 {offsets = [0, 1, 0, 1, 0, 0], sizes = [2, 1, 4, 1, 128, 128], strides = [1, 1, 1, 1, 1, 1]} : vector<2x2x4x2x128x128xf32> to vector<2x1x4x1x128x128xf32>
    %squeeze3A_722 = vector.shape_cast %slice3A_721 : vector<2x1x4x1x128x128xf32> to vector<2x4x128x128xf32>
    %min3A_723 = arith.minimumf %squeeze3A_720, %squeeze3A_722 : vector<2x4x128x128xf32>
    %slice3A_724 = vector.extract_strided_slice %reshape3A_708 {offsets = [0, 1, 0, 0, 0, 0], sizes = [2, 1, 4, 1, 128, 128], strides = [1, 1, 1, 1, 1, 1]} : vector<2x2x4x2x128x128xf32> to vector<2x1x4x1x128x128xf32>
    %squeeze3A_725 = vector.shape_cast %slice3A_724 : vector<2x1x4x1x128x128xf32> to vector<2x4x128x128xf32>
    %slice3A_726 = vector.extract_strided_slice %reshape3A_708 {offsets = [0, 1, 0, 1, 0, 0], sizes = [2, 1, 4, 1, 128, 128], strides = [1, 1, 1, 1, 1, 1]} : vector<2x2x4x2x128x128xf32> to vector<2x1x4x1x128x128xf32>
    %squeeze3A_727 = vector.shape_cast %slice3A_726 : vector<2x1x4x1x128x128xf32> to vector<2x4x128x128xf32>
    %max3A_728 = arith.maximumf %squeeze3A_725, %squeeze3A_727 : vector<2x4x128x128xf32>
    %broadcast_in_dim3A_729 = vector.shape_cast %max3A_713 : vector<2x4x128x128xf32> to vector<2x4x1x128x128xf32>
    %broadcast_in_dim3A_730 = vector.shape_cast %min3A_718 : vector<2x4x128x128xf32> to vector<2x4x1x128x128xf32>
    %concatenate3A_731 = tpu.concatenate %broadcast_in_dim3A_729, %broadcast_in_dim3A_730 in 2 : vector<2x4x1x128x128xf32>, vector<2x4x1x128x128xf32> -> vector<2x4x2x128x128xf32>
    %broadcast_in_dim3A_732 = vector.shape_cast %min3A_723 : vector<2x4x128x128xf32> to vector<2x4x1x128x128xf32>
    %broadcast_in_dim3A_733 = vector.shape_cast %max3A_728 : vector<2x4x128x128xf32> to vector<2x4x1x128x128xf32>
    %concatenate3A_734 = tpu.concatenate %broadcast_in_dim3A_732, %broadcast_in_dim3A_733 in 2 : vector<2x4x1x128x128xf32>, vector<2x4x1x128x128xf32> -> vector<2x4x2x128x128xf32>
    %broadcast_in_dim3A_735 = vector.shape_cast %concatenate3A_731 : vector<2x4x2x128x128xf32> to vector<2x1x4x2x128x128xf32>
    %broadcast_in_dim3A_736 = vector.shape_cast %concatenate3A_734 : vector<2x4x2x128x128xf32> to vector<2x1x4x2x128x128xf32>
    %concatenate3A_737 = tpu.concatenate %broadcast_in_dim3A_735, %broadcast_in_dim3A_736 in 1 : vector<2x1x4x2x128x128xf32>, vector<2x1x4x2x128x128xf32> -> vector<2x2x4x2x128x128xf32>
    %reshape3A_738 = vector.shape_cast %concatenate3A_737 : vector<2x2x4x2x128x128xf32> to vector<4096x128xf32>
    %reshape3A_739 = vector.shape_cast %reshape3A_738 : vector<4096x128xf32> to vector<2x2x8x2x64x128xf32>
    %slice3A_740 = vector.extract_strided_slice %reshape3A_739 {offsets = [0, 0, 0, 0, 0, 0], sizes = [2, 1, 8, 1, 64, 128], strides = [1, 1, 1, 1, 1, 1]} : vector<2x2x8x2x64x128xf32> to vector<2x1x8x1x64x128xf32>
    %squeeze3A_741 = vector.shape_cast %slice3A_740 : vector<2x1x8x1x64x128xf32> to vector<2x8x64x128xf32>
    %slice3A_742 = vector.extract_strided_slice %reshape3A_739 {offsets = [0, 0, 0, 1, 0, 0], sizes = [2, 1, 8, 1, 64, 128], strides = [1, 1, 1, 1, 1, 1]} : vector<2x2x8x2x64x128xf32> to vector<2x1x8x1x64x128xf32>
    %squeeze3A_743 = vector.shape_cast %slice3A_742 : vector<2x1x8x1x64x128xf32> to vector<2x8x64x128xf32>
    %max3A_744 = arith.maximumf %squeeze3A_741, %squeeze3A_743 : vector<2x8x64x128xf32>
    %slice3A_745 = vector.extract_strided_slice %reshape3A_739 {offsets = [0, 0, 0, 0, 0, 0], sizes = [2, 1, 8, 1, 64, 128], strides = [1, 1, 1, 1, 1, 1]} : vector<2x2x8x2x64x128xf32> to vector<2x1x8x1x64x128xf32>
    %squeeze3A_746 = vector.shape_cast %slice3A_745 : vector<2x1x8x1x64x128xf32> to vector<2x8x64x128xf32>
    %slice3A_747 = vector.extract_strided_slice %reshape3A_739 {offsets = [0, 0, 0, 1, 0, 0], sizes = [2, 1, 8, 1, 64, 128], strides = [1, 1, 1, 1, 1, 1]} : vector<2x2x8x2x64x128xf32> to vector<2x1x8x1x64x128xf32>
    %squeeze3A_748 = vector.shape_cast %slice3A_747 : vector<2x1x8x1x64x128xf32> to vector<2x8x64x128xf32>
    %min3A_749 = arith.minimumf %squeeze3A_746, %squeeze3A_748 : vector<2x8x64x128xf32>
    %slice3A_750 = vector.extract_strided_slice %reshape3A_739 {offsets = [0, 1, 0, 0, 0, 0], sizes = [2, 1, 8, 1, 64, 128], strides = [1, 1, 1, 1, 1, 1]} : vector<2x2x8x2x64x128xf32> to vector<2x1x8x1x64x128xf32>
    %squeeze3A_751 = vector.shape_cast %slice3A_750 : vector<2x1x8x1x64x128xf32> to vector<2x8x64x128xf32>
    %slice3A_752 = vector.extract_strided_slice %reshape3A_739 {offsets = [0, 1, 0, 1, 0, 0], sizes = [2, 1, 8, 1, 64, 128], strides = [1, 1, 1, 1, 1, 1]} : vector<2x2x8x2x64x128xf32> to vector<2x1x8x1x64x128xf32>
    %squeeze3A_753 = vector.shape_cast %slice3A_752 : vector<2x1x8x1x64x128xf32> to vector<2x8x64x128xf32>
    %min3A_754 = arith.minimumf %squeeze3A_751, %squeeze3A_753 : vector<2x8x64x128xf32>
    %slice3A_755 = vector.extract_strided_slice %reshape3A_739 {offsets = [0, 1, 0, 0, 0, 0], sizes = [2, 1, 8, 1, 64, 128], strides = [1, 1, 1, 1, 1, 1]} : vector<2x2x8x2x64x128xf32> to vector<2x1x8x1x64x128xf32>
    %squeeze3A_756 = vector.shape_cast %slice3A_755 : vector<2x1x8x1x64x128xf32> to vector<2x8x64x128xf32>
    %slice3A_757 = vector.extract_strided_slice %reshape3A_739 {offsets = [0, 1, 0, 1, 0, 0], sizes = [2, 1, 8, 1, 64, 128], strides = [1, 1, 1, 1, 1, 1]} : vector<2x2x8x2x64x128xf32> to vector<2x1x8x1x64x128xf32>
    %squeeze3A_758 = vector.shape_cast %slice3A_757 : vector<2x1x8x1x64x128xf32> to vector<2x8x64x128xf32>
    %max3A_759 = arith.maximumf %squeeze3A_756, %squeeze3A_758 : vector<2x8x64x128xf32>
    %broadcast_in_dim3A_760 = vector.shape_cast %max3A_744 : vector<2x8x64x128xf32> to vector<2x8x1x64x128xf32>
    %broadcast_in_dim3A_761 = vector.shape_cast %min3A_749 : vector<2x8x64x128xf32> to vector<2x8x1x64x128xf32>
    %concatenate3A_762 = tpu.concatenate %broadcast_in_dim3A_760, %broadcast_in_dim3A_761 in 2 : vector<2x8x1x64x128xf32>, vector<2x8x1x64x128xf32> -> vector<2x8x2x64x128xf32>
    %broadcast_in_dim3A_763 = vector.shape_cast %min3A_754 : vector<2x8x64x128xf32> to vector<2x8x1x64x128xf32>
    %broadcast_in_dim3A_764 = vector.shape_cast %max3A_759 : vector<2x8x64x128xf32> to vector<2x8x1x64x128xf32>
    %concatenate3A_765 = tpu.concatenate %broadcast_in_dim3A_763, %broadcast_in_dim3A_764 in 2 : vector<2x8x1x64x128xf32>, vector<2x8x1x64x128xf32> -> vector<2x8x2x64x128xf32>
    %broadcast_in_dim3A_766 = vector.shape_cast %concatenate3A_762 : vector<2x8x2x64x128xf32> to vector<2x1x8x2x64x128xf32>
    %broadcast_in_dim3A_767 = vector.shape_cast %concatenate3A_765 : vector<2x8x2x64x128xf32> to vector<2x1x8x2x64x128xf32>
    %concatenate3A_768 = tpu.concatenate %broadcast_in_dim3A_766, %broadcast_in_dim3A_767 in 1 : vector<2x1x8x2x64x128xf32>, vector<2x1x8x2x64x128xf32> -> vector<2x2x8x2x64x128xf32>
    %reshape3A_769 = vector.shape_cast %concatenate3A_768 : vector<2x2x8x2x64x128xf32> to vector<4096x128xf32>
    %reshape3A_770 = vector.shape_cast %reshape3A_769 : vector<4096x128xf32> to vector<2x2x16x2x32x128xf32>
    %slice3A_771 = vector.extract_strided_slice %reshape3A_770 {offsets = [0, 0, 0, 0, 0, 0], sizes = [2, 1, 16, 1, 32, 128], strides = [1, 1, 1, 1, 1, 1]} : vector<2x2x16x2x32x128xf32> to vector<2x1x16x1x32x128xf32>
    %squeeze3A_772 = vector.shape_cast %slice3A_771 : vector<2x1x16x1x32x128xf32> to vector<2x16x32x128xf32>
    %slice3A_773 = vector.extract_strided_slice %reshape3A_770 {offsets = [0, 0, 0, 1, 0, 0], sizes = [2, 1, 16, 1, 32, 128], strides = [1, 1, 1, 1, 1, 1]} : vector<2x2x16x2x32x128xf32> to vector<2x1x16x1x32x128xf32>
    %squeeze3A_774 = vector.shape_cast %slice3A_773 : vector<2x1x16x1x32x128xf32> to vector<2x16x32x128xf32>
    %max3A_775 = arith.maximumf %squeeze3A_772, %squeeze3A_774 : vector<2x16x32x128xf32>
    %slice3A_776 = vector.extract_strided_slice %reshape3A_770 {offsets = [0, 0, 0, 0, 0, 0], sizes = [2, 1, 16, 1, 32, 128], strides = [1, 1, 1, 1, 1, 1]} : vector<2x2x16x2x32x128xf32> to vector<2x1x16x1x32x128xf32>
    %squeeze3A_777 = vector.shape_cast %slice3A_776 : vector<2x1x16x1x32x128xf32> to vector<2x16x32x128xf32>
    %slice3A_778 = vector.extract_strided_slice %reshape3A_770 {offsets = [0, 0, 0, 1, 0, 0], sizes = [2, 1, 16, 1, 32, 128], strides = [1, 1, 1, 1, 1, 1]} : vector<2x2x16x2x32x128xf32> to vector<2x1x16x1x32x128xf32>
    %squeeze3A_779 = vector.shape_cast %slice3A_778 : vector<2x1x16x1x32x128xf32> to vector<2x16x32x128xf32>
    %min3A_780 = arith.minimumf %squeeze3A_777, %squeeze3A_779 : vector<2x16x32x128xf32>
    %slice3A_781 = vector.extract_strided_slice %reshape3A_770 {offsets = [0, 1, 0, 0, 0, 0], sizes = [2, 1, 16, 1, 32, 128], strides = [1, 1, 1, 1, 1, 1]} : vector<2x2x16x2x32x128xf32> to vector<2x1x16x1x32x128xf32>
    %squeeze3A_782 = vector.shape_cast %slice3A_781 : vector<2x1x16x1x32x128xf32> to vector<2x16x32x128xf32>
    %slice3A_783 = vector.extract_strided_slice %reshape3A_770 {offsets = [0, 1, 0, 1, 0, 0], sizes = [2, 1, 16, 1, 32, 128], strides = [1, 1, 1, 1, 1, 1]} : vector<2x2x16x2x32x128xf32> to vector<2x1x16x1x32x128xf32>
    %squeeze3A_784 = vector.shape_cast %slice3A_783 : vector<2x1x16x1x32x128xf32> to vector<2x16x32x128xf32>
    %min3A_785 = arith.minimumf %squeeze3A_782, %squeeze3A_784 : vector<2x16x32x128xf32>
    %slice3A_786 = vector.extract_strided_slice %reshape3A_770 {offsets = [0, 1, 0, 0, 0, 0], sizes = [2, 1, 16, 1, 32, 128], strides = [1, 1, 1, 1, 1, 1]} : vector<2x2x16x2x32x128xf32> to vector<2x1x16x1x32x128xf32>
    %squeeze3A_787 = vector.shape_cast %slice3A_786 : vector<2x1x16x1x32x128xf32> to vector<2x16x32x128xf32>
    %slice3A_788 = vector.extract_strided_slice %reshape3A_770 {offsets = [0, 1, 0, 1, 0, 0], sizes = [2, 1, 16, 1, 32, 128], strides = [1, 1, 1, 1, 1, 1]} : vector<2x2x16x2x32x128xf32> to vector<2x1x16x1x32x128xf32>
    %squeeze3A_789 = vector.shape_cast %slice3A_788 : vector<2x1x16x1x32x128xf32> to vector<2x16x32x128xf32>
    %max3A_790 = arith.maximumf %squeeze3A_787, %squeeze3A_789 : vector<2x16x32x128xf32>
    %broadcast_in_dim3A_791 = vector.shape_cast %max3A_775 : vector<2x16x32x128xf32> to vector<2x16x1x32x128xf32>
    %broadcast_in_dim3A_792 = vector.shape_cast %min3A_780 : vector<2x16x32x128xf32> to vector<2x16x1x32x128xf32>
    %concatenate3A_793 = tpu.concatenate %broadcast_in_dim3A_791, %broadcast_in_dim3A_792 in 2 : vector<2x16x1x32x128xf32>, vector<2x16x1x32x128xf32> -> vector<2x16x2x32x128xf32>
    %broadcast_in_dim3A_794 = vector.shape_cast %min3A_785 : vector<2x16x32x128xf32> to vector<2x16x1x32x128xf32>
    %broadcast_in_dim3A_795 = vector.shape_cast %max3A_790 : vector<2x16x32x128xf32> to vector<2x16x1x32x128xf32>
    %concatenate3A_796 = tpu.concatenate %broadcast_in_dim3A_794, %broadcast_in_dim3A_795 in 2 : vector<2x16x1x32x128xf32>, vector<2x16x1x32x128xf32> -> vector<2x16x2x32x128xf32>
    %broadcast_in_dim3A_797 = vector.shape_cast %concatenate3A_793 : vector<2x16x2x32x128xf32> to vector<2x1x16x2x32x128xf32>
    %broadcast_in_dim3A_798 = vector.shape_cast %concatenate3A_796 : vector<2x16x2x32x128xf32> to vector<2x1x16x2x32x128xf32>
    %concatenate3A_799 = tpu.concatenate %broadcast_in_dim3A_797, %broadcast_in_dim3A_798 in 1 : vector<2x1x16x2x32x128xf32>, vector<2x1x16x2x32x128xf32> -> vector<2x2x16x2x32x128xf32>
    %reshape3A_800 = vector.shape_cast %concatenate3A_799 : vector<2x2x16x2x32x128xf32> to vector<4096x128xf32>
    %reshape3A_801 = vector.shape_cast %reshape3A_800 : vector<4096x128xf32> to vector<2x2x32x2x16x128xf32>
    %slice3A_802 = vector.extract_strided_slice %reshape3A_801 {offsets = [0, 0, 0, 0, 0, 0], sizes = [2, 1, 32, 1, 16, 128], strides = [1, 1, 1, 1, 1, 1]} : vector<2x2x32x2x16x128xf32> to vector<2x1x32x1x16x128xf32>
    %squeeze3A_803 = vector.shape_cast %slice3A_802 : vector<2x1x32x1x16x128xf32> to vector<2x32x16x128xf32>
    %slice3A_804 = vector.extract_strided_slice %reshape3A_801 {offsets = [0, 0, 0, 1, 0, 0], sizes = [2, 1, 32, 1, 16, 128], strides = [1, 1, 1, 1, 1, 1]} : vector<2x2x32x2x16x128xf32> to vector<2x1x32x1x16x128xf32>
    %squeeze3A_805 = vector.shape_cast %slice3A_804 : vector<2x1x32x1x16x128xf32> to vector<2x32x16x128xf32>
    %max3A_806 = arith.maximumf %squeeze3A_803, %squeeze3A_805 : vector<2x32x16x128xf32>
    %slice3A_807 = vector.extract_strided_slice %reshape3A_801 {offsets = [0, 0, 0, 0, 0, 0], sizes = [2, 1, 32, 1, 16, 128], strides = [1, 1, 1, 1, 1, 1]} : vector<2x2x32x2x16x128xf32> to vector<2x1x32x1x16x128xf32>
    %squeeze3A_808 = vector.shape_cast %slice3A_807 : vector<2x1x32x1x16x128xf32> to vector<2x32x16x128xf32>
    %slice3A_809 = vector.extract_strided_slice %reshape3A_801 {offsets = [0, 0, 0, 1, 0, 0], sizes = [2, 1, 32, 1, 16, 128], strides = [1, 1, 1, 1, 1, 1]} : vector<2x2x32x2x16x128xf32> to vector<2x1x32x1x16x128xf32>
    %squeeze3A_810 = vector.shape_cast %slice3A_809 : vector<2x1x32x1x16x128xf32> to vector<2x32x16x128xf32>
    %min3A_811 = arith.minimumf %squeeze3A_808, %squeeze3A_810 : vector<2x32x16x128xf32>
    %slice3A_812 = vector.extract_strided_slice %reshape3A_801 {offsets = [0, 1, 0, 0, 0, 0], sizes = [2, 1, 32, 1, 16, 128], strides = [1, 1, 1, 1, 1, 1]} : vector<2x2x32x2x16x128xf32> to vector<2x1x32x1x16x128xf32>
    %squeeze3A_813 = vector.shape_cast %slice3A_812 : vector<2x1x32x1x16x128xf32> to vector<2x32x16x128xf32>
    %slice3A_814 = vector.extract_strided_slice %reshape3A_801 {offsets = [0, 1, 0, 1, 0, 0], sizes = [2, 1, 32, 1, 16, 128], strides = [1, 1, 1, 1, 1, 1]} : vector<2x2x32x2x16x128xf32> to vector<2x1x32x1x16x128xf32>
    %squeeze3A_815 = vector.shape_cast %slice3A_814 : vector<2x1x32x1x16x128xf32> to vector<2x32x16x128xf32>
    %min3A_816 = arith.minimumf %squeeze3A_813, %squeeze3A_815 : vector<2x32x16x128xf32>
    %slice3A_817 = vector.extract_strided_slice %reshape3A_801 {offsets = [0, 1, 0, 0, 0, 0], sizes = [2, 1, 32, 1, 16, 128], strides = [1, 1, 1, 1, 1, 1]} : vector<2x2x32x2x16x128xf32> to vector<2x1x32x1x16x128xf32>
    %squeeze3A_818 = vector.shape_cast %slice3A_817 : vector<2x1x32x1x16x128xf32> to vector<2x32x16x128xf32>
    %slice3A_819 = vector.extract_strided_slice %reshape3A_801 {offsets = [0, 1, 0, 1, 0, 0], sizes = [2, 1, 32, 1, 16, 128], strides = [1, 1, 1, 1, 1, 1]} : vector<2x2x32x2x16x128xf32> to vector<2x1x32x1x16x128xf32>
    %squeeze3A_820 = vector.shape_cast %slice3A_819 : vector<2x1x32x1x16x128xf32> to vector<2x32x16x128xf32>
    %max3A_821 = arith.maximumf %squeeze3A_818, %squeeze3A_820 : vector<2x32x16x128xf32>
    %broadcast_in_dim3A_822 = vector.shape_cast %max3A_806 : vector<2x32x16x128xf32> to vector<2x32x1x16x128xf32>
    %broadcast_in_dim3A_823 = vector.shape_cast %min3A_811 : vector<2x32x16x128xf32> to vector<2x32x1x16x128xf32>
    %concatenate3A_824 = tpu.concatenate %broadcast_in_dim3A_822, %broadcast_in_dim3A_823 in 2 : vector<2x32x1x16x128xf32>, vector<2x32x1x16x128xf32> -> vector<2x32x2x16x128xf32>
    %broadcast_in_dim3A_825 = vector.shape_cast %min3A_816 : vector<2x32x16x128xf32> to vector<2x32x1x16x128xf32>
    %broadcast_in_dim3A_826 = vector.shape_cast %max3A_821 : vector<2x32x16x128xf32> to vector<2x32x1x16x128xf32>
    %concatenate3A_827 = tpu.concatenate %broadcast_in_dim3A_825, %broadcast_in_dim3A_826 in 2 : vector<2x32x1x16x128xf32>, vector<2x32x1x16x128xf32> -> vector<2x32x2x16x128xf32>
    %broadcast_in_dim3A_828 = vector.shape_cast %concatenate3A_824 : vector<2x32x2x16x128xf32> to vector<2x1x32x2x16x128xf32>
    %broadcast_in_dim3A_829 = vector.shape_cast %concatenate3A_827 : vector<2x32x2x16x128xf32> to vector<2x1x32x2x16x128xf32>
    %concatenate3A_830 = tpu.concatenate %broadcast_in_dim3A_828, %broadcast_in_dim3A_829 in 1 : vector<2x1x32x2x16x128xf32>, vector<2x1x32x2x16x128xf32> -> vector<2x2x32x2x16x128xf32>
    %reshape3A_831 = vector.shape_cast %concatenate3A_830 : vector<2x2x32x2x16x128xf32> to vector<4096x128xf32>
    %reshape3A_832 = vector.shape_cast %reshape3A_831 : vector<4096x128xf32> to vector<2x2x64x2x8x128xf32>
    %slice3A_833 = vector.extract_strided_slice %reshape3A_832 {offsets = [0, 0, 0, 0, 0, 0], sizes = [2, 1, 64, 1, 8, 128], strides = [1, 1, 1, 1, 1, 1]} : vector<2x2x64x2x8x128xf32> to vector<2x1x64x1x8x128xf32>
    %squeeze3A_834 = vector.shape_cast %slice3A_833 : vector<2x1x64x1x8x128xf32> to vector<2x64x8x128xf32>
    %slice3A_835 = vector.extract_strided_slice %reshape3A_832 {offsets = [0, 0, 0, 1, 0, 0], sizes = [2, 1, 64, 1, 8, 128], strides = [1, 1, 1, 1, 1, 1]} : vector<2x2x64x2x8x128xf32> to vector<2x1x64x1x8x128xf32>
    %squeeze3A_836 = vector.shape_cast %slice3A_835 : vector<2x1x64x1x8x128xf32> to vector<2x64x8x128xf32>
    %max3A_837 = arith.maximumf %squeeze3A_834, %squeeze3A_836 : vector<2x64x8x128xf32>
    %slice3A_838 = vector.extract_strided_slice %reshape3A_832 {offsets = [0, 0, 0, 0, 0, 0], sizes = [2, 1, 64, 1, 8, 128], strides = [1, 1, 1, 1, 1, 1]} : vector<2x2x64x2x8x128xf32> to vector<2x1x64x1x8x128xf32>
    %squeeze3A_839 = vector.shape_cast %slice3A_838 : vector<2x1x64x1x8x128xf32> to vector<2x64x8x128xf32>
    %slice3A_840 = vector.extract_strided_slice %reshape3A_832 {offsets = [0, 0, 0, 1, 0, 0], sizes = [2, 1, 64, 1, 8, 128], strides = [1, 1, 1, 1, 1, 1]} : vector<2x2x64x2x8x128xf32> to vector<2x1x64x1x8x128xf32>
    %squeeze3A_841 = vector.shape_cast %slice3A_840 : vector<2x1x64x1x8x128xf32> to vector<2x64x8x128xf32>
    %min3A_842 = arith.minimumf %squeeze3A_839, %squeeze3A_841 : vector<2x64x8x128xf32>
    %slice3A_843 = vector.extract_strided_slice %reshape3A_832 {offsets = [0, 1, 0, 0, 0, 0], sizes = [2, 1, 64, 1, 8, 128], strides = [1, 1, 1, 1, 1, 1]} : vector<2x2x64x2x8x128xf32> to vector<2x1x64x1x8x128xf32>
    %squeeze3A_844 = vector.shape_cast %slice3A_843 : vector<2x1x64x1x8x128xf32> to vector<2x64x8x128xf32>
    %slice3A_845 = vector.extract_strided_slice %reshape3A_832 {offsets = [0, 1, 0, 1, 0, 0], sizes = [2, 1, 64, 1, 8, 128], strides = [1, 1, 1, 1, 1, 1]} : vector<2x2x64x2x8x128xf32> to vector<2x1x64x1x8x128xf32>
    %squeeze3A_846 = vector.shape_cast %slice3A_845 : vector<2x1x64x1x8x128xf32> to vector<2x64x8x128xf32>
    %min3A_847 = arith.minimumf %squeeze3A_844, %squeeze3A_846 : vector<2x64x8x128xf32>
    %slice3A_848 = vector.extract_strided_slice %reshape3A_832 {offsets = [0, 1, 0, 0, 0, 0], sizes = [2, 1, 64, 1, 8, 128], strides = [1, 1, 1, 1, 1, 1]} : vector<2x2x64x2x8x128xf32> to vector<2x1x64x1x8x128xf32>
    %squeeze3A_849 = vector.shape_cast %slice3A_848 : vector<2x1x64x1x8x128xf32> to vector<2x64x8x128xf32>
    %slice3A_850 = vector.extract_strided_slice %reshape3A_832 {offsets = [0, 1, 0, 1, 0, 0], sizes = [2, 1, 64, 1, 8, 128], strides = [1, 1, 1, 1, 1, 1]} : vector<2x2x64x2x8x128xf32> to vector<2x1x64x1x8x128xf32>
    %squeeze3A_851 = vector.shape_cast %slice3A_850 : vector<2x1x64x1x8x128xf32> to vector<2x64x8x128xf32>
    %max3A_852 = arith.maximumf %squeeze3A_849, %squeeze3A_851 : vector<2x64x8x128xf32>
    %broadcast_in_dim3A_853 = vector.shape_cast %max3A_837 : vector<2x64x8x128xf32> to vector<2x64x1x8x128xf32>
    %broadcast_in_dim3A_854 = vector.shape_cast %min3A_842 : vector<2x64x8x128xf32> to vector<2x64x1x8x128xf32>
    %concatenate3A_855 = tpu.concatenate %broadcast_in_dim3A_853, %broadcast_in_dim3A_854 in 2 : vector<2x64x1x8x128xf32>, vector<2x64x1x8x128xf32> -> vector<2x64x2x8x128xf32>
    %broadcast_in_dim3A_856 = vector.shape_cast %min3A_847 : vector<2x64x8x128xf32> to vector<2x64x1x8x128xf32>
    %broadcast_in_dim3A_857 = vector.shape_cast %max3A_852 : vector<2x64x8x128xf32> to vector<2x64x1x8x128xf32>
    %concatenate3A_858 = tpu.concatenate %broadcast_in_dim3A_856, %broadcast_in_dim3A_857 in 2 : vector<2x64x1x8x128xf32>, vector<2x64x1x8x128xf32> -> vector<2x64x2x8x128xf32>
    %broadcast_in_dim3A_859 = vector.shape_cast %concatenate3A_855 : vector<2x64x2x8x128xf32> to vector<2x1x64x2x8x128xf32>
    %broadcast_in_dim3A_860 = vector.shape_cast %concatenate3A_858 : vector<2x64x2x8x128xf32> to vector<2x1x64x2x8x128xf32>
    %concatenate3A_861 = tpu.concatenate %broadcast_in_dim3A_859, %broadcast_in_dim3A_860 in 1 : vector<2x1x64x2x8x128xf32>, vector<2x1x64x2x8x128xf32> -> vector<2x2x64x2x8x128xf32>
    %reshape3A_862 = vector.shape_cast %concatenate3A_861 : vector<2x2x64x2x8x128xf32> to vector<4096x128xf32>
    %reshape3A_863 = vector.shape_cast %reshape3A_862 : vector<4096x128xf32> to vector<1x2x1x2x1024x128xf32>
    %slice3A_864 = vector.extract_strided_slice %reshape3A_863 {offsets = [0, 0, 0, 0, 0, 0], sizes = [1, 1, 1, 1, 1024, 128], strides = [1, 1, 1, 1, 1, 1]} : vector<1x2x1x2x1024x128xf32> to vector<1x1x1x1x1024x128xf32>
    %squeeze3A_865 = vector.shape_cast %slice3A_864 : vector<1x1x1x1x1024x128xf32> to vector<1x1x1024x128xf32>
    %slice3A_866 = vector.extract_strided_slice %reshape3A_863 {offsets = [0, 0, 0, 1, 0, 0], sizes = [1, 1, 1, 1, 1024, 128], strides = [1, 1, 1, 1, 1, 1]} : vector<1x2x1x2x1024x128xf32> to vector<1x1x1x1x1024x128xf32>
    %squeeze3A_867 = vector.shape_cast %slice3A_866 : vector<1x1x1x1x1024x128xf32> to vector<1x1x1024x128xf32>
    %max3A_868 = arith.maximumf %squeeze3A_865, %squeeze3A_867 : vector<1x1x1024x128xf32>
    %slice3A_869 = vector.extract_strided_slice %reshape3A_863 {offsets = [0, 0, 0, 0, 0, 0], sizes = [1, 1, 1, 1, 1024, 128], strides = [1, 1, 1, 1, 1, 1]} : vector<1x2x1x2x1024x128xf32> to vector<1x1x1x1x1024x128xf32>
    %squeeze3A_870 = vector.shape_cast %slice3A_869 : vector<1x1x1x1x1024x128xf32> to vector<1x1x1024x128xf32>
    %slice3A_871 = vector.extract_strided_slice %reshape3A_863 {offsets = [0, 0, 0, 1, 0, 0], sizes = [1, 1, 1, 1, 1024, 128], strides = [1, 1, 1, 1, 1, 1]} : vector<1x2x1x2x1024x128xf32> to vector<1x1x1x1x1024x128xf32>
    %squeeze3A_872 = vector.shape_cast %slice3A_871 : vector<1x1x1x1x1024x128xf32> to vector<1x1x1024x128xf32>
    %min3A_873 = arith.minimumf %squeeze3A_870, %squeeze3A_872 : vector<1x1x1024x128xf32>
    %slice3A_874 = vector.extract_strided_slice %reshape3A_863 {offsets = [0, 1, 0, 0, 0, 0], sizes = [1, 1, 1, 1, 1024, 128], strides = [1, 1, 1, 1, 1, 1]} : vector<1x2x1x2x1024x128xf32> to vector<1x1x1x1x1024x128xf32>
    %squeeze3A_875 = vector.shape_cast %slice3A_874 : vector<1x1x1x1x1024x128xf32> to vector<1x1x1024x128xf32>
    %slice3A_876 = vector.extract_strided_slice %reshape3A_863 {offsets = [0, 1, 0, 1, 0, 0], sizes = [1, 1, 1, 1, 1024, 128], strides = [1, 1, 1, 1, 1, 1]} : vector<1x2x1x2x1024x128xf32> to vector<1x1x1x1x1024x128xf32>
    %squeeze3A_877 = vector.shape_cast %slice3A_876 : vector<1x1x1x1x1024x128xf32> to vector<1x1x1024x128xf32>
    %min3A_878 = arith.minimumf %squeeze3A_875, %squeeze3A_877 : vector<1x1x1024x128xf32>
    %slice3A_879 = vector.extract_strided_slice %reshape3A_863 {offsets = [0, 1, 0, 0, 0, 0], sizes = [1, 1, 1, 1, 1024, 128], strides = [1, 1, 1, 1, 1, 1]} : vector<1x2x1x2x1024x128xf32> to vector<1x1x1x1x1024x128xf32>
    %squeeze3A_880 = vector.shape_cast %slice3A_879 : vector<1x1x1x1x1024x128xf32> to vector<1x1x1024x128xf32>
    %slice3A_881 = vector.extract_strided_slice %reshape3A_863 {offsets = [0, 1, 0, 1, 0, 0], sizes = [1, 1, 1, 1, 1024, 128], strides = [1, 1, 1, 1, 1, 1]} : vector<1x2x1x2x1024x128xf32> to vector<1x1x1x1x1024x128xf32>
    %squeeze3A_882 = vector.shape_cast %slice3A_881 : vector<1x1x1x1x1024x128xf32> to vector<1x1x1024x128xf32>
    %max3A_883 = arith.maximumf %squeeze3A_880, %squeeze3A_882 : vector<1x1x1024x128xf32>
    %broadcast_in_dim3A_884 = vector.shape_cast %max3A_868 : vector<1x1x1024x128xf32> to vector<1x1x1x1024x128xf32>
    %broadcast_in_dim3A_885 = vector.shape_cast %min3A_873 : vector<1x1x1024x128xf32> to vector<1x1x1x1024x128xf32>
    %concatenate3A_886 = tpu.concatenate %broadcast_in_dim3A_884, %broadcast_in_dim3A_885 in 2 : vector<1x1x1x1024x128xf32>, vector<1x1x1x1024x128xf32> -> vector<1x1x2x1024x128xf32>
    %broadcast_in_dim3A_887 = vector.shape_cast %min3A_878 : vector<1x1x1024x128xf32> to vector<1x1x1x1024x128xf32>
    %broadcast_in_dim3A_888 = vector.shape_cast %max3A_883 : vector<1x1x1024x128xf32> to vector<1x1x1x1024x128xf32>
    %concatenate3A_889 = tpu.concatenate %broadcast_in_dim3A_887, %broadcast_in_dim3A_888 in 2 : vector<1x1x1x1024x128xf32>, vector<1x1x1x1024x128xf32> -> vector<1x1x2x1024x128xf32>
    %broadcast_in_dim3A_890 = vector.shape_cast %concatenate3A_886 : vector<1x1x2x1024x128xf32> to vector<1x1x1x2x1024x128xf32>
    %broadcast_in_dim3A_891 = vector.shape_cast %concatenate3A_889 : vector<1x1x2x1024x128xf32> to vector<1x1x1x2x1024x128xf32>
    %concatenate3A_892 = tpu.concatenate %broadcast_in_dim3A_890, %broadcast_in_dim3A_891 in 1 : vector<1x1x1x2x1024x128xf32>, vector<1x1x1x2x1024x128xf32> -> vector<1x2x1x2x1024x128xf32>
    %reshape3A_893 = vector.shape_cast %concatenate3A_892 : vector<1x2x1x2x1024x128xf32> to vector<4096x128xf32>
    %reshape3A_894 = vector.shape_cast %reshape3A_893 : vector<4096x128xf32> to vector<1x2x2x2x512x128xf32>
    %slice3A_895 = vector.extract_strided_slice %reshape3A_894 {offsets = [0, 0, 0, 0, 0, 0], sizes = [1, 1, 2, 1, 512, 128], strides = [1, 1, 1, 1, 1, 1]} : vector<1x2x2x2x512x128xf32> to vector<1x1x2x1x512x128xf32>
    %squeeze3A_896 = vector.shape_cast %slice3A_895 : vector<1x1x2x1x512x128xf32> to vector<1x2x512x128xf32>
    %slice3A_897 = vector.extract_strided_slice %reshape3A_894 {offsets = [0, 0, 0, 1, 0, 0], sizes = [1, 1, 2, 1, 512, 128], strides = [1, 1, 1, 1, 1, 1]} : vector<1x2x2x2x512x128xf32> to vector<1x1x2x1x512x128xf32>
    %squeeze3A_898 = vector.shape_cast %slice3A_897 : vector<1x1x2x1x512x128xf32> to vector<1x2x512x128xf32>
    %max3A_899 = arith.maximumf %squeeze3A_896, %squeeze3A_898 : vector<1x2x512x128xf32>
    %slice3A_900 = vector.extract_strided_slice %reshape3A_894 {offsets = [0, 0, 0, 0, 0, 0], sizes = [1, 1, 2, 1, 512, 128], strides = [1, 1, 1, 1, 1, 1]} : vector<1x2x2x2x512x128xf32> to vector<1x1x2x1x512x128xf32>
    %squeeze3A_901 = vector.shape_cast %slice3A_900 : vector<1x1x2x1x512x128xf32> to vector<1x2x512x128xf32>
    %slice3A_902 = vector.extract_strided_slice %reshape3A_894 {offsets = [0, 0, 0, 1, 0, 0], sizes = [1, 1, 2, 1, 512, 128], strides = [1, 1, 1, 1, 1, 1]} : vector<1x2x2x2x512x128xf32> to vector<1x1x2x1x512x128xf32>
    %squeeze3A_903 = vector.shape_cast %slice3A_902 : vector<1x1x2x1x512x128xf32> to vector<1x2x512x128xf32>
    %min3A_904 = arith.minimumf %squeeze3A_901, %squeeze3A_903 : vector<1x2x512x128xf32>
    %slice3A_905 = vector.extract_strided_slice %reshape3A_894 {offsets = [0, 1, 0, 0, 0, 0], sizes = [1, 1, 2, 1, 512, 128], strides = [1, 1, 1, 1, 1, 1]} : vector<1x2x2x2x512x128xf32> to vector<1x1x2x1x512x128xf32>
    %squeeze3A_906 = vector.shape_cast %slice3A_905 : vector<1x1x2x1x512x128xf32> to vector<1x2x512x128xf32>
    %slice3A_907 = vector.extract_strided_slice %reshape3A_894 {offsets = [0, 1, 0, 1, 0, 0], sizes = [1, 1, 2, 1, 512, 128], strides = [1, 1, 1, 1, 1, 1]} : vector<1x2x2x2x512x128xf32> to vector<1x1x2x1x512x128xf32>
    %squeeze3A_908 = vector.shape_cast %slice3A_907 : vector<1x1x2x1x512x128xf32> to vector<1x2x512x128xf32>
    %min3A_909 = arith.minimumf %squeeze3A_906, %squeeze3A_908 : vector<1x2x512x128xf32>
    %slice3A_910 = vector.extract_strided_slice %reshape3A_894 {offsets = [0, 1, 0, 0, 0, 0], sizes = [1, 1, 2, 1, 512, 128], strides = [1, 1, 1, 1, 1, 1]} : vector<1x2x2x2x512x128xf32> to vector<1x1x2x1x512x128xf32>
    %squeeze3A_911 = vector.shape_cast %slice3A_910 : vector<1x1x2x1x512x128xf32> to vector<1x2x512x128xf32>
    %slice3A_912 = vector.extract_strided_slice %reshape3A_894 {offsets = [0, 1, 0, 1, 0, 0], sizes = [1, 1, 2, 1, 512, 128], strides = [1, 1, 1, 1, 1, 1]} : vector<1x2x2x2x512x128xf32> to vector<1x1x2x1x512x128xf32>
    %squeeze3A_913 = vector.shape_cast %slice3A_912 : vector<1x1x2x1x512x128xf32> to vector<1x2x512x128xf32>
    %max3A_914 = arith.maximumf %squeeze3A_911, %squeeze3A_913 : vector<1x2x512x128xf32>
    %broadcast_in_dim3A_915 = vector.shape_cast %max3A_899 : vector<1x2x512x128xf32> to vector<1x2x1x512x128xf32>
    %broadcast_in_dim3A_916 = vector.shape_cast %min3A_904 : vector<1x2x512x128xf32> to vector<1x2x1x512x128xf32>
    %concatenate3A_917 = tpu.concatenate %broadcast_in_dim3A_915, %broadcast_in_dim3A_916 in 2 : vector<1x2x1x512x128xf32>, vector<1x2x1x512x128xf32> -> vector<1x2x2x512x128xf32>
    %broadcast_in_dim3A_918 = vector.shape_cast %min3A_909 : vector<1x2x512x128xf32> to vector<1x2x1x512x128xf32>
    %broadcast_in_dim3A_919 = vector.shape_cast %max3A_914 : vector<1x2x512x128xf32> to vector<1x2x1x512x128xf32>
    %concatenate3A_920 = tpu.concatenate %broadcast_in_dim3A_918, %broadcast_in_dim3A_919 in 2 : vector<1x2x1x512x128xf32>, vector<1x2x1x512x128xf32> -> vector<1x2x2x512x128xf32>
    %broadcast_in_dim3A_921 = vector.shape_cast %concatenate3A_917 : vector<1x2x2x512x128xf32> to vector<1x1x2x2x512x128xf32>
    %broadcast_in_dim3A_922 = vector.shape_cast %concatenate3A_920 : vector<1x2x2x512x128xf32> to vector<1x1x2x2x512x128xf32>
    %concatenate3A_923 = tpu.concatenate %broadcast_in_dim3A_921, %broadcast_in_dim3A_922 in 1 : vector<1x1x2x2x512x128xf32>, vector<1x1x2x2x512x128xf32> -> vector<1x2x2x2x512x128xf32>
    %reshape3A_924 = vector.shape_cast %concatenate3A_923 : vector<1x2x2x2x512x128xf32> to vector<4096x128xf32>
    %reshape3A_925 = vector.shape_cast %reshape3A_924 : vector<4096x128xf32> to vector<1x2x4x2x256x128xf32>
    %slice3A_926 = vector.extract_strided_slice %reshape3A_925 {offsets = [0, 0, 0, 0, 0, 0], sizes = [1, 1, 4, 1, 256, 128], strides = [1, 1, 1, 1, 1, 1]} : vector<1x2x4x2x256x128xf32> to vector<1x1x4x1x256x128xf32>
    %squeeze3A_927 = vector.shape_cast %slice3A_926 : vector<1x1x4x1x256x128xf32> to vector<1x4x256x128xf32>
    %slice3A_928 = vector.extract_strided_slice %reshape3A_925 {offsets = [0, 0, 0, 1, 0, 0], sizes = [1, 1, 4, 1, 256, 128], strides = [1, 1, 1, 1, 1, 1]} : vector<1x2x4x2x256x128xf32> to vector<1x1x4x1x256x128xf32>
    %squeeze3A_929 = vector.shape_cast %slice3A_928 : vector<1x1x4x1x256x128xf32> to vector<1x4x256x128xf32>
    %max3A_930 = arith.maximumf %squeeze3A_927, %squeeze3A_929 : vector<1x4x256x128xf32>
    %slice3A_931 = vector.extract_strided_slice %reshape3A_925 {offsets = [0, 0, 0, 0, 0, 0], sizes = [1, 1, 4, 1, 256, 128], strides = [1, 1, 1, 1, 1, 1]} : vector<1x2x4x2x256x128xf32> to vector<1x1x4x1x256x128xf32>
    %squeeze3A_932 = vector.shape_cast %slice3A_931 : vector<1x1x4x1x256x128xf32> to vector<1x4x256x128xf32>
    %slice3A_933 = vector.extract_strided_slice %reshape3A_925 {offsets = [0, 0, 0, 1, 0, 0], sizes = [1, 1, 4, 1, 256, 128], strides = [1, 1, 1, 1, 1, 1]} : vector<1x2x4x2x256x128xf32> to vector<1x1x4x1x256x128xf32>
    %squeeze3A_934 = vector.shape_cast %slice3A_933 : vector<1x1x4x1x256x128xf32> to vector<1x4x256x128xf32>
    %min3A_935 = arith.minimumf %squeeze3A_932, %squeeze3A_934 : vector<1x4x256x128xf32>
    %slice3A_936 = vector.extract_strided_slice %reshape3A_925 {offsets = [0, 1, 0, 0, 0, 0], sizes = [1, 1, 4, 1, 256, 128], strides = [1, 1, 1, 1, 1, 1]} : vector<1x2x4x2x256x128xf32> to vector<1x1x4x1x256x128xf32>
    %squeeze3A_937 = vector.shape_cast %slice3A_936 : vector<1x1x4x1x256x128xf32> to vector<1x4x256x128xf32>
    %slice3A_938 = vector.extract_strided_slice %reshape3A_925 {offsets = [0, 1, 0, 1, 0, 0], sizes = [1, 1, 4, 1, 256, 128], strides = [1, 1, 1, 1, 1, 1]} : vector<1x2x4x2x256x128xf32> to vector<1x1x4x1x256x128xf32>
    %squeeze3A_939 = vector.shape_cast %slice3A_938 : vector<1x1x4x1x256x128xf32> to vector<1x4x256x128xf32>
    %min3A_940 = arith.minimumf %squeeze3A_937, %squeeze3A_939 : vector<1x4x256x128xf32>
    %slice3A_941 = vector.extract_strided_slice %reshape3A_925 {offsets = [0, 1, 0, 0, 0, 0], sizes = [1, 1, 4, 1, 256, 128], strides = [1, 1, 1, 1, 1, 1]} : vector<1x2x4x2x256x128xf32> to vector<1x1x4x1x256x128xf32>
    %squeeze3A_942 = vector.shape_cast %slice3A_941 : vector<1x1x4x1x256x128xf32> to vector<1x4x256x128xf32>
    %slice3A_943 = vector.extract_strided_slice %reshape3A_925 {offsets = [0, 1, 0, 1, 0, 0], sizes = [1, 1, 4, 1, 256, 128], strides = [1, 1, 1, 1, 1, 1]} : vector<1x2x4x2x256x128xf32> to vector<1x1x4x1x256x128xf32>
    %squeeze3A_944 = vector.shape_cast %slice3A_943 : vector<1x1x4x1x256x128xf32> to vector<1x4x256x128xf32>
    %max3A_945 = arith.maximumf %squeeze3A_942, %squeeze3A_944 : vector<1x4x256x128xf32>
    %broadcast_in_dim3A_946 = vector.shape_cast %max3A_930 : vector<1x4x256x128xf32> to vector<1x4x1x256x128xf32>
    %broadcast_in_dim3A_947 = vector.shape_cast %min3A_935 : vector<1x4x256x128xf32> to vector<1x4x1x256x128xf32>
    %concatenate3A_948 = tpu.concatenate %broadcast_in_dim3A_946, %broadcast_in_dim3A_947 in 2 : vector<1x4x1x256x128xf32>, vector<1x4x1x256x128xf32> -> vector<1x4x2x256x128xf32>
    %broadcast_in_dim3A_949 = vector.shape_cast %min3A_940 : vector<1x4x256x128xf32> to vector<1x4x1x256x128xf32>
    %broadcast_in_dim3A_950 = vector.shape_cast %max3A_945 : vector<1x4x256x128xf32> to vector<1x4x1x256x128xf32>
    %concatenate3A_951 = tpu.concatenate %broadcast_in_dim3A_949, %broadcast_in_dim3A_950 in 2 : vector<1x4x1x256x128xf32>, vector<1x4x1x256x128xf32> -> vector<1x4x2x256x128xf32>
    %broadcast_in_dim3A_952 = vector.shape_cast %concatenate3A_948 : vector<1x4x2x256x128xf32> to vector<1x1x4x2x256x128xf32>
    %broadcast_in_dim3A_953 = vector.shape_cast %concatenate3A_951 : vector<1x4x2x256x128xf32> to vector<1x1x4x2x256x128xf32>
    %concatenate3A_954 = tpu.concatenate %broadcast_in_dim3A_952, %broadcast_in_dim3A_953 in 1 : vector<1x1x4x2x256x128xf32>, vector<1x1x4x2x256x128xf32> -> vector<1x2x4x2x256x128xf32>
    %reshape3A_955 = vector.shape_cast %concatenate3A_954 : vector<1x2x4x2x256x128xf32> to vector<4096x128xf32>
    %reshape3A_956 = vector.shape_cast %reshape3A_955 : vector<4096x128xf32> to vector<1x2x8x2x128x128xf32>
    %slice3A_957 = vector.extract_strided_slice %reshape3A_956 {offsets = [0, 0, 0, 0, 0, 0], sizes = [1, 1, 8, 1, 128, 128], strides = [1, 1, 1, 1, 1, 1]} : vector<1x2x8x2x128x128xf32> to vector<1x1x8x1x128x128xf32>
    %squeeze3A_958 = vector.shape_cast %slice3A_957 : vector<1x1x8x1x128x128xf32> to vector<1x8x128x128xf32>
    %slice3A_959 = vector.extract_strided_slice %reshape3A_956 {offsets = [0, 0, 0, 1, 0, 0], sizes = [1, 1, 8, 1, 128, 128], strides = [1, 1, 1, 1, 1, 1]} : vector<1x2x8x2x128x128xf32> to vector<1x1x8x1x128x128xf32>
    %squeeze3A_960 = vector.shape_cast %slice3A_959 : vector<1x1x8x1x128x128xf32> to vector<1x8x128x128xf32>
    %max3A_961 = arith.maximumf %squeeze3A_958, %squeeze3A_960 : vector<1x8x128x128xf32>
    %slice3A_962 = vector.extract_strided_slice %reshape3A_956 {offsets = [0, 0, 0, 0, 0, 0], sizes = [1, 1, 8, 1, 128, 128], strides = [1, 1, 1, 1, 1, 1]} : vector<1x2x8x2x128x128xf32> to vector<1x1x8x1x128x128xf32>
    %squeeze3A_963 = vector.shape_cast %slice3A_962 : vector<1x1x8x1x128x128xf32> to vector<1x8x128x128xf32>
    %slice3A_964 = vector.extract_strided_slice %reshape3A_956 {offsets = [0, 0, 0, 1, 0, 0], sizes = [1, 1, 8, 1, 128, 128], strides = [1, 1, 1, 1, 1, 1]} : vector<1x2x8x2x128x128xf32> to vector<1x1x8x1x128x128xf32>
    %squeeze3A_965 = vector.shape_cast %slice3A_964 : vector<1x1x8x1x128x128xf32> to vector<1x8x128x128xf32>
    %min3A_966 = arith.minimumf %squeeze3A_963, %squeeze3A_965 : vector<1x8x128x128xf32>
    %slice3A_967 = vector.extract_strided_slice %reshape3A_956 {offsets = [0, 1, 0, 0, 0, 0], sizes = [1, 1, 8, 1, 128, 128], strides = [1, 1, 1, 1, 1, 1]} : vector<1x2x8x2x128x128xf32> to vector<1x1x8x1x128x128xf32>
    %squeeze3A_968 = vector.shape_cast %slice3A_967 : vector<1x1x8x1x128x128xf32> to vector<1x8x128x128xf32>
    %slice3A_969 = vector.extract_strided_slice %reshape3A_956 {offsets = [0, 1, 0, 1, 0, 0], sizes = [1, 1, 8, 1, 128, 128], strides = [1, 1, 1, 1, 1, 1]} : vector<1x2x8x2x128x128xf32> to vector<1x1x8x1x128x128xf32>
    %squeeze3A_970 = vector.shape_cast %slice3A_969 : vector<1x1x8x1x128x128xf32> to vector<1x8x128x128xf32>
    %min3A_971 = arith.minimumf %squeeze3A_968, %squeeze3A_970 : vector<1x8x128x128xf32>
    %slice3A_972 = vector.extract_strided_slice %reshape3A_956 {offsets = [0, 1, 0, 0, 0, 0], sizes = [1, 1, 8, 1, 128, 128], strides = [1, 1, 1, 1, 1, 1]} : vector<1x2x8x2x128x128xf32> to vector<1x1x8x1x128x128xf32>
    %squeeze3A_973 = vector.shape_cast %slice3A_972 : vector<1x1x8x1x128x128xf32> to vector<1x8x128x128xf32>
    %slice3A_974 = vector.extract_strided_slice %reshape3A_956 {offsets = [0, 1, 0, 1, 0, 0], sizes = [1, 1, 8, 1, 128, 128], strides = [1, 1, 1, 1, 1, 1]} : vector<1x2x8x2x128x128xf32> to vector<1x1x8x1x128x128xf32>
    %squeeze3A_975 = vector.shape_cast %slice3A_974 : vector<1x1x8x1x128x128xf32> to vector<1x8x128x128xf32>
    %max3A_976 = arith.maximumf %squeeze3A_973, %squeeze3A_975 : vector<1x8x128x128xf32>
    %broadcast_in_dim3A_977 = vector.shape_cast %max3A_961 : vector<1x8x128x128xf32> to vector<1x8x1x128x128xf32>
    %broadcast_in_dim3A_978 = vector.shape_cast %min3A_966 : vector<1x8x128x128xf32> to vector<1x8x1x128x128xf32>
    %concatenate3A_979 = tpu.concatenate %broadcast_in_dim3A_977, %broadcast_in_dim3A_978 in 2 : vector<1x8x1x128x128xf32>, vector<1x8x1x128x128xf32> -> vector<1x8x2x128x128xf32>
    %broadcast_in_dim3A_980 = vector.shape_cast %min3A_971 : vector<1x8x128x128xf32> to vector<1x8x1x128x128xf32>
    %broadcast_in_dim3A_981 = vector.shape_cast %max3A_976 : vector<1x8x128x128xf32> to vector<1x8x1x128x128xf32>
    %concatenate3A_982 = tpu.concatenate %broadcast_in_dim3A_980, %broadcast_in_dim3A_981 in 2 : vector<1x8x1x128x128xf32>, vector<1x8x1x128x128xf32> -> vector<1x8x2x128x128xf32>
    %broadcast_in_dim3A_983 = vector.shape_cast %concatenate3A_979 : vector<1x8x2x128x128xf32> to vector<1x1x8x2x128x128xf32>
    %broadcast_in_dim3A_984 = vector.shape_cast %concatenate3A_982 : vector<1x8x2x128x128xf32> to vector<1x1x8x2x128x128xf32>
    %concatenate3A_985 = tpu.concatenate %broadcast_in_dim3A_983, %broadcast_in_dim3A_984 in 1 : vector<1x1x8x2x128x128xf32>, vector<1x1x8x2x128x128xf32> -> vector<1x2x8x2x128x128xf32>
    %reshape3A_986 = vector.shape_cast %concatenate3A_985 : vector<1x2x8x2x128x128xf32> to vector<4096x128xf32>
    %reshape3A_987 = vector.shape_cast %reshape3A_986 : vector<4096x128xf32> to vector<1x2x16x2x64x128xf32>
    %slice3A_988 = vector.extract_strided_slice %reshape3A_987 {offsets = [0, 0, 0, 0, 0, 0], sizes = [1, 1, 16, 1, 64, 128], strides = [1, 1, 1, 1, 1, 1]} : vector<1x2x16x2x64x128xf32> to vector<1x1x16x1x64x128xf32>
    %squeeze3A_989 = vector.shape_cast %slice3A_988 : vector<1x1x16x1x64x128xf32> to vector<1x16x64x128xf32>
    %slice3A_990 = vector.extract_strided_slice %reshape3A_987 {offsets = [0, 0, 0, 1, 0, 0], sizes = [1, 1, 16, 1, 64, 128], strides = [1, 1, 1, 1, 1, 1]} : vector<1x2x16x2x64x128xf32> to vector<1x1x16x1x64x128xf32>
    %squeeze3A_991 = vector.shape_cast %slice3A_990 : vector<1x1x16x1x64x128xf32> to vector<1x16x64x128xf32>
    %max3A_992 = arith.maximumf %squeeze3A_989, %squeeze3A_991 : vector<1x16x64x128xf32>
    %slice3A_993 = vector.extract_strided_slice %reshape3A_987 {offsets = [0, 0, 0, 0, 0, 0], sizes = [1, 1, 16, 1, 64, 128], strides = [1, 1, 1, 1, 1, 1]} : vector<1x2x16x2x64x128xf32> to vector<1x1x16x1x64x128xf32>
    %squeeze3A_994 = vector.shape_cast %slice3A_993 : vector<1x1x16x1x64x128xf32> to vector<1x16x64x128xf32>
    %slice3A_995 = vector.extract_strided_slice %reshape3A_987 {offsets = [0, 0, 0, 1, 0, 0], sizes = [1, 1, 16, 1, 64, 128], strides = [1, 1, 1, 1, 1, 1]} : vector<1x2x16x2x64x128xf32> to vector<1x1x16x1x64x128xf32>
    %squeeze3A_996 = vector.shape_cast %slice3A_995 : vector<1x1x16x1x64x128xf32> to vector<1x16x64x128xf32>
    %min3A_997 = arith.minimumf %squeeze3A_994, %squeeze3A_996 : vector<1x16x64x128xf32>
    %slice3A_998 = vector.extract_strided_slice %reshape3A_987 {offsets = [0, 1, 0, 0, 0, 0], sizes = [1, 1, 16, 1, 64, 128], strides = [1, 1, 1, 1, 1, 1]} : vector<1x2x16x2x64x128xf32> to vector<1x1x16x1x64x128xf32>
    %squeeze3A_999 = vector.shape_cast %slice3A_998 : vector<1x1x16x1x64x128xf32> to vector<1x16x64x128xf32>
    %slice3A_1000 = vector.extract_strided_slice %reshape3A_987 {offsets = [0, 1, 0, 1, 0, 0], sizes = [1, 1, 16, 1, 64, 128], strides = [1, 1, 1, 1, 1, 1]} : vector<1x2x16x2x64x128xf32> to vector<1x1x16x1x64x128xf32>
    %squeeze3A_1001 = vector.shape_cast %slice3A_1000 : vector<1x1x16x1x64x128xf32> to vector<1x16x64x128xf32>
    %min3A_1002 = arith.minimumf %squeeze3A_999, %squeeze3A_1001 : vector<1x16x64x128xf32>
    %slice3A_1003 = vector.extract_strided_slice %reshape3A_987 {offsets = [0, 1, 0, 0, 0, 0], sizes = [1, 1, 16, 1, 64, 128], strides = [1, 1, 1, 1, 1, 1]} : vector<1x2x16x2x64x128xf32> to vector<1x1x16x1x64x128xf32>
    %squeeze3A_1004 = vector.shape_cast %slice3A_1003 : vector<1x1x16x1x64x128xf32> to vector<1x16x64x128xf32>
    %slice3A_1005 = vector.extract_strided_slice %reshape3A_987 {offsets = [0, 1, 0, 1, 0, 0], sizes = [1, 1, 16, 1, 64, 128], strides = [1, 1, 1, 1, 1, 1]} : vector<1x2x16x2x64x128xf32> to vector<1x1x16x1x64x128xf32>
    %squeeze3A_1006 = vector.shape_cast %slice3A_1005 : vector<1x1x16x1x64x128xf32> to vector<1x16x64x128xf32>
    %max3A_1007 = arith.maximumf %squeeze3A_1004, %squeeze3A_1006 : vector<1x16x64x128xf32>
    %broadcast_in_dim3A_1008 = vector.shape_cast %max3A_992 : vector<1x16x64x128xf32> to vector<1x16x1x64x128xf32>
    %broadcast_in_dim3A_1009 = vector.shape_cast %min3A_997 : vector<1x16x64x128xf32> to vector<1x16x1x64x128xf32>
    %concatenate3A_1010 = tpu.concatenate %broadcast_in_dim3A_1008, %broadcast_in_dim3A_1009 in 2 : vector<1x16x1x64x128xf32>, vector<1x16x1x64x128xf32> -> vector<1x16x2x64x128xf32>
    %broadcast_in_dim3A_1011 = vector.shape_cast %min3A_1002 : vector<1x16x64x128xf32> to vector<1x16x1x64x128xf32>
    %broadcast_in_dim3A_1012 = vector.shape_cast %max3A_1007 : vector<1x16x64x128xf32> to vector<1x16x1x64x128xf32>
    %concatenate3A_1013 = tpu.concatenate %broadcast_in_dim3A_1011, %broadcast_in_dim3A_1012 in 2 : vector<1x16x1x64x128xf32>, vector<1x16x1x64x128xf32> -> vector<1x16x2x64x128xf32>
    %broadcast_in_dim3A_1014 = vector.shape_cast %concatenate3A_1010 : vector<1x16x2x64x128xf32> to vector<1x1x16x2x64x128xf32>
    %broadcast_in_dim3A_1015 = vector.shape_cast %concatenate3A_1013 : vector<1x16x2x64x128xf32> to vector<1x1x16x2x64x128xf32>
    %concatenate3A_1016 = tpu.concatenate %broadcast_in_dim3A_1014, %broadcast_in_dim3A_1015 in 1 : vector<1x1x16x2x64x128xf32>, vector<1x1x16x2x64x128xf32> -> vector<1x2x16x2x64x128xf32>
    %reshape3A_1017 = vector.shape_cast %concatenate3A_1016 : vector<1x2x16x2x64x128xf32> to vector<4096x128xf32>
    %reshape3A_1018 = vector.shape_cast %reshape3A_1017 : vector<4096x128xf32> to vector<1x2x32x2x32x128xf32>
    %slice3A_1019 = vector.extract_strided_slice %reshape3A_1018 {offsets = [0, 0, 0, 0, 0, 0], sizes = [1, 1, 32, 1, 32, 128], strides = [1, 1, 1, 1, 1, 1]} : vector<1x2x32x2x32x128xf32> to vector<1x1x32x1x32x128xf32>
    %squeeze3A_1020 = vector.shape_cast %slice3A_1019 : vector<1x1x32x1x32x128xf32> to vector<1x32x32x128xf32>
    %slice3A_1021 = vector.extract_strided_slice %reshape3A_1018 {offsets = [0, 0, 0, 1, 0, 0], sizes = [1, 1, 32, 1, 32, 128], strides = [1, 1, 1, 1, 1, 1]} : vector<1x2x32x2x32x128xf32> to vector<1x1x32x1x32x128xf32>
    %squeeze3A_1022 = vector.shape_cast %slice3A_1021 : vector<1x1x32x1x32x128xf32> to vector<1x32x32x128xf32>
    %max3A_1023 = arith.maximumf %squeeze3A_1020, %squeeze3A_1022 : vector<1x32x32x128xf32>
    %slice3A_1024 = vector.extract_strided_slice %reshape3A_1018 {offsets = [0, 0, 0, 0, 0, 0], sizes = [1, 1, 32, 1, 32, 128], strides = [1, 1, 1, 1, 1, 1]} : vector<1x2x32x2x32x128xf32> to vector<1x1x32x1x32x128xf32>
    %squeeze3A_1025 = vector.shape_cast %slice3A_1024 : vector<1x1x32x1x32x128xf32> to vector<1x32x32x128xf32>
    %slice3A_1026 = vector.extract_strided_slice %reshape3A_1018 {offsets = [0, 0, 0, 1, 0, 0], sizes = [1, 1, 32, 1, 32, 128], strides = [1, 1, 1, 1, 1, 1]} : vector<1x2x32x2x32x128xf32> to vector<1x1x32x1x32x128xf32>
    %squeeze3A_1027 = vector.shape_cast %slice3A_1026 : vector<1x1x32x1x32x128xf32> to vector<1x32x32x128xf32>
    %min3A_1028 = arith.minimumf %squeeze3A_1025, %squeeze3A_1027 : vector<1x32x32x128xf32>
    %slice3A_1029 = vector.extract_strided_slice %reshape3A_1018 {offsets = [0, 1, 0, 0, 0, 0], sizes = [1, 1, 32, 1, 32, 128], strides = [1, 1, 1, 1, 1, 1]} : vector<1x2x32x2x32x128xf32> to vector<1x1x32x1x32x128xf32>
    %squeeze3A_1030 = vector.shape_cast %slice3A_1029 : vector<1x1x32x1x32x128xf32> to vector<1x32x32x128xf32>
    %slice3A_1031 = vector.extract_strided_slice %reshape3A_1018 {offsets = [0, 1, 0, 1, 0, 0], sizes = [1, 1, 32, 1, 32, 128], strides = [1, 1, 1, 1, 1, 1]} : vector<1x2x32x2x32x128xf32> to vector<1x1x32x1x32x128xf32>
    %squeeze3A_1032 = vector.shape_cast %slice3A_1031 : vector<1x1x32x1x32x128xf32> to vector<1x32x32x128xf32>
    %min3A_1033 = arith.minimumf %squeeze3A_1030, %squeeze3A_1032 : vector<1x32x32x128xf32>
    %slice3A_1034 = vector.extract_strided_slice %reshape3A_1018 {offsets = [0, 1, 0, 0, 0, 0], sizes = [1, 1, 32, 1, 32, 128], strides = [1, 1, 1, 1, 1, 1]} : vector<1x2x32x2x32x128xf32> to vector<1x1x32x1x32x128xf32>
    %squeeze3A_1035 = vector.shape_cast %slice3A_1034 : vector<1x1x32x1x32x128xf32> to vector<1x32x32x128xf32>
    %slice3A_1036 = vector.extract_strided_slice %reshape3A_1018 {offsets = [0, 1, 0, 1, 0, 0], sizes = [1, 1, 32, 1, 32, 128], strides = [1, 1, 1, 1, 1, 1]} : vector<1x2x32x2x32x128xf32> to vector<1x1x32x1x32x128xf32>
    %squeeze3A_1037 = vector.shape_cast %slice3A_1036 : vector<1x1x32x1x32x128xf32> to vector<1x32x32x128xf32>
    %max3A_1038 = arith.maximumf %squeeze3A_1035, %squeeze3A_1037 : vector<1x32x32x128xf32>
    %broadcast_in_dim3A_1039 = vector.shape_cast %max3A_1023 : vector<1x32x32x128xf32> to vector<1x32x1x32x128xf32>
    %broadcast_in_dim3A_1040 = vector.shape_cast %min3A_1028 : vector<1x32x32x128xf32> to vector<1x32x1x32x128xf32>
    %concatenate3A_1041 = tpu.concatenate %broadcast_in_dim3A_1039, %broadcast_in_dim3A_1040 in 2 : vector<1x32x1x32x128xf32>, vector<1x32x1x32x128xf32> -> vector<1x32x2x32x128xf32>
    %broadcast_in_dim3A_1042 = vector.shape_cast %min3A_1033 : vector<1x32x32x128xf32> to vector<1x32x1x32x128xf32>
    %broadcast_in_dim3A_1043 = vector.shape_cast %max3A_1038 : vector<1x32x32x128xf32> to vector<1x32x1x32x128xf32>
    %concatenate3A_1044 = tpu.concatenate %broadcast_in_dim3A_1042, %broadcast_in_dim3A_1043 in 2 : vector<1x32x1x32x128xf32>, vector<1x32x1x32x128xf32> -> vector<1x32x2x32x128xf32>
    %broadcast_in_dim3A_1045 = vector.shape_cast %concatenate3A_1041 : vector<1x32x2x32x128xf32> to vector<1x1x32x2x32x128xf32>
    %broadcast_in_dim3A_1046 = vector.shape_cast %concatenate3A_1044 : vector<1x32x2x32x128xf32> to vector<1x1x32x2x32x128xf32>
    %concatenate3A_1047 = tpu.concatenate %broadcast_in_dim3A_1045, %broadcast_in_dim3A_1046 in 1 : vector<1x1x32x2x32x128xf32>, vector<1x1x32x2x32x128xf32> -> vector<1x2x32x2x32x128xf32>
    %reshape3A_1048 = vector.shape_cast %concatenate3A_1047 : vector<1x2x32x2x32x128xf32> to vector<4096x128xf32>
    %reshape3A_1049 = vector.shape_cast %reshape3A_1048 : vector<4096x128xf32> to vector<1x2x64x2x16x128xf32>
    %slice3A_1050 = vector.extract_strided_slice %reshape3A_1049 {offsets = [0, 0, 0, 0, 0, 0], sizes = [1, 1, 64, 1, 16, 128], strides = [1, 1, 1, 1, 1, 1]} : vector<1x2x64x2x16x128xf32> to vector<1x1x64x1x16x128xf32>
    %squeeze3A_1051 = vector.shape_cast %slice3A_1050 : vector<1x1x64x1x16x128xf32> to vector<1x64x16x128xf32>
    %slice3A_1052 = vector.extract_strided_slice %reshape3A_1049 {offsets = [0, 0, 0, 1, 0, 0], sizes = [1, 1, 64, 1, 16, 128], strides = [1, 1, 1, 1, 1, 1]} : vector<1x2x64x2x16x128xf32> to vector<1x1x64x1x16x128xf32>
    %squeeze3A_1053 = vector.shape_cast %slice3A_1052 : vector<1x1x64x1x16x128xf32> to vector<1x64x16x128xf32>
    %max3A_1054 = arith.maximumf %squeeze3A_1051, %squeeze3A_1053 : vector<1x64x16x128xf32>
    %slice3A_1055 = vector.extract_strided_slice %reshape3A_1049 {offsets = [0, 0, 0, 0, 0, 0], sizes = [1, 1, 64, 1, 16, 128], strides = [1, 1, 1, 1, 1, 1]} : vector<1x2x64x2x16x128xf32> to vector<1x1x64x1x16x128xf32>
    %squeeze3A_1056 = vector.shape_cast %slice3A_1055 : vector<1x1x64x1x16x128xf32> to vector<1x64x16x128xf32>
    %slice3A_1057 = vector.extract_strided_slice %reshape3A_1049 {offsets = [0, 0, 0, 1, 0, 0], sizes = [1, 1, 64, 1, 16, 128], strides = [1, 1, 1, 1, 1, 1]} : vector<1x2x64x2x16x128xf32> to vector<1x1x64x1x16x128xf32>
    %squeeze3A_1058 = vector.shape_cast %slice3A_1057 : vector<1x1x64x1x16x128xf32> to vector<1x64x16x128xf32>
    %min3A_1059 = arith.minimumf %squeeze3A_1056, %squeeze3A_1058 : vector<1x64x16x128xf32>
    %slice3A_1060 = vector.extract_strided_slice %reshape3A_1049 {offsets = [0, 1, 0, 0, 0, 0], sizes = [1, 1, 64, 1, 16, 128], strides = [1, 1, 1, 1, 1, 1]} : vector<1x2x64x2x16x128xf32> to vector<1x1x64x1x16x128xf32>
    %squeeze3A_1061 = vector.shape_cast %slice3A_1060 : vector<1x1x64x1x16x128xf32> to vector<1x64x16x128xf32>
    %slice3A_1062 = vector.extract_strided_slice %reshape3A_1049 {offsets = [0, 1, 0, 1, 0, 0], sizes = [1, 1, 64, 1, 16, 128], strides = [1, 1, 1, 1, 1, 1]} : vector<1x2x64x2x16x128xf32> to vector<1x1x64x1x16x128xf32>
    %squeeze3A_1063 = vector.shape_cast %slice3A_1062 : vector<1x1x64x1x16x128xf32> to vector<1x64x16x128xf32>
    %min3A_1064 = arith.minimumf %squeeze3A_1061, %squeeze3A_1063 : vector<1x64x16x128xf32>
    %slice3A_1065 = vector.extract_strided_slice %reshape3A_1049 {offsets = [0, 1, 0, 0, 0, 0], sizes = [1, 1, 64, 1, 16, 128], strides = [1, 1, 1, 1, 1, 1]} : vector<1x2x64x2x16x128xf32> to vector<1x1x64x1x16x128xf32>
    %squeeze3A_1066 = vector.shape_cast %slice3A_1065 : vector<1x1x64x1x16x128xf32> to vector<1x64x16x128xf32>
    %slice3A_1067 = vector.extract_strided_slice %reshape3A_1049 {offsets = [0, 1, 0, 1, 0, 0], sizes = [1, 1, 64, 1, 16, 128], strides = [1, 1, 1, 1, 1, 1]} : vector<1x2x64x2x16x128xf32> to vector<1x1x64x1x16x128xf32>
    %squeeze3A_1068 = vector.shape_cast %slice3A_1067 : vector<1x1x64x1x16x128xf32> to vector<1x64x16x128xf32>
    %max3A_1069 = arith.maximumf %squeeze3A_1066, %squeeze3A_1068 : vector<1x64x16x128xf32>
    %broadcast_in_dim3A_1070 = vector.shape_cast %max3A_1054 : vector<1x64x16x128xf32> to vector<1x64x1x16x128xf32>
    %broadcast_in_dim3A_1071 = vector.shape_cast %min3A_1059 : vector<1x64x16x128xf32> to vector<1x64x1x16x128xf32>
    %concatenate3A_1072 = tpu.concatenate %broadcast_in_dim3A_1070, %broadcast_in_dim3A_1071 in 2 : vector<1x64x1x16x128xf32>, vector<1x64x1x16x128xf32> -> vector<1x64x2x16x128xf32>
    %broadcast_in_dim3A_1073 = vector.shape_cast %min3A_1064 : vector<1x64x16x128xf32> to vector<1x64x1x16x128xf32>
    %broadcast_in_dim3A_1074 = vector.shape_cast %max3A_1069 : vector<1x64x16x128xf32> to vector<1x64x1x16x128xf32>
    %concatenate3A_1075 = tpu.concatenate %broadcast_in_dim3A_1073, %broadcast_in_dim3A_1074 in 2 : vector<1x64x1x16x128xf32>, vector<1x64x1x16x128xf32> -> vector<1x64x2x16x128xf32>
    %broadcast_in_dim3A_1076 = vector.shape_cast %concatenate3A_1072 : vector<1x64x2x16x128xf32> to vector<1x1x64x2x16x128xf32>
    %broadcast_in_dim3A_1077 = vector.shape_cast %concatenate3A_1075 : vector<1x64x2x16x128xf32> to vector<1x1x64x2x16x128xf32>
    %concatenate3A_1078 = tpu.concatenate %broadcast_in_dim3A_1076, %broadcast_in_dim3A_1077 in 1 : vector<1x1x64x2x16x128xf32>, vector<1x1x64x2x16x128xf32> -> vector<1x2x64x2x16x128xf32>
    %reshape3A_1079 = vector.shape_cast %concatenate3A_1078 : vector<1x2x64x2x16x128xf32> to vector<4096x128xf32>
    %reshape3A_1080 = vector.shape_cast %reshape3A_1079 : vector<4096x128xf32> to vector<1x2x128x2x8x128xf32>
    %slice3A_1081 = vector.extract_strided_slice %reshape3A_1080 {offsets = [0, 0, 0, 0, 0, 0], sizes = [1, 1, 128, 1, 8, 128], strides = [1, 1, 1, 1, 1, 1]} : vector<1x2x128x2x8x128xf32> to vector<1x1x128x1x8x128xf32>
    %squeeze3A_1082 = vector.shape_cast %slice3A_1081 : vector<1x1x128x1x8x128xf32> to vector<1x128x8x128xf32>
    %slice3A_1083 = vector.extract_strided_slice %reshape3A_1080 {offsets = [0, 0, 0, 1, 0, 0], sizes = [1, 1, 128, 1, 8, 128], strides = [1, 1, 1, 1, 1, 1]} : vector<1x2x128x2x8x128xf32> to vector<1x1x128x1x8x128xf32>
    %squeeze3A_1084 = vector.shape_cast %slice3A_1083 : vector<1x1x128x1x8x128xf32> to vector<1x128x8x128xf32>
    %max3A_1085 = arith.maximumf %squeeze3A_1082, %squeeze3A_1084 : vector<1x128x8x128xf32>
    %slice3A_1086 = vector.extract_strided_slice %reshape3A_1080 {offsets = [0, 0, 0, 0, 0, 0], sizes = [1, 1, 128, 1, 8, 128], strides = [1, 1, 1, 1, 1, 1]} : vector<1x2x128x2x8x128xf32> to vector<1x1x128x1x8x128xf32>
    %squeeze3A_1087 = vector.shape_cast %slice3A_1086 : vector<1x1x128x1x8x128xf32> to vector<1x128x8x128xf32>
    %slice3A_1088 = vector.extract_strided_slice %reshape3A_1080 {offsets = [0, 0, 0, 1, 0, 0], sizes = [1, 1, 128, 1, 8, 128], strides = [1, 1, 1, 1, 1, 1]} : vector<1x2x128x2x8x128xf32> to vector<1x1x128x1x8x128xf32>
    %squeeze3A_1089 = vector.shape_cast %slice3A_1088 : vector<1x1x128x1x8x128xf32> to vector<1x128x8x128xf32>
    %min3A_1090 = arith.minimumf %squeeze3A_1087, %squeeze3A_1089 : vector<1x128x8x128xf32>
    %slice3A_1091 = vector.extract_strided_slice %reshape3A_1080 {offsets = [0, 1, 0, 0, 0, 0], sizes = [1, 1, 128, 1, 8, 128], strides = [1, 1, 1, 1, 1, 1]} : vector<1x2x128x2x8x128xf32> to vector<1x1x128x1x8x128xf32>
    %squeeze3A_1092 = vector.shape_cast %slice3A_1091 : vector<1x1x128x1x8x128xf32> to vector<1x128x8x128xf32>
    %slice3A_1093 = vector.extract_strided_slice %reshape3A_1080 {offsets = [0, 1, 0, 1, 0, 0], sizes = [1, 1, 128, 1, 8, 128], strides = [1, 1, 1, 1, 1, 1]} : vector<1x2x128x2x8x128xf32> to vector<1x1x128x1x8x128xf32>
    %squeeze3A_1094 = vector.shape_cast %slice3A_1093 : vector<1x1x128x1x8x128xf32> to vector<1x128x8x128xf32>
    %min3A_1095 = arith.minimumf %squeeze3A_1092, %squeeze3A_1094 : vector<1x128x8x128xf32>
    %slice3A_1096 = vector.extract_strided_slice %reshape3A_1080 {offsets = [0, 1, 0, 0, 0, 0], sizes = [1, 1, 128, 1, 8, 128], strides = [1, 1, 1, 1, 1, 1]} : vector<1x2x128x2x8x128xf32> to vector<1x1x128x1x8x128xf32>
    %squeeze3A_1097 = vector.shape_cast %slice3A_1096 : vector<1x1x128x1x8x128xf32> to vector<1x128x8x128xf32>
    %slice3A_1098 = vector.extract_strided_slice %reshape3A_1080 {offsets = [0, 1, 0, 1, 0, 0], sizes = [1, 1, 128, 1, 8, 128], strides = [1, 1, 1, 1, 1, 1]} : vector<1x2x128x2x8x128xf32> to vector<1x1x128x1x8x128xf32>
    %squeeze3A_1099 = vector.shape_cast %slice3A_1098 : vector<1x1x128x1x8x128xf32> to vector<1x128x8x128xf32>
    %max3A_1100 = arith.maximumf %squeeze3A_1097, %squeeze3A_1099 : vector<1x128x8x128xf32>
    %broadcast_in_dim3A_1101 = vector.shape_cast %max3A_1085 : vector<1x128x8x128xf32> to vector<1x128x1x8x128xf32>
    %broadcast_in_dim3A_1102 = vector.shape_cast %min3A_1090 : vector<1x128x8x128xf32> to vector<1x128x1x8x128xf32>
    %concatenate3A_1103 = tpu.concatenate %broadcast_in_dim3A_1101, %broadcast_in_dim3A_1102 in 2 : vector<1x128x1x8x128xf32>, vector<1x128x1x8x128xf32> -> vector<1x128x2x8x128xf32>
    %broadcast_in_dim3A_1104 = vector.shape_cast %min3A_1095 : vector<1x128x8x128xf32> to vector<1x128x1x8x128xf32>
    %broadcast_in_dim3A_1105 = vector.shape_cast %max3A_1100 : vector<1x128x8x128xf32> to vector<1x128x1x8x128xf32>
    %concatenate3A_1106 = tpu.concatenate %broadcast_in_dim3A_1104, %broadcast_in_dim3A_1105 in 2 : vector<1x128x1x8x128xf32>, vector<1x128x1x8x128xf32> -> vector<1x128x2x8x128xf32>
    %broadcast_in_dim3A_1107 = vector.shape_cast %concatenate3A_1103 : vector<1x128x2x8x128xf32> to vector<1x1x128x2x8x128xf32>
    %broadcast_in_dim3A_1108 = vector.shape_cast %concatenate3A_1106 : vector<1x128x2x8x128xf32> to vector<1x1x128x2x8x128xf32>
    %concatenate3A_1109 = tpu.concatenate %broadcast_in_dim3A_1107, %broadcast_in_dim3A_1108 in 1 : vector<1x1x128x2x8x128xf32>, vector<1x1x128x2x8x128xf32> -> vector<1x2x128x2x8x128xf32>
    %reshape3A_1110 = vector.shape_cast %concatenate3A_1109 : vector<1x2x128x2x8x128xf32> to vector<4096x128xf32>
    %shift_right_arithmetic3A = arith.constant 0 : i32
    %shift_right_arithmetic3A_1111 = vector.broadcast %shift_right_arithmetic3A : i32 to vector<4096x1xi32>
    %shift_right_arithmetic3A_1112 = arith.shrsi %iota3A, %shift_right_arithmetic3A_1111 : vector<4096x1xi32>
    %and3A = arith.constant 1 : i32
    %and3A_1113 = vector.broadcast %and3A : i32 to vector<4096x1xi32>
    %and3A_1114 = arith.andi %shift_right_arithmetic3A_1112, %and3A_1113 : vector<4096x1xi32>
    %eq3A = arith.constant 1 : i32
    %eq3A_1115 = vector.broadcast %eq3A : i32 to vector<4096x1xi32>
    %eq3A_1116 = arith.cmpi eq, %and3A_1114, %eq3A_1115 : vector<4096x1xi32>
    %neg3A = arith.constant 0.000000e+00 : f32
    %neg3A_1117 = vector.broadcast %neg3A : f32 to vector<4096x128xf32>
    %neg3A_1118 = arith.subf %neg3A_1117, %reshape3A_1110 : vector<4096x128xf32>
    %broadcast_in_dim3A_1119 = vector.shape_cast %eq3A_1116 : vector<4096x1xi1> to vector<4096x1xi1>
    %broadcast_in_dim3A_1120 = vector.broadcast %broadcast_in_dim3A_1119 : vector<4096x1xi1> to vector<4096x128xi1>
    %select_n3A = arith.select %broadcast_in_dim3A_1120, %neg3A_1118, %reshape3A_1110 : vector<4096x128xi1>, vector<4096x128xf32>
    %reshape3A_1121 = vector.shape_cast %select_n3A : vector<4096x128xf32> to vector<1x2x2048x128xf32>
    %slice3A_1122 = vector.extract_strided_slice %reshape3A_1121 {offsets = [0, 0, 0, 0], sizes = [1, 1, 2048, 128], strides = [1, 1, 1, 1]} : vector<1x2x2048x128xf32> to vector<1x1x2048x128xf32>
    %squeeze3A_1123 = vector.shape_cast %slice3A_1122 : vector<1x1x2048x128xf32> to vector<1x2048x128xf32>
    %slice3A_1124 = vector.extract_strided_slice %reshape3A_1121 {offsets = [0, 1, 0, 0], sizes = [1, 1, 2048, 128], strides = [1, 1, 1, 1]} : vector<1x2x2048x128xf32> to vector<1x1x2048x128xf32>
    %squeeze3A_1125 = vector.shape_cast %slice3A_1124 : vector<1x1x2048x128xf32> to vector<1x2048x128xf32>
    %max3A_1126 = arith.maximumf %squeeze3A_1123, %squeeze3A_1125 : vector<1x2048x128xf32>
    %slice3A_1127 = vector.extract_strided_slice %reshape3A_1121 {offsets = [0, 0, 0, 0], sizes = [1, 1, 2048, 128], strides = [1, 1, 1, 1]} : vector<1x2x2048x128xf32> to vector<1x1x2048x128xf32>
    %squeeze3A_1128 = vector.shape_cast %slice3A_1127 : vector<1x1x2048x128xf32> to vector<1x2048x128xf32>
    %slice3A_1129 = vector.extract_strided_slice %reshape3A_1121 {offsets = [0, 1, 0, 0], sizes = [1, 1, 2048, 128], strides = [1, 1, 1, 1]} : vector<1x2x2048x128xf32> to vector<1x1x2048x128xf32>
    %squeeze3A_1130 = vector.shape_cast %slice3A_1129 : vector<1x1x2048x128xf32> to vector<1x2048x128xf32>
    %min3A_1131 = arith.minimumf %squeeze3A_1128, %squeeze3A_1130 : vector<1x2048x128xf32>
    %broadcast_in_dim3A_1132 = vector.shape_cast %max3A_1126 : vector<1x2048x128xf32> to vector<1x1x2048x128xf32>
    %broadcast_in_dim3A_1133 = vector.shape_cast %min3A_1131 : vector<1x2048x128xf32> to vector<1x1x2048x128xf32>
    %concatenate3A_1134 = tpu.concatenate %broadcast_in_dim3A_1132, %broadcast_in_dim3A_1133 in 1 : vector<1x1x2048x128xf32>, vector<1x1x2048x128xf32> -> vector<1x2x2048x128xf32>
    %reshape3A_1135 = vector.shape_cast %concatenate3A_1134 : vector<1x2x2048x128xf32> to vector<4096x128xf32>
    %reshape3A_1136 = vector.shape_cast %reshape3A_1135 : vector<4096x128xf32> to vector<2x2x1024x128xf32>
    %slice3A_1137 = vector.extract_strided_slice %reshape3A_1136 {offsets = [0, 0, 0, 0], sizes = [2, 1, 1024, 128], strides = [1, 1, 1, 1]} : vector<2x2x1024x128xf32> to vector<2x1x1024x128xf32>
    %squeeze3A_1138 = vector.shape_cast %slice3A_1137 : vector<2x1x1024x128xf32> to vector<2x1024x128xf32>
    %slice3A_1139 = vector.extract_strided_slice %reshape3A_1136 {offsets = [0, 1, 0, 0], sizes = [2, 1, 1024, 128], strides = [1, 1, 1, 1]} : vector<2x2x1024x128xf32> to vector<2x1x1024x128xf32>
    %squeeze3A_1140 = vector.shape_cast %slice3A_1139 : vector<2x1x1024x128xf32> to vector<2x1024x128xf32>
    %max3A_1141 = arith.maximumf %squeeze3A_1138, %squeeze3A_1140 : vector<2x1024x128xf32>
    %slice3A_1142 = vector.extract_strided_slice %reshape3A_1136 {offsets = [0, 0, 0, 0], sizes = [2, 1, 1024, 128], strides = [1, 1, 1, 1]} : vector<2x2x1024x128xf32> to vector<2x1x1024x128xf32>
    %squeeze3A_1143 = vector.shape_cast %slice3A_1142 : vector<2x1x1024x128xf32> to vector<2x1024x128xf32>
    %slice3A_1144 = vector.extract_strided_slice %reshape3A_1136 {offsets = [0, 1, 0, 0], sizes = [2, 1, 1024, 128], strides = [1, 1, 1, 1]} : vector<2x2x1024x128xf32> to vector<2x1x1024x128xf32>
    %squeeze3A_1145 = vector.shape_cast %slice3A_1144 : vector<2x1x1024x128xf32> to vector<2x1024x128xf32>
    %min3A_1146 = arith.minimumf %squeeze3A_1143, %squeeze3A_1145 : vector<2x1024x128xf32>
    %broadcast_in_dim3A_1147 = vector.shape_cast %max3A_1141 : vector<2x1024x128xf32> to vector<2x1x1024x128xf32>
    %broadcast_in_dim3A_1148 = vector.shape_cast %min3A_1146 : vector<2x1024x128xf32> to vector<2x1x1024x128xf32>
    %concatenate3A_1149 = tpu.concatenate %broadcast_in_dim3A_1147, %broadcast_in_dim3A_1148 in 1 : vector<2x1x1024x128xf32>, vector<2x1x1024x128xf32> -> vector<2x2x1024x128xf32>
    %reshape3A_1150 = vector.shape_cast %concatenate3A_1149 : vector<2x2x1024x128xf32> to vector<4096x128xf32>
    %reshape3A_1151 = vector.shape_cast %reshape3A_1150 : vector<4096x128xf32> to vector<4x2x512x128xf32>
    %slice3A_1152 = vector.extract_strided_slice %reshape3A_1151 {offsets = [0, 0, 0, 0], sizes = [4, 1, 512, 128], strides = [1, 1, 1, 1]} : vector<4x2x512x128xf32> to vector<4x1x512x128xf32>
    %squeeze3A_1153 = vector.shape_cast %slice3A_1152 : vector<4x1x512x128xf32> to vector<4x512x128xf32>
    %slice3A_1154 = vector.extract_strided_slice %reshape3A_1151 {offsets = [0, 1, 0, 0], sizes = [4, 1, 512, 128], strides = [1, 1, 1, 1]} : vector<4x2x512x128xf32> to vector<4x1x512x128xf32>
    %squeeze3A_1155 = vector.shape_cast %slice3A_1154 : vector<4x1x512x128xf32> to vector<4x512x128xf32>
    %max3A_1156 = arith.maximumf %squeeze3A_1153, %squeeze3A_1155 : vector<4x512x128xf32>
    %slice3A_1157 = vector.extract_strided_slice %reshape3A_1151 {offsets = [0, 0, 0, 0], sizes = [4, 1, 512, 128], strides = [1, 1, 1, 1]} : vector<4x2x512x128xf32> to vector<4x1x512x128xf32>
    %squeeze3A_1158 = vector.shape_cast %slice3A_1157 : vector<4x1x512x128xf32> to vector<4x512x128xf32>
    %slice3A_1159 = vector.extract_strided_slice %reshape3A_1151 {offsets = [0, 1, 0, 0], sizes = [4, 1, 512, 128], strides = [1, 1, 1, 1]} : vector<4x2x512x128xf32> to vector<4x1x512x128xf32>
    %squeeze3A_1160 = vector.shape_cast %slice3A_1159 : vector<4x1x512x128xf32> to vector<4x512x128xf32>
    %min3A_1161 = arith.minimumf %squeeze3A_1158, %squeeze3A_1160 : vector<4x512x128xf32>
    %broadcast_in_dim3A_1162 = vector.shape_cast %max3A_1156 : vector<4x512x128xf32> to vector<4x1x512x128xf32>
    %broadcast_in_dim3A_1163 = vector.shape_cast %min3A_1161 : vector<4x512x128xf32> to vector<4x1x512x128xf32>
    %concatenate3A_1164 = tpu.concatenate %broadcast_in_dim3A_1162, %broadcast_in_dim3A_1163 in 1 : vector<4x1x512x128xf32>, vector<4x1x512x128xf32> -> vector<4x2x512x128xf32>
    %reshape3A_1165 = vector.shape_cast %concatenate3A_1164 : vector<4x2x512x128xf32> to vector<4096x128xf32>
    %reshape3A_1166 = vector.shape_cast %reshape3A_1165 : vector<4096x128xf32> to vector<8x2x256x128xf32>
    %slice3A_1167 = vector.extract_strided_slice %reshape3A_1166 {offsets = [0, 0, 0, 0], sizes = [8, 1, 256, 128], strides = [1, 1, 1, 1]} : vector<8x2x256x128xf32> to vector<8x1x256x128xf32>
    %squeeze3A_1168 = vector.shape_cast %slice3A_1167 : vector<8x1x256x128xf32> to vector<8x256x128xf32>
    %slice3A_1169 = vector.extract_strided_slice %reshape3A_1166 {offsets = [0, 1, 0, 0], sizes = [8, 1, 256, 128], strides = [1, 1, 1, 1]} : vector<8x2x256x128xf32> to vector<8x1x256x128xf32>
    %squeeze3A_1170 = vector.shape_cast %slice3A_1169 : vector<8x1x256x128xf32> to vector<8x256x128xf32>
    %max3A_1171 = arith.maximumf %squeeze3A_1168, %squeeze3A_1170 : vector<8x256x128xf32>
    %slice3A_1172 = vector.extract_strided_slice %reshape3A_1166 {offsets = [0, 0, 0, 0], sizes = [8, 1, 256, 128], strides = [1, 1, 1, 1]} : vector<8x2x256x128xf32> to vector<8x1x256x128xf32>
    %squeeze3A_1173 = vector.shape_cast %slice3A_1172 : vector<8x1x256x128xf32> to vector<8x256x128xf32>
    %slice3A_1174 = vector.extract_strided_slice %reshape3A_1166 {offsets = [0, 1, 0, 0], sizes = [8, 1, 256, 128], strides = [1, 1, 1, 1]} : vector<8x2x256x128xf32> to vector<8x1x256x128xf32>
    %squeeze3A_1175 = vector.shape_cast %slice3A_1174 : vector<8x1x256x128xf32> to vector<8x256x128xf32>
    %min3A_1176 = arith.minimumf %squeeze3A_1173, %squeeze3A_1175 : vector<8x256x128xf32>
    %broadcast_in_dim3A_1177 = vector.shape_cast %max3A_1171 : vector<8x256x128xf32> to vector<8x1x256x128xf32>
    %broadcast_in_dim3A_1178 = vector.shape_cast %min3A_1176 : vector<8x256x128xf32> to vector<8x1x256x128xf32>
    %concatenate3A_1179 = tpu.concatenate %broadcast_in_dim3A_1177, %broadcast_in_dim3A_1178 in 1 : vector<8x1x256x128xf32>, vector<8x1x256x128xf32> -> vector<8x2x256x128xf32>
    %reshape3A_1180 = vector.shape_cast %concatenate3A_1179 : vector<8x2x256x128xf32> to vector<4096x128xf32>
    %reshape3A_1181 = vector.shape_cast %reshape3A_1180 : vector<4096x128xf32> to vector<16x2x128x128xf32>
    %slice3A_1182 = vector.extract_strided_slice %reshape3A_1181 {offsets = [0, 0, 0, 0], sizes = [16, 1, 128, 128], strides = [1, 1, 1, 1]} : vector<16x2x128x128xf32> to vector<16x1x128x128xf32>
    %squeeze3A_1183 = vector.shape_cast %slice3A_1182 : vector<16x1x128x128xf32> to vector<16x128x128xf32>
    %slice3A_1184 = vector.extract_strided_slice %reshape3A_1181 {offsets = [0, 1, 0, 0], sizes = [16, 1, 128, 128], strides = [1, 1, 1, 1]} : vector<16x2x128x128xf32> to vector<16x1x128x128xf32>
    %squeeze3A_1185 = vector.shape_cast %slice3A_1184 : vector<16x1x128x128xf32> to vector<16x128x128xf32>
    %max3A_1186 = arith.maximumf %squeeze3A_1183, %squeeze3A_1185 : vector<16x128x128xf32>
    %slice3A_1187 = vector.extract_strided_slice %reshape3A_1181 {offsets = [0, 0, 0, 0], sizes = [16, 1, 128, 128], strides = [1, 1, 1, 1]} : vector<16x2x128x128xf32> to vector<16x1x128x128xf32>
    %squeeze3A_1188 = vector.shape_cast %slice3A_1187 : vector<16x1x128x128xf32> to vector<16x128x128xf32>
    %slice3A_1189 = vector.extract_strided_slice %reshape3A_1181 {offsets = [0, 1, 0, 0], sizes = [16, 1, 128, 128], strides = [1, 1, 1, 1]} : vector<16x2x128x128xf32> to vector<16x1x128x128xf32>
    %squeeze3A_1190 = vector.shape_cast %slice3A_1189 : vector<16x1x128x128xf32> to vector<16x128x128xf32>
    %min3A_1191 = arith.minimumf %squeeze3A_1188, %squeeze3A_1190 : vector<16x128x128xf32>
    %broadcast_in_dim3A_1192 = vector.shape_cast %max3A_1186 : vector<16x128x128xf32> to vector<16x1x128x128xf32>
    %broadcast_in_dim3A_1193 = vector.shape_cast %min3A_1191 : vector<16x128x128xf32> to vector<16x1x128x128xf32>
    %concatenate3A_1194 = tpu.concatenate %broadcast_in_dim3A_1192, %broadcast_in_dim3A_1193 in 1 : vector<16x1x128x128xf32>, vector<16x1x128x128xf32> -> vector<16x2x128x128xf32>
    %reshape3A_1195 = vector.shape_cast %concatenate3A_1194 : vector<16x2x128x128xf32> to vector<4096x128xf32>
    %reshape3A_1196 = vector.shape_cast %reshape3A_1195 : vector<4096x128xf32> to vector<32x2x64x128xf32>
    %slice3A_1197 = vector.extract_strided_slice %reshape3A_1196 {offsets = [0, 0, 0, 0], sizes = [32, 1, 64, 128], strides = [1, 1, 1, 1]} : vector<32x2x64x128xf32> to vector<32x1x64x128xf32>
    %squeeze3A_1198 = vector.shape_cast %slice3A_1197 : vector<32x1x64x128xf32> to vector<32x64x128xf32>
    %slice3A_1199 = vector.extract_strided_slice %reshape3A_1196 {offsets = [0, 1, 0, 0], sizes = [32, 1, 64, 128], strides = [1, 1, 1, 1]} : vector<32x2x64x128xf32> to vector<32x1x64x128xf32>
    %squeeze3A_1200 = vector.shape_cast %slice3A_1199 : vector<32x1x64x128xf32> to vector<32x64x128xf32>
    %max3A_1201 = arith.maximumf %squeeze3A_1198, %squeeze3A_1200 : vector<32x64x128xf32>
    %slice3A_1202 = vector.extract_strided_slice %reshape3A_1196 {offsets = [0, 0, 0, 0], sizes = [32, 1, 64, 128], strides = [1, 1, 1, 1]} : vector<32x2x64x128xf32> to vector<32x1x64x128xf32>
    %squeeze3A_1203 = vector.shape_cast %slice3A_1202 : vector<32x1x64x128xf32> to vector<32x64x128xf32>
    %slice3A_1204 = vector.extract_strided_slice %reshape3A_1196 {offsets = [0, 1, 0, 0], sizes = [32, 1, 64, 128], strides = [1, 1, 1, 1]} : vector<32x2x64x128xf32> to vector<32x1x64x128xf32>
    %squeeze3A_1205 = vector.shape_cast %slice3A_1204 : vector<32x1x64x128xf32> to vector<32x64x128xf32>
    %min3A_1206 = arith.minimumf %squeeze3A_1203, %squeeze3A_1205 : vector<32x64x128xf32>
    %broadcast_in_dim3A_1207 = vector.shape_cast %max3A_1201 : vector<32x64x128xf32> to vector<32x1x64x128xf32>
    %broadcast_in_dim3A_1208 = vector.shape_cast %min3A_1206 : vector<32x64x128xf32> to vector<32x1x64x128xf32>
    %concatenate3A_1209 = tpu.concatenate %broadcast_in_dim3A_1207, %broadcast_in_dim3A_1208 in 1 : vector<32x1x64x128xf32>, vector<32x1x64x128xf32> -> vector<32x2x64x128xf32>
    %reshape3A_1210 = vector.shape_cast %concatenate3A_1209 : vector<32x2x64x128xf32> to vector<4096x128xf32>
    %reshape3A_1211 = vector.shape_cast %reshape3A_1210 : vector<4096x128xf32> to vector<64x2x32x128xf32>
    %slice3A_1212 = vector.extract_strided_slice %reshape3A_1211 {offsets = [0, 0, 0, 0], sizes = [64, 1, 32, 128], strides = [1, 1, 1, 1]} : vector<64x2x32x128xf32> to vector<64x1x32x128xf32>
    %squeeze3A_1213 = vector.shape_cast %slice3A_1212 : vector<64x1x32x128xf32> to vector<64x32x128xf32>
    %slice3A_1214 = vector.extract_strided_slice %reshape3A_1211 {offsets = [0, 1, 0, 0], sizes = [64, 1, 32, 128], strides = [1, 1, 1, 1]} : vector<64x2x32x128xf32> to vector<64x1x32x128xf32>
    %squeeze3A_1215 = vector.shape_cast %slice3A_1214 : vector<64x1x32x128xf32> to vector<64x32x128xf32>
    %max3A_1216 = arith.maximumf %squeeze3A_1213, %squeeze3A_1215 : vector<64x32x128xf32>
    %slice3A_1217 = vector.extract_strided_slice %reshape3A_1211 {offsets = [0, 0, 0, 0], sizes = [64, 1, 32, 128], strides = [1, 1, 1, 1]} : vector<64x2x32x128xf32> to vector<64x1x32x128xf32>
    %squeeze3A_1218 = vector.shape_cast %slice3A_1217 : vector<64x1x32x128xf32> to vector<64x32x128xf32>
    %slice3A_1219 = vector.extract_strided_slice %reshape3A_1211 {offsets = [0, 1, 0, 0], sizes = [64, 1, 32, 128], strides = [1, 1, 1, 1]} : vector<64x2x32x128xf32> to vector<64x1x32x128xf32>
    %squeeze3A_1220 = vector.shape_cast %slice3A_1219 : vector<64x1x32x128xf32> to vector<64x32x128xf32>
    %min3A_1221 = arith.minimumf %squeeze3A_1218, %squeeze3A_1220 : vector<64x32x128xf32>
    %broadcast_in_dim3A_1222 = vector.shape_cast %max3A_1216 : vector<64x32x128xf32> to vector<64x1x32x128xf32>
    %broadcast_in_dim3A_1223 = vector.shape_cast %min3A_1221 : vector<64x32x128xf32> to vector<64x1x32x128xf32>
    %concatenate3A_1224 = tpu.concatenate %broadcast_in_dim3A_1222, %broadcast_in_dim3A_1223 in 1 : vector<64x1x32x128xf32>, vector<64x1x32x128xf32> -> vector<64x2x32x128xf32>
    %reshape3A_1225 = vector.shape_cast %concatenate3A_1224 : vector<64x2x32x128xf32> to vector<4096x128xf32>
    %reshape3A_1226 = vector.shape_cast %reshape3A_1225 : vector<4096x128xf32> to vector<128x2x16x128xf32>
    %slice3A_1227 = vector.extract_strided_slice %reshape3A_1226 {offsets = [0, 0, 0, 0], sizes = [128, 1, 16, 128], strides = [1, 1, 1, 1]} : vector<128x2x16x128xf32> to vector<128x1x16x128xf32>
    %squeeze3A_1228 = vector.shape_cast %slice3A_1227 : vector<128x1x16x128xf32> to vector<128x16x128xf32>
    %slice3A_1229 = vector.extract_strided_slice %reshape3A_1226 {offsets = [0, 1, 0, 0], sizes = [128, 1, 16, 128], strides = [1, 1, 1, 1]} : vector<128x2x16x128xf32> to vector<128x1x16x128xf32>
    %squeeze3A_1230 = vector.shape_cast %slice3A_1229 : vector<128x1x16x128xf32> to vector<128x16x128xf32>
    %max3A_1231 = arith.maximumf %squeeze3A_1228, %squeeze3A_1230 : vector<128x16x128xf32>
    %slice3A_1232 = vector.extract_strided_slice %reshape3A_1226 {offsets = [0, 0, 0, 0], sizes = [128, 1, 16, 128], strides = [1, 1, 1, 1]} : vector<128x2x16x128xf32> to vector<128x1x16x128xf32>
    %squeeze3A_1233 = vector.shape_cast %slice3A_1232 : vector<128x1x16x128xf32> to vector<128x16x128xf32>
    %slice3A_1234 = vector.extract_strided_slice %reshape3A_1226 {offsets = [0, 1, 0, 0], sizes = [128, 1, 16, 128], strides = [1, 1, 1, 1]} : vector<128x2x16x128xf32> to vector<128x1x16x128xf32>
    %squeeze3A_1235 = vector.shape_cast %slice3A_1234 : vector<128x1x16x128xf32> to vector<128x16x128xf32>
    %min3A_1236 = arith.minimumf %squeeze3A_1233, %squeeze3A_1235 : vector<128x16x128xf32>
    %broadcast_in_dim3A_1237 = vector.shape_cast %max3A_1231 : vector<128x16x128xf32> to vector<128x1x16x128xf32>
    %broadcast_in_dim3A_1238 = vector.shape_cast %min3A_1236 : vector<128x16x128xf32> to vector<128x1x16x128xf32>
    %concatenate3A_1239 = tpu.concatenate %broadcast_in_dim3A_1237, %broadcast_in_dim3A_1238 in 1 : vector<128x1x16x128xf32>, vector<128x1x16x128xf32> -> vector<128x2x16x128xf32>
    %reshape3A_1240 = vector.shape_cast %concatenate3A_1239 : vector<128x2x16x128xf32> to vector<4096x128xf32>
    %reshape3A_1241 = vector.shape_cast %reshape3A_1240 : vector<4096x128xf32> to vector<256x2x8x128xf32>
    %slice3A_1242 = vector.extract_strided_slice %reshape3A_1241 {offsets = [0, 0, 0, 0], sizes = [256, 1, 8, 128], strides = [1, 1, 1, 1]} : vector<256x2x8x128xf32> to vector<256x1x8x128xf32>
    %squeeze3A_1243 = vector.shape_cast %slice3A_1242 : vector<256x1x8x128xf32> to vector<256x8x128xf32>
    %slice3A_1244 = vector.extract_strided_slice %reshape3A_1241 {offsets = [0, 1, 0, 0], sizes = [256, 1, 8, 128], strides = [1, 1, 1, 1]} : vector<256x2x8x128xf32> to vector<256x1x8x128xf32>
    %squeeze3A_1245 = vector.shape_cast %slice3A_1244 : vector<256x1x8x128xf32> to vector<256x8x128xf32>
    %max3A_1246 = arith.maximumf %squeeze3A_1243, %squeeze3A_1245 : vector<256x8x128xf32>
    %slice3A_1247 = vector.extract_strided_slice %reshape3A_1241 {offsets = [0, 0, 0, 0], sizes = [256, 1, 8, 128], strides = [1, 1, 1, 1]} : vector<256x2x8x128xf32> to vector<256x1x8x128xf32>
    %squeeze3A_1248 = vector.shape_cast %slice3A_1247 : vector<256x1x8x128xf32> to vector<256x8x128xf32>
    %slice3A_1249 = vector.extract_strided_slice %reshape3A_1241 {offsets = [0, 1, 0, 0], sizes = [256, 1, 8, 128], strides = [1, 1, 1, 1]} : vector<256x2x8x128xf32> to vector<256x1x8x128xf32>
    %squeeze3A_1250 = vector.shape_cast %slice3A_1249 : vector<256x1x8x128xf32> to vector<256x8x128xf32>
    %min3A_1251 = arith.minimumf %squeeze3A_1248, %squeeze3A_1250 : vector<256x8x128xf32>
    %broadcast_in_dim3A_1252 = vector.shape_cast %max3A_1246 : vector<256x8x128xf32> to vector<256x1x8x128xf32>
    %broadcast_in_dim3A_1253 = vector.shape_cast %min3A_1251 : vector<256x8x128xf32> to vector<256x1x8x128xf32>
    %concatenate3A_1254 = tpu.concatenate %broadcast_in_dim3A_1252, %broadcast_in_dim3A_1253 in 1 : vector<256x1x8x128xf32>, vector<256x1x8x128xf32> -> vector<256x2x8x128xf32>
    %reshape3A_1255 = vector.shape_cast %concatenate3A_1254 : vector<256x2x8x128xf32> to vector<4096x128xf32>
    %shift_right_arithmetic3A_1256 = arith.constant 1 : i32
    %shift_right_arithmetic3A_1257 = vector.broadcast %shift_right_arithmetic3A_1256 : i32 to vector<4096x1xi32>
    %shift_right_arithmetic3A_1258 = arith.shrsi %iota3A, %shift_right_arithmetic3A_1257 : vector<4096x1xi32>
    %and3A_1259 = arith.constant 1 : i32
    %and3A_1260 = vector.broadcast %and3A_1259 : i32 to vector<4096x1xi32>
    %and3A_1261 = arith.andi %shift_right_arithmetic3A_1258, %and3A_1260 : vector<4096x1xi32>
    %xor3A = arith.xori %and3A_1114, %and3A_1261 : vector<4096x1xi32>
    %eq3A_1262 = arith.constant 1 : i32
    %eq3A_1263 = vector.broadcast %eq3A_1262 : i32 to vector<4096x1xi32>
    %eq3A_1264 = arith.cmpi eq, %xor3A, %eq3A_1263 : vector<4096x1xi32>
    %neg3A_1265 = arith.constant 0.000000e+00 : f32
    %neg3A_1266 = vector.broadcast %neg3A_1265 : f32 to vector<4096x128xf32>
    %neg3A_1267 = arith.subf %neg3A_1266, %reshape3A_1255 : vector<4096x128xf32>
    %broadcast_in_dim3A_1268 = vector.shape_cast %eq3A_1264 : vector<4096x1xi1> to vector<4096x1xi1>
    %broadcast_in_dim3A_1269 = vector.broadcast %broadcast_in_dim3A_1268 : vector<4096x1xi1> to vector<4096x128xi1>
    %select_n3A_1270 = arith.select %broadcast_in_dim3A_1269, %neg3A_1267, %reshape3A_1255 : vector<4096x128xi1>, vector<4096x128xf32>
    %slice3A_1271 = vector.extract_strided_slice %select_n3A_1270 {offsets = [1, 0], sizes = [4095, 128], strides = [1, 1]} : vector<4096x128xf32> to vector<4095x128xf32>
    %slice3A_1272 = vector.extract_strided_slice %select_n3A_1270 {offsets = [0, 0], sizes = [1, 128], strides = [1, 1]} : vector<4096x128xf32> to vector<1x128xf32>
    %concatenate3A_1273 = tpu.concatenate %slice3A_1271, %slice3A_1272 in 0 : vector<4095x128xf32>, vector<1x128xf32> -> vector<4096x128xf32>
    %slice3A_1274 = vector.extract_strided_slice %select_n3A_1270 {offsets = [4095, 0], sizes = [1, 128], strides = [1, 1]} : vector<4096x128xf32> to vector<1x128xf32>
    %slice3A_1275 = vector.extract_strided_slice %select_n3A_1270 {offsets = [0, 0], sizes = [4095, 128], strides = [1, 1]} : vector<4096x128xf32> to vector<4095x128xf32>
    %concatenate3A_1276 = tpu.concatenate %slice3A_1274, %slice3A_1275 in 0 : vector<1x128xf32>, vector<4095x128xf32> -> vector<4096x128xf32>
    %and3A_1277 = arith.constant 1 : i32
    %and3A_1278 = vector.broadcast %and3A_1277 : i32 to vector<4096x1xi32>
    %and3A_1279 = arith.andi %iota3A, %and3A_1278 : vector<4096x1xi32>
    %eq3A_1280 = arith.constant 0 : i32
    %eq3A_1281 = vector.broadcast %eq3A_1280 : i32 to vector<4096x1xi32>
    %eq3A_1282 = arith.cmpi eq, %and3A_1279, %eq3A_1281 : vector<4096x1xi32>
    %broadcast_in_dim3A_1283 = vector.shape_cast %eq3A_1282 : vector<4096x1xi1> to vector<4096x1xi1>
    %broadcast_in_dim3A_1284 = vector.broadcast %broadcast_in_dim3A_1283 : vector<4096x1xi1> to vector<4096x128xi1>
    %select_n3A_1285 = arith.select %broadcast_in_dim3A_1284, %concatenate3A_1273, %concatenate3A_1276 : vector<4096x128xi1>, vector<4096x128xf32>
    %min3A_1286 = arith.minimumf %select_n3A_1270, %select_n3A_1285 : vector<4096x128xf32>
    %max3A_1287 = arith.maximumf %select_n3A_1270, %select_n3A_1285 : vector<4096x128xf32>
    %broadcast_in_dim3A_1288 = vector.shape_cast %eq3A_1282 : vector<4096x1xi1> to vector<4096x1xi1>
    %broadcast_in_dim3A_1289 = vector.broadcast %broadcast_in_dim3A_1288 : vector<4096x1xi1> to vector<4096x128xi1>
    %select_n3A_1290 = arith.select %broadcast_in_dim3A_1289, %max3A_1287, %min3A_1286 : vector<4096x128xi1>, vector<4096x128xf32>
    %reshape3A_1291 = vector.shape_cast %select_n3A_1290 : vector<4096x128xf32> to vector<1x2x2048x128xf32>
    %slice3A_1292 = vector.extract_strided_slice %reshape3A_1291 {offsets = [0, 0, 0, 0], sizes = [1, 1, 2048, 128], strides = [1, 1, 1, 1]} : vector<1x2x2048x128xf32> to vector<1x1x2048x128xf32>
    %squeeze3A_1293 = vector.shape_cast %slice3A_1292 : vector<1x1x2048x128xf32> to vector<1x2048x128xf32>
    %slice3A_1294 = vector.extract_strided_slice %reshape3A_1291 {offsets = [0, 1, 0, 0], sizes = [1, 1, 2048, 128], strides = [1, 1, 1, 1]} : vector<1x2x2048x128xf32> to vector<1x1x2048x128xf32>
    %squeeze3A_1295 = vector.shape_cast %slice3A_1294 : vector<1x1x2048x128xf32> to vector<1x2048x128xf32>
    %max3A_1296 = arith.maximumf %squeeze3A_1293, %squeeze3A_1295 : vector<1x2048x128xf32>
    %slice3A_1297 = vector.extract_strided_slice %reshape3A_1291 {offsets = [0, 0, 0, 0], sizes = [1, 1, 2048, 128], strides = [1, 1, 1, 1]} : vector<1x2x2048x128xf32> to vector<1x1x2048x128xf32>
    %squeeze3A_1298 = vector.shape_cast %slice3A_1297 : vector<1x1x2048x128xf32> to vector<1x2048x128xf32>
    %slice3A_1299 = vector.extract_strided_slice %reshape3A_1291 {offsets = [0, 1, 0, 0], sizes = [1, 1, 2048, 128], strides = [1, 1, 1, 1]} : vector<1x2x2048x128xf32> to vector<1x1x2048x128xf32>
    %squeeze3A_1300 = vector.shape_cast %slice3A_1299 : vector<1x1x2048x128xf32> to vector<1x2048x128xf32>
    %min3A_1301 = arith.minimumf %squeeze3A_1298, %squeeze3A_1300 : vector<1x2048x128xf32>
    %broadcast_in_dim3A_1302 = vector.shape_cast %max3A_1296 : vector<1x2048x128xf32> to vector<1x1x2048x128xf32>
    %broadcast_in_dim3A_1303 = vector.shape_cast %min3A_1301 : vector<1x2048x128xf32> to vector<1x1x2048x128xf32>
    %concatenate3A_1304 = tpu.concatenate %broadcast_in_dim3A_1302, %broadcast_in_dim3A_1303 in 1 : vector<1x1x2048x128xf32>, vector<1x1x2048x128xf32> -> vector<1x2x2048x128xf32>
    %reshape3A_1305 = vector.shape_cast %concatenate3A_1304 : vector<1x2x2048x128xf32> to vector<4096x128xf32>
    %reshape3A_1306 = vector.shape_cast %reshape3A_1305 : vector<4096x128xf32> to vector<2x2x1024x128xf32>
    %slice3A_1307 = vector.extract_strided_slice %reshape3A_1306 {offsets = [0, 0, 0, 0], sizes = [2, 1, 1024, 128], strides = [1, 1, 1, 1]} : vector<2x2x1024x128xf32> to vector<2x1x1024x128xf32>
    %squeeze3A_1308 = vector.shape_cast %slice3A_1307 : vector<2x1x1024x128xf32> to vector<2x1024x128xf32>
    %slice3A_1309 = vector.extract_strided_slice %reshape3A_1306 {offsets = [0, 1, 0, 0], sizes = [2, 1, 1024, 128], strides = [1, 1, 1, 1]} : vector<2x2x1024x128xf32> to vector<2x1x1024x128xf32>
    %squeeze3A_1310 = vector.shape_cast %slice3A_1309 : vector<2x1x1024x128xf32> to vector<2x1024x128xf32>
    %max3A_1311 = arith.maximumf %squeeze3A_1308, %squeeze3A_1310 : vector<2x1024x128xf32>
    %slice3A_1312 = vector.extract_strided_slice %reshape3A_1306 {offsets = [0, 0, 0, 0], sizes = [2, 1, 1024, 128], strides = [1, 1, 1, 1]} : vector<2x2x1024x128xf32> to vector<2x1x1024x128xf32>
    %squeeze3A_1313 = vector.shape_cast %slice3A_1312 : vector<2x1x1024x128xf32> to vector<2x1024x128xf32>
    %slice3A_1314 = vector.extract_strided_slice %reshape3A_1306 {offsets = [0, 1, 0, 0], sizes = [2, 1, 1024, 128], strides = [1, 1, 1, 1]} : vector<2x2x1024x128xf32> to vector<2x1x1024x128xf32>
    %squeeze3A_1315 = vector.shape_cast %slice3A_1314 : vector<2x1x1024x128xf32> to vector<2x1024x128xf32>
    %min3A_1316 = arith.minimumf %squeeze3A_1313, %squeeze3A_1315 : vector<2x1024x128xf32>
    %broadcast_in_dim3A_1317 = vector.shape_cast %max3A_1311 : vector<2x1024x128xf32> to vector<2x1x1024x128xf32>
    %broadcast_in_dim3A_1318 = vector.shape_cast %min3A_1316 : vector<2x1024x128xf32> to vector<2x1x1024x128xf32>
    %concatenate3A_1319 = tpu.concatenate %broadcast_in_dim3A_1317, %broadcast_in_dim3A_1318 in 1 : vector<2x1x1024x128xf32>, vector<2x1x1024x128xf32> -> vector<2x2x1024x128xf32>
    %reshape3A_1320 = vector.shape_cast %concatenate3A_1319 : vector<2x2x1024x128xf32> to vector<4096x128xf32>
    %reshape3A_1321 = vector.shape_cast %reshape3A_1320 : vector<4096x128xf32> to vector<4x2x512x128xf32>
    %slice3A_1322 = vector.extract_strided_slice %reshape3A_1321 {offsets = [0, 0, 0, 0], sizes = [4, 1, 512, 128], strides = [1, 1, 1, 1]} : vector<4x2x512x128xf32> to vector<4x1x512x128xf32>
    %squeeze3A_1323 = vector.shape_cast %slice3A_1322 : vector<4x1x512x128xf32> to vector<4x512x128xf32>
    %slice3A_1324 = vector.extract_strided_slice %reshape3A_1321 {offsets = [0, 1, 0, 0], sizes = [4, 1, 512, 128], strides = [1, 1, 1, 1]} : vector<4x2x512x128xf32> to vector<4x1x512x128xf32>
    %squeeze3A_1325 = vector.shape_cast %slice3A_1324 : vector<4x1x512x128xf32> to vector<4x512x128xf32>
    %max3A_1326 = arith.maximumf %squeeze3A_1323, %squeeze3A_1325 : vector<4x512x128xf32>
    %slice3A_1327 = vector.extract_strided_slice %reshape3A_1321 {offsets = [0, 0, 0, 0], sizes = [4, 1, 512, 128], strides = [1, 1, 1, 1]} : vector<4x2x512x128xf32> to vector<4x1x512x128xf32>
    %squeeze3A_1328 = vector.shape_cast %slice3A_1327 : vector<4x1x512x128xf32> to vector<4x512x128xf32>
    %slice3A_1329 = vector.extract_strided_slice %reshape3A_1321 {offsets = [0, 1, 0, 0], sizes = [4, 1, 512, 128], strides = [1, 1, 1, 1]} : vector<4x2x512x128xf32> to vector<4x1x512x128xf32>
    %squeeze3A_1330 = vector.shape_cast %slice3A_1329 : vector<4x1x512x128xf32> to vector<4x512x128xf32>
    %min3A_1331 = arith.minimumf %squeeze3A_1328, %squeeze3A_1330 : vector<4x512x128xf32>
    %broadcast_in_dim3A_1332 = vector.shape_cast %max3A_1326 : vector<4x512x128xf32> to vector<4x1x512x128xf32>
    %broadcast_in_dim3A_1333 = vector.shape_cast %min3A_1331 : vector<4x512x128xf32> to vector<4x1x512x128xf32>
    %concatenate3A_1334 = tpu.concatenate %broadcast_in_dim3A_1332, %broadcast_in_dim3A_1333 in 1 : vector<4x1x512x128xf32>, vector<4x1x512x128xf32> -> vector<4x2x512x128xf32>
    %reshape3A_1335 = vector.shape_cast %concatenate3A_1334 : vector<4x2x512x128xf32> to vector<4096x128xf32>
    %reshape3A_1336 = vector.shape_cast %reshape3A_1335 : vector<4096x128xf32> to vector<8x2x256x128xf32>
    %slice3A_1337 = vector.extract_strided_slice %reshape3A_1336 {offsets = [0, 0, 0, 0], sizes = [8, 1, 256, 128], strides = [1, 1, 1, 1]} : vector<8x2x256x128xf32> to vector<8x1x256x128xf32>
    %squeeze3A_1338 = vector.shape_cast %slice3A_1337 : vector<8x1x256x128xf32> to vector<8x256x128xf32>
    %slice3A_1339 = vector.extract_strided_slice %reshape3A_1336 {offsets = [0, 1, 0, 0], sizes = [8, 1, 256, 128], strides = [1, 1, 1, 1]} : vector<8x2x256x128xf32> to vector<8x1x256x128xf32>
    %squeeze3A_1340 = vector.shape_cast %slice3A_1339 : vector<8x1x256x128xf32> to vector<8x256x128xf32>
    %max3A_1341 = arith.maximumf %squeeze3A_1338, %squeeze3A_1340 : vector<8x256x128xf32>
    %slice3A_1342 = vector.extract_strided_slice %reshape3A_1336 {offsets = [0, 0, 0, 0], sizes = [8, 1, 256, 128], strides = [1, 1, 1, 1]} : vector<8x2x256x128xf32> to vector<8x1x256x128xf32>
    %squeeze3A_1343 = vector.shape_cast %slice3A_1342 : vector<8x1x256x128xf32> to vector<8x256x128xf32>
    %slice3A_1344 = vector.extract_strided_slice %reshape3A_1336 {offsets = [0, 1, 0, 0], sizes = [8, 1, 256, 128], strides = [1, 1, 1, 1]} : vector<8x2x256x128xf32> to vector<8x1x256x128xf32>
    %squeeze3A_1345 = vector.shape_cast %slice3A_1344 : vector<8x1x256x128xf32> to vector<8x256x128xf32>
    %min3A_1346 = arith.minimumf %squeeze3A_1343, %squeeze3A_1345 : vector<8x256x128xf32>
    %broadcast_in_dim3A_1347 = vector.shape_cast %max3A_1341 : vector<8x256x128xf32> to vector<8x1x256x128xf32>
    %broadcast_in_dim3A_1348 = vector.shape_cast %min3A_1346 : vector<8x256x128xf32> to vector<8x1x256x128xf32>
    %concatenate3A_1349 = tpu.concatenate %broadcast_in_dim3A_1347, %broadcast_in_dim3A_1348 in 1 : vector<8x1x256x128xf32>, vector<8x1x256x128xf32> -> vector<8x2x256x128xf32>
    %reshape3A_1350 = vector.shape_cast %concatenate3A_1349 : vector<8x2x256x128xf32> to vector<4096x128xf32>
    %reshape3A_1351 = vector.shape_cast %reshape3A_1350 : vector<4096x128xf32> to vector<16x2x128x128xf32>
    %slice3A_1352 = vector.extract_strided_slice %reshape3A_1351 {offsets = [0, 0, 0, 0], sizes = [16, 1, 128, 128], strides = [1, 1, 1, 1]} : vector<16x2x128x128xf32> to vector<16x1x128x128xf32>
    %squeeze3A_1353 = vector.shape_cast %slice3A_1352 : vector<16x1x128x128xf32> to vector<16x128x128xf32>
    %slice3A_1354 = vector.extract_strided_slice %reshape3A_1351 {offsets = [0, 1, 0, 0], sizes = [16, 1, 128, 128], strides = [1, 1, 1, 1]} : vector<16x2x128x128xf32> to vector<16x1x128x128xf32>
    %squeeze3A_1355 = vector.shape_cast %slice3A_1354 : vector<16x1x128x128xf32> to vector<16x128x128xf32>
    %max3A_1356 = arith.maximumf %squeeze3A_1353, %squeeze3A_1355 : vector<16x128x128xf32>
    %slice3A_1357 = vector.extract_strided_slice %reshape3A_1351 {offsets = [0, 0, 0, 0], sizes = [16, 1, 128, 128], strides = [1, 1, 1, 1]} : vector<16x2x128x128xf32> to vector<16x1x128x128xf32>
    %squeeze3A_1358 = vector.shape_cast %slice3A_1357 : vector<16x1x128x128xf32> to vector<16x128x128xf32>
    %slice3A_1359 = vector.extract_strided_slice %reshape3A_1351 {offsets = [0, 1, 0, 0], sizes = [16, 1, 128, 128], strides = [1, 1, 1, 1]} : vector<16x2x128x128xf32> to vector<16x1x128x128xf32>
    %squeeze3A_1360 = vector.shape_cast %slice3A_1359 : vector<16x1x128x128xf32> to vector<16x128x128xf32>
    %min3A_1361 = arith.minimumf %squeeze3A_1358, %squeeze3A_1360 : vector<16x128x128xf32>
    %broadcast_in_dim3A_1362 = vector.shape_cast %max3A_1356 : vector<16x128x128xf32> to vector<16x1x128x128xf32>
    %broadcast_in_dim3A_1363 = vector.shape_cast %min3A_1361 : vector<16x128x128xf32> to vector<16x1x128x128xf32>
    %concatenate3A_1364 = tpu.concatenate %broadcast_in_dim3A_1362, %broadcast_in_dim3A_1363 in 1 : vector<16x1x128x128xf32>, vector<16x1x128x128xf32> -> vector<16x2x128x128xf32>
    %reshape3A_1365 = vector.shape_cast %concatenate3A_1364 : vector<16x2x128x128xf32> to vector<4096x128xf32>
    %reshape3A_1366 = vector.shape_cast %reshape3A_1365 : vector<4096x128xf32> to vector<32x2x64x128xf32>
    %slice3A_1367 = vector.extract_strided_slice %reshape3A_1366 {offsets = [0, 0, 0, 0], sizes = [32, 1, 64, 128], strides = [1, 1, 1, 1]} : vector<32x2x64x128xf32> to vector<32x1x64x128xf32>
    %squeeze3A_1368 = vector.shape_cast %slice3A_1367 : vector<32x1x64x128xf32> to vector<32x64x128xf32>
    %slice3A_1369 = vector.extract_strided_slice %reshape3A_1366 {offsets = [0, 1, 0, 0], sizes = [32, 1, 64, 128], strides = [1, 1, 1, 1]} : vector<32x2x64x128xf32> to vector<32x1x64x128xf32>
    %squeeze3A_1370 = vector.shape_cast %slice3A_1369 : vector<32x1x64x128xf32> to vector<32x64x128xf32>
    %max3A_1371 = arith.maximumf %squeeze3A_1368, %squeeze3A_1370 : vector<32x64x128xf32>
    %slice3A_1372 = vector.extract_strided_slice %reshape3A_1366 {offsets = [0, 0, 0, 0], sizes = [32, 1, 64, 128], strides = [1, 1, 1, 1]} : vector<32x2x64x128xf32> to vector<32x1x64x128xf32>
    %squeeze3A_1373 = vector.shape_cast %slice3A_1372 : vector<32x1x64x128xf32> to vector<32x64x128xf32>
    %slice3A_1374 = vector.extract_strided_slice %reshape3A_1366 {offsets = [0, 1, 0, 0], sizes = [32, 1, 64, 128], strides = [1, 1, 1, 1]} : vector<32x2x64x128xf32> to vector<32x1x64x128xf32>
    %squeeze3A_1375 = vector.shape_cast %slice3A_1374 : vector<32x1x64x128xf32> to vector<32x64x128xf32>
    %min3A_1376 = arith.minimumf %squeeze3A_1373, %squeeze3A_1375 : vector<32x64x128xf32>
    %broadcast_in_dim3A_1377 = vector.shape_cast %max3A_1371 : vector<32x64x128xf32> to vector<32x1x64x128xf32>
    %broadcast_in_dim3A_1378 = vector.shape_cast %min3A_1376 : vector<32x64x128xf32> to vector<32x1x64x128xf32>
    %concatenate3A_1379 = tpu.concatenate %broadcast_in_dim3A_1377, %broadcast_in_dim3A_1378 in 1 : vector<32x1x64x128xf32>, vector<32x1x64x128xf32> -> vector<32x2x64x128xf32>
    %reshape3A_1380 = vector.shape_cast %concatenate3A_1379 : vector<32x2x64x128xf32> to vector<4096x128xf32>
    %reshape3A_1381 = vector.shape_cast %reshape3A_1380 : vector<4096x128xf32> to vector<64x2x32x128xf32>
    %slice3A_1382 = vector.extract_strided_slice %reshape3A_1381 {offsets = [0, 0, 0, 0], sizes = [64, 1, 32, 128], strides = [1, 1, 1, 1]} : vector<64x2x32x128xf32> to vector<64x1x32x128xf32>
    %squeeze3A_1383 = vector.shape_cast %slice3A_1382 : vector<64x1x32x128xf32> to vector<64x32x128xf32>
    %slice3A_1384 = vector.extract_strided_slice %reshape3A_1381 {offsets = [0, 1, 0, 0], sizes = [64, 1, 32, 128], strides = [1, 1, 1, 1]} : vector<64x2x32x128xf32> to vector<64x1x32x128xf32>
    %squeeze3A_1385 = vector.shape_cast %slice3A_1384 : vector<64x1x32x128xf32> to vector<64x32x128xf32>
    %max3A_1386 = arith.maximumf %squeeze3A_1383, %squeeze3A_1385 : vector<64x32x128xf32>
    %slice3A_1387 = vector.extract_strided_slice %reshape3A_1381 {offsets = [0, 0, 0, 0], sizes = [64, 1, 32, 128], strides = [1, 1, 1, 1]} : vector<64x2x32x128xf32> to vector<64x1x32x128xf32>
    %squeeze3A_1388 = vector.shape_cast %slice3A_1387 : vector<64x1x32x128xf32> to vector<64x32x128xf32>
    %slice3A_1389 = vector.extract_strided_slice %reshape3A_1381 {offsets = [0, 1, 0, 0], sizes = [64, 1, 32, 128], strides = [1, 1, 1, 1]} : vector<64x2x32x128xf32> to vector<64x1x32x128xf32>
    %squeeze3A_1390 = vector.shape_cast %slice3A_1389 : vector<64x1x32x128xf32> to vector<64x32x128xf32>
    %min3A_1391 = arith.minimumf %squeeze3A_1388, %squeeze3A_1390 : vector<64x32x128xf32>
    %broadcast_in_dim3A_1392 = vector.shape_cast %max3A_1386 : vector<64x32x128xf32> to vector<64x1x32x128xf32>
    %broadcast_in_dim3A_1393 = vector.shape_cast %min3A_1391 : vector<64x32x128xf32> to vector<64x1x32x128xf32>
    %concatenate3A_1394 = tpu.concatenate %broadcast_in_dim3A_1392, %broadcast_in_dim3A_1393 in 1 : vector<64x1x32x128xf32>, vector<64x1x32x128xf32> -> vector<64x2x32x128xf32>
    %reshape3A_1395 = vector.shape_cast %concatenate3A_1394 : vector<64x2x32x128xf32> to vector<4096x128xf32>
    %reshape3A_1396 = vector.shape_cast %reshape3A_1395 : vector<4096x128xf32> to vector<128x2x16x128xf32>
    %slice3A_1397 = vector.extract_strided_slice %reshape3A_1396 {offsets = [0, 0, 0, 0], sizes = [128, 1, 16, 128], strides = [1, 1, 1, 1]} : vector<128x2x16x128xf32> to vector<128x1x16x128xf32>
    %squeeze3A_1398 = vector.shape_cast %slice3A_1397 : vector<128x1x16x128xf32> to vector<128x16x128xf32>
    %slice3A_1399 = vector.extract_strided_slice %reshape3A_1396 {offsets = [0, 1, 0, 0], sizes = [128, 1, 16, 128], strides = [1, 1, 1, 1]} : vector<128x2x16x128xf32> to vector<128x1x16x128xf32>
    %squeeze3A_1400 = vector.shape_cast %slice3A_1399 : vector<128x1x16x128xf32> to vector<128x16x128xf32>
    %max3A_1401 = arith.maximumf %squeeze3A_1398, %squeeze3A_1400 : vector<128x16x128xf32>
    %slice3A_1402 = vector.extract_strided_slice %reshape3A_1396 {offsets = [0, 0, 0, 0], sizes = [128, 1, 16, 128], strides = [1, 1, 1, 1]} : vector<128x2x16x128xf32> to vector<128x1x16x128xf32>
    %squeeze3A_1403 = vector.shape_cast %slice3A_1402 : vector<128x1x16x128xf32> to vector<128x16x128xf32>
    %slice3A_1404 = vector.extract_strided_slice %reshape3A_1396 {offsets = [0, 1, 0, 0], sizes = [128, 1, 16, 128], strides = [1, 1, 1, 1]} : vector<128x2x16x128xf32> to vector<128x1x16x128xf32>
    %squeeze3A_1405 = vector.shape_cast %slice3A_1404 : vector<128x1x16x128xf32> to vector<128x16x128xf32>
    %min3A_1406 = arith.minimumf %squeeze3A_1403, %squeeze3A_1405 : vector<128x16x128xf32>
    %broadcast_in_dim3A_1407 = vector.shape_cast %max3A_1401 : vector<128x16x128xf32> to vector<128x1x16x128xf32>
    %broadcast_in_dim3A_1408 = vector.shape_cast %min3A_1406 : vector<128x16x128xf32> to vector<128x1x16x128xf32>
    %concatenate3A_1409 = tpu.concatenate %broadcast_in_dim3A_1407, %broadcast_in_dim3A_1408 in 1 : vector<128x1x16x128xf32>, vector<128x1x16x128xf32> -> vector<128x2x16x128xf32>
    %reshape3A_1410 = vector.shape_cast %concatenate3A_1409 : vector<128x2x16x128xf32> to vector<4096x128xf32>
    %reshape3A_1411 = vector.shape_cast %reshape3A_1410 : vector<4096x128xf32> to vector<256x2x8x128xf32>
    %slice3A_1412 = vector.extract_strided_slice %reshape3A_1411 {offsets = [0, 0, 0, 0], sizes = [256, 1, 8, 128], strides = [1, 1, 1, 1]} : vector<256x2x8x128xf32> to vector<256x1x8x128xf32>
    %squeeze3A_1413 = vector.shape_cast %slice3A_1412 : vector<256x1x8x128xf32> to vector<256x8x128xf32>
    %slice3A_1414 = vector.extract_strided_slice %reshape3A_1411 {offsets = [0, 1, 0, 0], sizes = [256, 1, 8, 128], strides = [1, 1, 1, 1]} : vector<256x2x8x128xf32> to vector<256x1x8x128xf32>
    %squeeze3A_1415 = vector.shape_cast %slice3A_1414 : vector<256x1x8x128xf32> to vector<256x8x128xf32>
    %max3A_1416 = arith.maximumf %squeeze3A_1413, %squeeze3A_1415 : vector<256x8x128xf32>
    %slice3A_1417 = vector.extract_strided_slice %reshape3A_1411 {offsets = [0, 0, 0, 0], sizes = [256, 1, 8, 128], strides = [1, 1, 1, 1]} : vector<256x2x8x128xf32> to vector<256x1x8x128xf32>
    %squeeze3A_1418 = vector.shape_cast %slice3A_1417 : vector<256x1x8x128xf32> to vector<256x8x128xf32>
    %slice3A_1419 = vector.extract_strided_slice %reshape3A_1411 {offsets = [0, 1, 0, 0], sizes = [256, 1, 8, 128], strides = [1, 1, 1, 1]} : vector<256x2x8x128xf32> to vector<256x1x8x128xf32>
    %squeeze3A_1420 = vector.shape_cast %slice3A_1419 : vector<256x1x8x128xf32> to vector<256x8x128xf32>
    %min3A_1421 = arith.minimumf %squeeze3A_1418, %squeeze3A_1420 : vector<256x8x128xf32>
    %broadcast_in_dim3A_1422 = vector.shape_cast %max3A_1416 : vector<256x8x128xf32> to vector<256x1x8x128xf32>
    %broadcast_in_dim3A_1423 = vector.shape_cast %min3A_1421 : vector<256x8x128xf32> to vector<256x1x8x128xf32>
    %concatenate3A_1424 = tpu.concatenate %broadcast_in_dim3A_1422, %broadcast_in_dim3A_1423 in 1 : vector<256x1x8x128xf32>, vector<256x1x8x128xf32> -> vector<256x2x8x128xf32>
    %reshape3A_1425 = vector.shape_cast %concatenate3A_1424 : vector<256x2x8x128xf32> to vector<4096x128xf32>
    %shift_right_arithmetic3A_1426 = arith.constant 2 : i32
    %shift_right_arithmetic3A_1427 = vector.broadcast %shift_right_arithmetic3A_1426 : i32 to vector<4096x1xi32>
    %shift_right_arithmetic3A_1428 = arith.shrsi %iota3A, %shift_right_arithmetic3A_1427 : vector<4096x1xi32>
    %and3A_1429 = arith.constant 1 : i32
    %and3A_1430 = vector.broadcast %and3A_1429 : i32 to vector<4096x1xi32>
    %and3A_1431 = arith.andi %shift_right_arithmetic3A_1428, %and3A_1430 : vector<4096x1xi32>
    %xor3A_1432 = arith.xori %and3A_1261, %and3A_1431 : vector<4096x1xi32>
    %eq3A_1433 = arith.constant 1 : i32
    %eq3A_1434 = vector.broadcast %eq3A_1433 : i32 to vector<4096x1xi32>
    %eq3A_1435 = arith.cmpi eq, %xor3A_1432, %eq3A_1434 : vector<4096x1xi32>
    %neg3A_1436 = arith.constant 0.000000e+00 : f32
    %neg3A_1437 = vector.broadcast %neg3A_1436 : f32 to vector<4096x128xf32>
    %neg3A_1438 = arith.subf %neg3A_1437, %reshape3A_1425 : vector<4096x128xf32>
    %broadcast_in_dim3A_1439 = vector.shape_cast %eq3A_1435 : vector<4096x1xi1> to vector<4096x1xi1>
    %broadcast_in_dim3A_1440 = vector.broadcast %broadcast_in_dim3A_1439 : vector<4096x1xi1> to vector<4096x128xi1>
    %select_n3A_1441 = arith.select %broadcast_in_dim3A_1440, %neg3A_1438, %reshape3A_1425 : vector<4096x128xi1>, vector<4096x128xf32>
    %slice3A_1442 = vector.extract_strided_slice %select_n3A_1441 {offsets = [2, 0], sizes = [4094, 128], strides = [1, 1]} : vector<4096x128xf32> to vector<4094x128xf32>
    %slice3A_1443 = vector.extract_strided_slice %select_n3A_1441 {offsets = [0, 0], sizes = [2, 128], strides = [1, 1]} : vector<4096x128xf32> to vector<2x128xf32>
    %concatenate3A_1444 = tpu.concatenate %slice3A_1442, %slice3A_1443 in 0 : vector<4094x128xf32>, vector<2x128xf32> -> vector<4096x128xf32>
    %slice3A_1445 = vector.extract_strided_slice %select_n3A_1441 {offsets = [4094, 0], sizes = [2, 128], strides = [1, 1]} : vector<4096x128xf32> to vector<2x128xf32>
    %slice3A_1446 = vector.extract_strided_slice %select_n3A_1441 {offsets = [0, 0], sizes = [4094, 128], strides = [1, 1]} : vector<4096x128xf32> to vector<4094x128xf32>
    %concatenate3A_1447 = tpu.concatenate %slice3A_1445, %slice3A_1446 in 0 : vector<2x128xf32>, vector<4094x128xf32> -> vector<4096x128xf32>
    %and3A_1448 = arith.constant 2 : i32
    %and3A_1449 = vector.broadcast %and3A_1448 : i32 to vector<4096x1xi32>
    %and3A_1450 = arith.andi %iota3A, %and3A_1449 : vector<4096x1xi32>
    %eq3A_1451 = arith.constant 0 : i32
    %eq3A_1452 = vector.broadcast %eq3A_1451 : i32 to vector<4096x1xi32>
    %eq3A_1453 = arith.cmpi eq, %and3A_1450, %eq3A_1452 : vector<4096x1xi32>
    %broadcast_in_dim3A_1454 = vector.shape_cast %eq3A_1453 : vector<4096x1xi1> to vector<4096x1xi1>
    %broadcast_in_dim3A_1455 = vector.broadcast %broadcast_in_dim3A_1454 : vector<4096x1xi1> to vector<4096x128xi1>
    %select_n3A_1456 = arith.select %broadcast_in_dim3A_1455, %concatenate3A_1444, %concatenate3A_1447 : vector<4096x128xi1>, vector<4096x128xf32>
    %min3A_1457 = arith.minimumf %select_n3A_1441, %select_n3A_1456 : vector<4096x128xf32>
    %max3A_1458 = arith.maximumf %select_n3A_1441, %select_n3A_1456 : vector<4096x128xf32>
    %broadcast_in_dim3A_1459 = vector.shape_cast %eq3A_1453 : vector<4096x1xi1> to vector<4096x1xi1>
    %broadcast_in_dim3A_1460 = vector.broadcast %broadcast_in_dim3A_1459 : vector<4096x1xi1> to vector<4096x128xi1>
    %select_n3A_1461 = arith.select %broadcast_in_dim3A_1460, %max3A_1458, %min3A_1457 : vector<4096x128xi1>, vector<4096x128xf32>
    %slice3A_1462 = vector.extract_strided_slice %select_n3A_1461 {offsets = [1, 0], sizes = [4095, 128], strides = [1, 1]} : vector<4096x128xf32> to vector<4095x128xf32>
    %slice3A_1463 = vector.extract_strided_slice %select_n3A_1461 {offsets = [0, 0], sizes = [1, 128], strides = [1, 1]} : vector<4096x128xf32> to vector<1x128xf32>
    %concatenate3A_1464 = tpu.concatenate %slice3A_1462, %slice3A_1463 in 0 : vector<4095x128xf32>, vector<1x128xf32> -> vector<4096x128xf32>
    %slice3A_1465 = vector.extract_strided_slice %select_n3A_1461 {offsets = [4095, 0], sizes = [1, 128], strides = [1, 1]} : vector<4096x128xf32> to vector<1x128xf32>
    %slice3A_1466 = vector.extract_strided_slice %select_n3A_1461 {offsets = [0, 0], sizes = [4095, 128], strides = [1, 1]} : vector<4096x128xf32> to vector<4095x128xf32>
    %concatenate3A_1467 = tpu.concatenate %slice3A_1465, %slice3A_1466 in 0 : vector<1x128xf32>, vector<4095x128xf32> -> vector<4096x128xf32>
    %and3A_1468 = arith.constant 1 : i32
    %and3A_1469 = vector.broadcast %and3A_1468 : i32 to vector<4096x1xi32>
    %and3A_1470 = arith.andi %iota3A, %and3A_1469 : vector<4096x1xi32>
    %eq3A_1471 = arith.constant 0 : i32
    %eq3A_1472 = vector.broadcast %eq3A_1471 : i32 to vector<4096x1xi32>
    %eq3A_1473 = arith.cmpi eq, %and3A_1470, %eq3A_1472 : vector<4096x1xi32>
    %broadcast_in_dim3A_1474 = vector.shape_cast %eq3A_1473 : vector<4096x1xi1> to vector<4096x1xi1>
    %broadcast_in_dim3A_1475 = vector.broadcast %broadcast_in_dim3A_1474 : vector<4096x1xi1> to vector<4096x128xi1>
    %select_n3A_1476 = arith.select %broadcast_in_dim3A_1475, %concatenate3A_1464, %concatenate3A_1467 : vector<4096x128xi1>, vector<4096x128xf32>
    %min3A_1477 = arith.minimumf %select_n3A_1461, %select_n3A_1476 : vector<4096x128xf32>
    %max3A_1478 = arith.maximumf %select_n3A_1461, %select_n3A_1476 : vector<4096x128xf32>
    %broadcast_in_dim3A_1479 = vector.shape_cast %eq3A_1473 : vector<4096x1xi1> to vector<4096x1xi1>
    %broadcast_in_dim3A_1480 = vector.broadcast %broadcast_in_dim3A_1479 : vector<4096x1xi1> to vector<4096x128xi1>
    %select_n3A_1481 = arith.select %broadcast_in_dim3A_1480, %max3A_1478, %min3A_1477 : vector<4096x128xi1>, vector<4096x128xf32>
    %reshape3A_1482 = vector.shape_cast %select_n3A_1481 : vector<4096x128xf32> to vector<1x2x2048x128xf32>
    %slice3A_1483 = vector.extract_strided_slice %reshape3A_1482 {offsets = [0, 0, 0, 0], sizes = [1, 1, 2048, 128], strides = [1, 1, 1, 1]} : vector<1x2x2048x128xf32> to vector<1x1x2048x128xf32>
    %squeeze3A_1484 = vector.shape_cast %slice3A_1483 : vector<1x1x2048x128xf32> to vector<1x2048x128xf32>
    %slice3A_1485 = vector.extract_strided_slice %reshape3A_1482 {offsets = [0, 1, 0, 0], sizes = [1, 1, 2048, 128], strides = [1, 1, 1, 1]} : vector<1x2x2048x128xf32> to vector<1x1x2048x128xf32>
    %squeeze3A_1486 = vector.shape_cast %slice3A_1485 : vector<1x1x2048x128xf32> to vector<1x2048x128xf32>
    %max3A_1487 = arith.maximumf %squeeze3A_1484, %squeeze3A_1486 : vector<1x2048x128xf32>
    %slice3A_1488 = vector.extract_strided_slice %reshape3A_1482 {offsets = [0, 0, 0, 0], sizes = [1, 1, 2048, 128], strides = [1, 1, 1, 1]} : vector<1x2x2048x128xf32> to vector<1x1x2048x128xf32>
    %squeeze3A_1489 = vector.shape_cast %slice3A_1488 : vector<1x1x2048x128xf32> to vector<1x2048x128xf32>
    %slice3A_1490 = vector.extract_strided_slice %reshape3A_1482 {offsets = [0, 1, 0, 0], sizes = [1, 1, 2048, 128], strides = [1, 1, 1, 1]} : vector<1x2x2048x128xf32> to vector<1x1x2048x128xf32>
    %squeeze3A_1491 = vector.shape_cast %slice3A_1490 : vector<1x1x2048x128xf32> to vector<1x2048x128xf32>
    %min3A_1492 = arith.minimumf %squeeze3A_1489, %squeeze3A_1491 : vector<1x2048x128xf32>
    %broadcast_in_dim3A_1493 = vector.shape_cast %max3A_1487 : vector<1x2048x128xf32> to vector<1x1x2048x128xf32>
    %broadcast_in_dim3A_1494 = vector.shape_cast %min3A_1492 : vector<1x2048x128xf32> to vector<1x1x2048x128xf32>
    %concatenate3A_1495 = tpu.concatenate %broadcast_in_dim3A_1493, %broadcast_in_dim3A_1494 in 1 : vector<1x1x2048x128xf32>, vector<1x1x2048x128xf32> -> vector<1x2x2048x128xf32>
    %reshape3A_1496 = vector.shape_cast %concatenate3A_1495 : vector<1x2x2048x128xf32> to vector<4096x128xf32>
    %reshape3A_1497 = vector.shape_cast %reshape3A_1496 : vector<4096x128xf32> to vector<2x2x1024x128xf32>
    %slice3A_1498 = vector.extract_strided_slice %reshape3A_1497 {offsets = [0, 0, 0, 0], sizes = [2, 1, 1024, 128], strides = [1, 1, 1, 1]} : vector<2x2x1024x128xf32> to vector<2x1x1024x128xf32>
    %squeeze3A_1499 = vector.shape_cast %slice3A_1498 : vector<2x1x1024x128xf32> to vector<2x1024x128xf32>
    %slice3A_1500 = vector.extract_strided_slice %reshape3A_1497 {offsets = [0, 1, 0, 0], sizes = [2, 1, 1024, 128], strides = [1, 1, 1, 1]} : vector<2x2x1024x128xf32> to vector<2x1x1024x128xf32>
    %squeeze3A_1501 = vector.shape_cast %slice3A_1500 : vector<2x1x1024x128xf32> to vector<2x1024x128xf32>
    %max3A_1502 = arith.maximumf %squeeze3A_1499, %squeeze3A_1501 : vector<2x1024x128xf32>
    %slice3A_1503 = vector.extract_strided_slice %reshape3A_1497 {offsets = [0, 0, 0, 0], sizes = [2, 1, 1024, 128], strides = [1, 1, 1, 1]} : vector<2x2x1024x128xf32> to vector<2x1x1024x128xf32>
    %squeeze3A_1504 = vector.shape_cast %slice3A_1503 : vector<2x1x1024x128xf32> to vector<2x1024x128xf32>
    %slice3A_1505 = vector.extract_strided_slice %reshape3A_1497 {offsets = [0, 1, 0, 0], sizes = [2, 1, 1024, 128], strides = [1, 1, 1, 1]} : vector<2x2x1024x128xf32> to vector<2x1x1024x128xf32>
    %squeeze3A_1506 = vector.shape_cast %slice3A_1505 : vector<2x1x1024x128xf32> to vector<2x1024x128xf32>
    %min3A_1507 = arith.minimumf %squeeze3A_1504, %squeeze3A_1506 : vector<2x1024x128xf32>
    %broadcast_in_dim3A_1508 = vector.shape_cast %max3A_1502 : vector<2x1024x128xf32> to vector<2x1x1024x128xf32>
    %broadcast_in_dim3A_1509 = vector.shape_cast %min3A_1507 : vector<2x1024x128xf32> to vector<2x1x1024x128xf32>
    %concatenate3A_1510 = tpu.concatenate %broadcast_in_dim3A_1508, %broadcast_in_dim3A_1509 in 1 : vector<2x1x1024x128xf32>, vector<2x1x1024x128xf32> -> vector<2x2x1024x128xf32>
    %reshape3A_1511 = vector.shape_cast %concatenate3A_1510 : vector<2x2x1024x128xf32> to vector<4096x128xf32>
    %reshape3A_1512 = vector.shape_cast %reshape3A_1511 : vector<4096x128xf32> to vector<4x2x512x128xf32>
    %slice3A_1513 = vector.extract_strided_slice %reshape3A_1512 {offsets = [0, 0, 0, 0], sizes = [4, 1, 512, 128], strides = [1, 1, 1, 1]} : vector<4x2x512x128xf32> to vector<4x1x512x128xf32>
    %squeeze3A_1514 = vector.shape_cast %slice3A_1513 : vector<4x1x512x128xf32> to vector<4x512x128xf32>
    %slice3A_1515 = vector.extract_strided_slice %reshape3A_1512 {offsets = [0, 1, 0, 0], sizes = [4, 1, 512, 128], strides = [1, 1, 1, 1]} : vector<4x2x512x128xf32> to vector<4x1x512x128xf32>
    %squeeze3A_1516 = vector.shape_cast %slice3A_1515 : vector<4x1x512x128xf32> to vector<4x512x128xf32>
    %max3A_1517 = arith.maximumf %squeeze3A_1514, %squeeze3A_1516 : vector<4x512x128xf32>
    %slice3A_1518 = vector.extract_strided_slice %reshape3A_1512 {offsets = [0, 0, 0, 0], sizes = [4, 1, 512, 128], strides = [1, 1, 1, 1]} : vector<4x2x512x128xf32> to vector<4x1x512x128xf32>
    %squeeze3A_1519 = vector.shape_cast %slice3A_1518 : vector<4x1x512x128xf32> to vector<4x512x128xf32>
    %slice3A_1520 = vector.extract_strided_slice %reshape3A_1512 {offsets = [0, 1, 0, 0], sizes = [4, 1, 512, 128], strides = [1, 1, 1, 1]} : vector<4x2x512x128xf32> to vector<4x1x512x128xf32>
    %squeeze3A_1521 = vector.shape_cast %slice3A_1520 : vector<4x1x512x128xf32> to vector<4x512x128xf32>
    %min3A_1522 = arith.minimumf %squeeze3A_1519, %squeeze3A_1521 : vector<4x512x128xf32>
    %broadcast_in_dim3A_1523 = vector.shape_cast %max3A_1517 : vector<4x512x128xf32> to vector<4x1x512x128xf32>
    %broadcast_in_dim3A_1524 = vector.shape_cast %min3A_1522 : vector<4x512x128xf32> to vector<4x1x512x128xf32>
    %concatenate3A_1525 = tpu.concatenate %broadcast_in_dim3A_1523, %broadcast_in_dim3A_1524 in 1 : vector<4x1x512x128xf32>, vector<4x1x512x128xf32> -> vector<4x2x512x128xf32>
    %reshape3A_1526 = vector.shape_cast %concatenate3A_1525 : vector<4x2x512x128xf32> to vector<4096x128xf32>
    %reshape3A_1527 = vector.shape_cast %reshape3A_1526 : vector<4096x128xf32> to vector<8x2x256x128xf32>
    %slice3A_1528 = vector.extract_strided_slice %reshape3A_1527 {offsets = [0, 0, 0, 0], sizes = [8, 1, 256, 128], strides = [1, 1, 1, 1]} : vector<8x2x256x128xf32> to vector<8x1x256x128xf32>
    %squeeze3A_1529 = vector.shape_cast %slice3A_1528 : vector<8x1x256x128xf32> to vector<8x256x128xf32>
    %slice3A_1530 = vector.extract_strided_slice %reshape3A_1527 {offsets = [0, 1, 0, 0], sizes = [8, 1, 256, 128], strides = [1, 1, 1, 1]} : vector<8x2x256x128xf32> to vector<8x1x256x128xf32>
    %squeeze3A_1531 = vector.shape_cast %slice3A_1530 : vector<8x1x256x128xf32> to vector<8x256x128xf32>
    %max3A_1532 = arith.maximumf %squeeze3A_1529, %squeeze3A_1531 : vector<8x256x128xf32>
    %slice3A_1533 = vector.extract_strided_slice %reshape3A_1527 {offsets = [0, 0, 0, 0], sizes = [8, 1, 256, 128], strides = [1, 1, 1, 1]} : vector<8x2x256x128xf32> to vector<8x1x256x128xf32>
    %squeeze3A_1534 = vector.shape_cast %slice3A_1533 : vector<8x1x256x128xf32> to vector<8x256x128xf32>
    %slice3A_1535 = vector.extract_strided_slice %reshape3A_1527 {offsets = [0, 1, 0, 0], sizes = [8, 1, 256, 128], strides = [1, 1, 1, 1]} : vector<8x2x256x128xf32> to vector<8x1x256x128xf32>
    %squeeze3A_1536 = vector.shape_cast %slice3A_1535 : vector<8x1x256x128xf32> to vector<8x256x128xf32>
    %min3A_1537 = arith.minimumf %squeeze3A_1534, %squeeze3A_1536 : vector<8x256x128xf32>
    %broadcast_in_dim3A_1538 = vector.shape_cast %max3A_1532 : vector<8x256x128xf32> to vector<8x1x256x128xf32>
    %broadcast_in_dim3A_1539 = vector.shape_cast %min3A_1537 : vector<8x256x128xf32> to vector<8x1x256x128xf32>
    %concatenate3A_1540 = tpu.concatenate %broadcast_in_dim3A_1538, %broadcast_in_dim3A_1539 in 1 : vector<8x1x256x128xf32>, vector<8x1x256x128xf32> -> vector<8x2x256x128xf32>
    %reshape3A_1541 = vector.shape_cast %concatenate3A_1540 : vector<8x2x256x128xf32> to vector<4096x128xf32>
    %reshape3A_1542 = vector.shape_cast %reshape3A_1541 : vector<4096x128xf32> to vector<16x2x128x128xf32>
    %slice3A_1543 = vector.extract_strided_slice %reshape3A_1542 {offsets = [0, 0, 0, 0], sizes = [16, 1, 128, 128], strides = [1, 1, 1, 1]} : vector<16x2x128x128xf32> to vector<16x1x128x128xf32>
    %squeeze3A_1544 = vector.shape_cast %slice3A_1543 : vector<16x1x128x128xf32> to vector<16x128x128xf32>
    %slice3A_1545 = vector.extract_strided_slice %reshape3A_1542 {offsets = [0, 1, 0, 0], sizes = [16, 1, 128, 128], strides = [1, 1, 1, 1]} : vector<16x2x128x128xf32> to vector<16x1x128x128xf32>
    %squeeze3A_1546 = vector.shape_cast %slice3A_1545 : vector<16x1x128x128xf32> to vector<16x128x128xf32>
    %max3A_1547 = arith.maximumf %squeeze3A_1544, %squeeze3A_1546 : vector<16x128x128xf32>
    %slice3A_1548 = vector.extract_strided_slice %reshape3A_1542 {offsets = [0, 0, 0, 0], sizes = [16, 1, 128, 128], strides = [1, 1, 1, 1]} : vector<16x2x128x128xf32> to vector<16x1x128x128xf32>
    %squeeze3A_1549 = vector.shape_cast %slice3A_1548 : vector<16x1x128x128xf32> to vector<16x128x128xf32>
    %slice3A_1550 = vector.extract_strided_slice %reshape3A_1542 {offsets = [0, 1, 0, 0], sizes = [16, 1, 128, 128], strides = [1, 1, 1, 1]} : vector<16x2x128x128xf32> to vector<16x1x128x128xf32>
    %squeeze3A_1551 = vector.shape_cast %slice3A_1550 : vector<16x1x128x128xf32> to vector<16x128x128xf32>
    %min3A_1552 = arith.minimumf %squeeze3A_1549, %squeeze3A_1551 : vector<16x128x128xf32>
    %broadcast_in_dim3A_1553 = vector.shape_cast %max3A_1547 : vector<16x128x128xf32> to vector<16x1x128x128xf32>
    %broadcast_in_dim3A_1554 = vector.shape_cast %min3A_1552 : vector<16x128x128xf32> to vector<16x1x128x128xf32>
    %concatenate3A_1555 = tpu.concatenate %broadcast_in_dim3A_1553, %broadcast_in_dim3A_1554 in 1 : vector<16x1x128x128xf32>, vector<16x1x128x128xf32> -> vector<16x2x128x128xf32>
    %reshape3A_1556 = vector.shape_cast %concatenate3A_1555 : vector<16x2x128x128xf32> to vector<4096x128xf32>
    %reshape3A_1557 = vector.shape_cast %reshape3A_1556 : vector<4096x128xf32> to vector<32x2x64x128xf32>
    %slice3A_1558 = vector.extract_strided_slice %reshape3A_1557 {offsets = [0, 0, 0, 0], sizes = [32, 1, 64, 128], strides = [1, 1, 1, 1]} : vector<32x2x64x128xf32> to vector<32x1x64x128xf32>
    %squeeze3A_1559 = vector.shape_cast %slice3A_1558 : vector<32x1x64x128xf32> to vector<32x64x128xf32>
    %slice3A_1560 = vector.extract_strided_slice %reshape3A_1557 {offsets = [0, 1, 0, 0], sizes = [32, 1, 64, 128], strides = [1, 1, 1, 1]} : vector<32x2x64x128xf32> to vector<32x1x64x128xf32>
    %squeeze3A_1561 = vector.shape_cast %slice3A_1560 : vector<32x1x64x128xf32> to vector<32x64x128xf32>
    %max3A_1562 = arith.maximumf %squeeze3A_1559, %squeeze3A_1561 : vector<32x64x128xf32>
    %slice3A_1563 = vector.extract_strided_slice %reshape3A_1557 {offsets = [0, 0, 0, 0], sizes = [32, 1, 64, 128], strides = [1, 1, 1, 1]} : vector<32x2x64x128xf32> to vector<32x1x64x128xf32>
    %squeeze3A_1564 = vector.shape_cast %slice3A_1563 : vector<32x1x64x128xf32> to vector<32x64x128xf32>
    %slice3A_1565 = vector.extract_strided_slice %reshape3A_1557 {offsets = [0, 1, 0, 0], sizes = [32, 1, 64, 128], strides = [1, 1, 1, 1]} : vector<32x2x64x128xf32> to vector<32x1x64x128xf32>
    %squeeze3A_1566 = vector.shape_cast %slice3A_1565 : vector<32x1x64x128xf32> to vector<32x64x128xf32>
    %min3A_1567 = arith.minimumf %squeeze3A_1564, %squeeze3A_1566 : vector<32x64x128xf32>
    %broadcast_in_dim3A_1568 = vector.shape_cast %max3A_1562 : vector<32x64x128xf32> to vector<32x1x64x128xf32>
    %broadcast_in_dim3A_1569 = vector.shape_cast %min3A_1567 : vector<32x64x128xf32> to vector<32x1x64x128xf32>
    %concatenate3A_1570 = tpu.concatenate %broadcast_in_dim3A_1568, %broadcast_in_dim3A_1569 in 1 : vector<32x1x64x128xf32>, vector<32x1x64x128xf32> -> vector<32x2x64x128xf32>
    %reshape3A_1571 = vector.shape_cast %concatenate3A_1570 : vector<32x2x64x128xf32> to vector<4096x128xf32>
    %reshape3A_1572 = vector.shape_cast %reshape3A_1571 : vector<4096x128xf32> to vector<64x2x32x128xf32>
    %slice3A_1573 = vector.extract_strided_slice %reshape3A_1572 {offsets = [0, 0, 0, 0], sizes = [64, 1, 32, 128], strides = [1, 1, 1, 1]} : vector<64x2x32x128xf32> to vector<64x1x32x128xf32>
    %squeeze3A_1574 = vector.shape_cast %slice3A_1573 : vector<64x1x32x128xf32> to vector<64x32x128xf32>
    %slice3A_1575 = vector.extract_strided_slice %reshape3A_1572 {offsets = [0, 1, 0, 0], sizes = [64, 1, 32, 128], strides = [1, 1, 1, 1]} : vector<64x2x32x128xf32> to vector<64x1x32x128xf32>
    %squeeze3A_1576 = vector.shape_cast %slice3A_1575 : vector<64x1x32x128xf32> to vector<64x32x128xf32>
    %max3A_1577 = arith.maximumf %squeeze3A_1574, %squeeze3A_1576 : vector<64x32x128xf32>
    %slice3A_1578 = vector.extract_strided_slice %reshape3A_1572 {offsets = [0, 0, 0, 0], sizes = [64, 1, 32, 128], strides = [1, 1, 1, 1]} : vector<64x2x32x128xf32> to vector<64x1x32x128xf32>
    %squeeze3A_1579 = vector.shape_cast %slice3A_1578 : vector<64x1x32x128xf32> to vector<64x32x128xf32>
    %slice3A_1580 = vector.extract_strided_slice %reshape3A_1572 {offsets = [0, 1, 0, 0], sizes = [64, 1, 32, 128], strides = [1, 1, 1, 1]} : vector<64x2x32x128xf32> to vector<64x1x32x128xf32>
    %squeeze3A_1581 = vector.shape_cast %slice3A_1580 : vector<64x1x32x128xf32> to vector<64x32x128xf32>
    %min3A_1582 = arith.minimumf %squeeze3A_1579, %squeeze3A_1581 : vector<64x32x128xf32>
    %broadcast_in_dim3A_1583 = vector.shape_cast %max3A_1577 : vector<64x32x128xf32> to vector<64x1x32x128xf32>
    %broadcast_in_dim3A_1584 = vector.shape_cast %min3A_1582 : vector<64x32x128xf32> to vector<64x1x32x128xf32>
    %concatenate3A_1585 = tpu.concatenate %broadcast_in_dim3A_1583, %broadcast_in_dim3A_1584 in 1 : vector<64x1x32x128xf32>, vector<64x1x32x128xf32> -> vector<64x2x32x128xf32>
    %reshape3A_1586 = vector.shape_cast %concatenate3A_1585 : vector<64x2x32x128xf32> to vector<4096x128xf32>
    %reshape3A_1587 = vector.shape_cast %reshape3A_1586 : vector<4096x128xf32> to vector<128x2x16x128xf32>
    %slice3A_1588 = vector.extract_strided_slice %reshape3A_1587 {offsets = [0, 0, 0, 0], sizes = [128, 1, 16, 128], strides = [1, 1, 1, 1]} : vector<128x2x16x128xf32> to vector<128x1x16x128xf32>
    %squeeze3A_1589 = vector.shape_cast %slice3A_1588 : vector<128x1x16x128xf32> to vector<128x16x128xf32>
    %slice3A_1590 = vector.extract_strided_slice %reshape3A_1587 {offsets = [0, 1, 0, 0], sizes = [128, 1, 16, 128], strides = [1, 1, 1, 1]} : vector<128x2x16x128xf32> to vector<128x1x16x128xf32>
    %squeeze3A_1591 = vector.shape_cast %slice3A_1590 : vector<128x1x16x128xf32> to vector<128x16x128xf32>
    %max3A_1592 = arith.maximumf %squeeze3A_1589, %squeeze3A_1591 : vector<128x16x128xf32>
    %slice3A_1593 = vector.extract_strided_slice %reshape3A_1587 {offsets = [0, 0, 0, 0], sizes = [128, 1, 16, 128], strides = [1, 1, 1, 1]} : vector<128x2x16x128xf32> to vector<128x1x16x128xf32>
    %squeeze3A_1594 = vector.shape_cast %slice3A_1593 : vector<128x1x16x128xf32> to vector<128x16x128xf32>
    %slice3A_1595 = vector.extract_strided_slice %reshape3A_1587 {offsets = [0, 1, 0, 0], sizes = [128, 1, 16, 128], strides = [1, 1, 1, 1]} : vector<128x2x16x128xf32> to vector<128x1x16x128xf32>
    %squeeze3A_1596 = vector.shape_cast %slice3A_1595 : vector<128x1x16x128xf32> to vector<128x16x128xf32>
    %min3A_1597 = arith.minimumf %squeeze3A_1594, %squeeze3A_1596 : vector<128x16x128xf32>
    %broadcast_in_dim3A_1598 = vector.shape_cast %max3A_1592 : vector<128x16x128xf32> to vector<128x1x16x128xf32>
    %broadcast_in_dim3A_1599 = vector.shape_cast %min3A_1597 : vector<128x16x128xf32> to vector<128x1x16x128xf32>
    %concatenate3A_1600 = tpu.concatenate %broadcast_in_dim3A_1598, %broadcast_in_dim3A_1599 in 1 : vector<128x1x16x128xf32>, vector<128x1x16x128xf32> -> vector<128x2x16x128xf32>
    %reshape3A_1601 = vector.shape_cast %concatenate3A_1600 : vector<128x2x16x128xf32> to vector<4096x128xf32>
    %reshape3A_1602 = vector.shape_cast %reshape3A_1601 : vector<4096x128xf32> to vector<256x2x8x128xf32>
    %slice3A_1603 = vector.extract_strided_slice %reshape3A_1602 {offsets = [0, 0, 0, 0], sizes = [256, 1, 8, 128], strides = [1, 1, 1, 1]} : vector<256x2x8x128xf32> to vector<256x1x8x128xf32>
    %squeeze3A_1604 = vector.shape_cast %slice3A_1603 : vector<256x1x8x128xf32> to vector<256x8x128xf32>
    %slice3A_1605 = vector.extract_strided_slice %reshape3A_1602 {offsets = [0, 1, 0, 0], sizes = [256, 1, 8, 128], strides = [1, 1, 1, 1]} : vector<256x2x8x128xf32> to vector<256x1x8x128xf32>
    %squeeze3A_1606 = vector.shape_cast %slice3A_1605 : vector<256x1x8x128xf32> to vector<256x8x128xf32>
    %max3A_1607 = arith.maximumf %squeeze3A_1604, %squeeze3A_1606 : vector<256x8x128xf32>
    %slice3A_1608 = vector.extract_strided_slice %reshape3A_1602 {offsets = [0, 0, 0, 0], sizes = [256, 1, 8, 128], strides = [1, 1, 1, 1]} : vector<256x2x8x128xf32> to vector<256x1x8x128xf32>
    %squeeze3A_1609 = vector.shape_cast %slice3A_1608 : vector<256x1x8x128xf32> to vector<256x8x128xf32>
    %slice3A_1610 = vector.extract_strided_slice %reshape3A_1602 {offsets = [0, 1, 0, 0], sizes = [256, 1, 8, 128], strides = [1, 1, 1, 1]} : vector<256x2x8x128xf32> to vector<256x1x8x128xf32>
    %squeeze3A_1611 = vector.shape_cast %slice3A_1610 : vector<256x1x8x128xf32> to vector<256x8x128xf32>
    %min3A_1612 = arith.minimumf %squeeze3A_1609, %squeeze3A_1611 : vector<256x8x128xf32>
    %broadcast_in_dim3A_1613 = vector.shape_cast %max3A_1607 : vector<256x8x128xf32> to vector<256x1x8x128xf32>
    %broadcast_in_dim3A_1614 = vector.shape_cast %min3A_1612 : vector<256x8x128xf32> to vector<256x1x8x128xf32>
    %concatenate3A_1615 = tpu.concatenate %broadcast_in_dim3A_1613, %broadcast_in_dim3A_1614 in 1 : vector<256x1x8x128xf32>, vector<256x1x8x128xf32> -> vector<256x2x8x128xf32>
    %reshape3A_1616 = vector.shape_cast %concatenate3A_1615 : vector<256x2x8x128xf32> to vector<4096x128xf32>
    %broadcast_in_dim3A_1617 = arith.constant 0 : i32
    %broadcast_in_dim3A_1618 = vector.broadcast %broadcast_in_dim3A_1617 : i32 to vector<4096x1xi32>
    %xor3A_1619 = arith.xori %and3A_1431, %broadcast_in_dim3A_1618 : vector<4096x1xi32>
    %eq3A_1620 = arith.constant 1 : i32
    %eq3A_1621 = vector.broadcast %eq3A_1620 : i32 to vector<4096x1xi32>
    %eq3A_1622 = arith.cmpi eq, %xor3A_1619, %eq3A_1621 : vector<4096x1xi32>
    %neg3A_1623 = arith.constant 0.000000e+00 : f32
    %neg3A_1624 = vector.broadcast %neg3A_1623 : f32 to vector<4096x128xf32>
    %neg3A_1625 = arith.subf %neg3A_1624, %reshape3A_1616 : vector<4096x128xf32>
    %broadcast_in_dim3A_1626 = vector.shape_cast %eq3A_1622 : vector<4096x1xi1> to vector<4096x1xi1>
    %broadcast_in_dim3A_1627 = vector.broadcast %broadcast_in_dim3A_1626 : vector<4096x1xi1> to vector<4096x128xi1>
    %select_n3A_1628 = arith.select %broadcast_in_dim3A_1627, %neg3A_1625, %reshape3A_1616 : vector<4096x128xi1>, vector<4096x128xf32>
    %reshape3A_1629 = vector.shape_cast %select_n3A_1628 : vector<4096x128xf32> to vector<512x2x4x128xf32>
    %slice3A_1630 = vector.extract_strided_slice %reshape3A_1629 {offsets = [0, 0, 0, 0], sizes = [512, 1, 4, 128], strides = [1, 1, 1, 1]} : vector<512x2x4x128xf32> to vector<512x1x4x128xf32>
    %squeeze3A_1631 = vector.shape_cast %slice3A_1630 : vector<512x1x4x128xf32> to vector<512x4x128xf32>
    %slice3A_1632 = vector.extract_strided_slice %reshape3A_1629 {offsets = [0, 1, 0, 0], sizes = [512, 1, 4, 128], strides = [1, 1, 1, 1]} : vector<512x2x4x128xf32> to vector<512x1x4x128xf32>
    %squeeze3A_1633 = vector.shape_cast %slice3A_1632 : vector<512x1x4x128xf32> to vector<512x4x128xf32>
    %max3A_1634 = arith.maximumf %squeeze3A_1631, %squeeze3A_1633 : vector<512x4x128xf32>
    %reshape3A_1635 = vector.shape_cast %max3A_1634 : vector<512x4x128xf32> to vector<2048x128xf32>
    %iota3A_1636 = tpu.iota {dimensions = array<i32: 0>} : vector<2048x1xi32>
    %slice3A_1637 = vector.extract_strided_slice %reshape3A_1635 {offsets = [2, 0], sizes = [2046, 128], strides = [1, 1]} : vector<2048x128xf32> to vector<2046x128xf32>
    %slice3A_1638 = vector.extract_strided_slice %reshape3A_1635 {offsets = [0, 0], sizes = [2, 128], strides = [1, 1]} : vector<2048x128xf32> to vector<2x128xf32>
    %concatenate3A_1639 = tpu.concatenate %slice3A_1637, %slice3A_1638 in 0 : vector<2046x128xf32>, vector<2x128xf32> -> vector<2048x128xf32>
    %slice3A_1640 = vector.extract_strided_slice %reshape3A_1635 {offsets = [2046, 0], sizes = [2, 128], strides = [1, 1]} : vector<2048x128xf32> to vector<2x128xf32>
    %slice3A_1641 = vector.extract_strided_slice %reshape3A_1635 {offsets = [0, 0], sizes = [2046, 128], strides = [1, 1]} : vector<2048x128xf32> to vector<2046x128xf32>
    %concatenate3A_1642 = tpu.concatenate %slice3A_1640, %slice3A_1641 in 0 : vector<2x128xf32>, vector<2046x128xf32> -> vector<2048x128xf32>
    %and3A_1643 = arith.constant 2 : i32
    %and3A_1644 = vector.broadcast %and3A_1643 : i32 to vector<2048x1xi32>
    %and3A_1645 = arith.andi %iota3A_1636, %and3A_1644 : vector<2048x1xi32>
    %eq3A_1646 = arith.constant 0 : i32
    %eq3A_1647 = vector.broadcast %eq3A_1646 : i32 to vector<2048x1xi32>
    %eq3A_1648 = arith.cmpi eq, %and3A_1645, %eq3A_1647 : vector<2048x1xi32>
    %broadcast_in_dim3A_1649 = vector.shape_cast %eq3A_1648 : vector<2048x1xi1> to vector<2048x1xi1>
    %broadcast_in_dim3A_1650 = vector.broadcast %broadcast_in_dim3A_1649 : vector<2048x1xi1> to vector<2048x128xi1>
    %select_n3A_1651 = arith.select %broadcast_in_dim3A_1650, %concatenate3A_1639, %concatenate3A_1642 : vector<2048x128xi1>, vector<2048x128xf32>
    %min3A_1652 = arith.minimumf %reshape3A_1635, %select_n3A_1651 : vector<2048x128xf32>
    %max3A_1653 = arith.maximumf %reshape3A_1635, %select_n3A_1651 : vector<2048x128xf32>
    %broadcast_in_dim3A_1654 = vector.shape_cast %eq3A_1648 : vector<2048x1xi1> to vector<2048x1xi1>
    %broadcast_in_dim3A_1655 = vector.broadcast %broadcast_in_dim3A_1654 : vector<2048x1xi1> to vector<2048x128xi1>
    %select_n3A_1656 = arith.select %broadcast_in_dim3A_1655, %max3A_1653, %min3A_1652 : vector<2048x128xi1>, vector<2048x128xf32>
    %slice3A_1657 = vector.extract_strided_slice %select_n3A_1656 {offsets = [1, 0], sizes = [2047, 128], strides = [1, 1]} : vector<2048x128xf32> to vector<2047x128xf32>
    %slice3A_1658 = vector.extract_strided_slice %select_n3A_1656 {offsets = [0, 0], sizes = [1, 128], strides = [1, 1]} : vector<2048x128xf32> to vector<1x128xf32>
    %concatenate3A_1659 = tpu.concatenate %slice3A_1657, %slice3A_1658 in 0 : vector<2047x128xf32>, vector<1x128xf32> -> vector<2048x128xf32>
    %slice3A_1660 = vector.extract_strided_slice %select_n3A_1656 {offsets = [2047, 0], sizes = [1, 128], strides = [1, 1]} : vector<2048x128xf32> to vector<1x128xf32>
    %slice3A_1661 = vector.extract_strided_slice %select_n3A_1656 {offsets = [0, 0], sizes = [2047, 128], strides = [1, 1]} : vector<2048x128xf32> to vector<2047x128xf32>
    %concatenate3A_1662 = tpu.concatenate %slice3A_1660, %slice3A_1661 in 0 : vector<1x128xf32>, vector<2047x128xf32> -> vector<2048x128xf32>
    %and3A_1663 = arith.constant 1 : i32
    %and3A_1664 = vector.broadcast %and3A_1663 : i32 to vector<2048x1xi32>
    %and3A_1665 = arith.andi %iota3A_1636, %and3A_1664 : vector<2048x1xi32>
    %eq3A_1666 = arith.constant 0 : i32
    %eq3A_1667 = vector.broadcast %eq3A_1666 : i32 to vector<2048x1xi32>
    %eq3A_1668 = arith.cmpi eq, %and3A_1665, %eq3A_1667 : vector<2048x1xi32>
    %broadcast_in_dim3A_1669 = vector.shape_cast %eq3A_1668 : vector<2048x1xi1> to vector<2048x1xi1>
    %broadcast_in_dim3A_1670 = vector.broadcast %broadcast_in_dim3A_1669 : vector<2048x1xi1> to vector<2048x128xi1>
    %select_n3A_1671 = arith.select %broadcast_in_dim3A_1670, %concatenate3A_1659, %concatenate3A_1662 : vector<2048x128xi1>, vector<2048x128xf32>
    %min3A_1672 = arith.minimumf %select_n3A_1656, %select_n3A_1671 : vector<2048x128xf32>
    %max3A_1673 = arith.maximumf %select_n3A_1656, %select_n3A_1671 : vector<2048x128xf32>
    %broadcast_in_dim3A_1674 = vector.shape_cast %eq3A_1668 : vector<2048x1xi1> to vector<2048x1xi1>
    %broadcast_in_dim3A_1675 = vector.broadcast %broadcast_in_dim3A_1674 : vector<2048x1xi1> to vector<2048x128xi1>
    %select_n3A_1676 = arith.select %broadcast_in_dim3A_1675, %max3A_1673, %min3A_1672 : vector<2048x128xi1>, vector<2048x128xf32>
    %reshape3A_1677 = vector.shape_cast %select_n3A_1676 : vector<2048x128xf32> to vector<1x2x1024x128xf32>
    %slice3A_1678 = vector.extract_strided_slice %reshape3A_1677 {offsets = [0, 0, 0, 0], sizes = [1, 1, 1024, 128], strides = [1, 1, 1, 1]} : vector<1x2x1024x128xf32> to vector<1x1x1024x128xf32>
    %squeeze3A_1679 = vector.shape_cast %slice3A_1678 : vector<1x1x1024x128xf32> to vector<1x1024x128xf32>
    %slice3A_1680 = vector.extract_strided_slice %reshape3A_1677 {offsets = [0, 1, 0, 0], sizes = [1, 1, 1024, 128], strides = [1, 1, 1, 1]} : vector<1x2x1024x128xf32> to vector<1x1x1024x128xf32>
    %squeeze3A_1681 = vector.shape_cast %slice3A_1680 : vector<1x1x1024x128xf32> to vector<1x1024x128xf32>
    %max3A_1682 = arith.maximumf %squeeze3A_1679, %squeeze3A_1681 : vector<1x1024x128xf32>
    %slice3A_1683 = vector.extract_strided_slice %reshape3A_1677 {offsets = [0, 0, 0, 0], sizes = [1, 1, 1024, 128], strides = [1, 1, 1, 1]} : vector<1x2x1024x128xf32> to vector<1x1x1024x128xf32>
    %squeeze3A_1684 = vector.shape_cast %slice3A_1683 : vector<1x1x1024x128xf32> to vector<1x1024x128xf32>
    %slice3A_1685 = vector.extract_strided_slice %reshape3A_1677 {offsets = [0, 1, 0, 0], sizes = [1, 1, 1024, 128], strides = [1, 1, 1, 1]} : vector<1x2x1024x128xf32> to vector<1x1x1024x128xf32>
    %squeeze3A_1686 = vector.shape_cast %slice3A_1685 : vector<1x1x1024x128xf32> to vector<1x1024x128xf32>
    %min3A_1687 = arith.minimumf %squeeze3A_1684, %squeeze3A_1686 : vector<1x1024x128xf32>
    %broadcast_in_dim3A_1688 = vector.shape_cast %max3A_1682 : vector<1x1024x128xf32> to vector<1x1x1024x128xf32>
    %broadcast_in_dim3A_1689 = vector.shape_cast %min3A_1687 : vector<1x1024x128xf32> to vector<1x1x1024x128xf32>
    %concatenate3A_1690 = tpu.concatenate %broadcast_in_dim3A_1688, %broadcast_in_dim3A_1689 in 1 : vector<1x1x1024x128xf32>, vector<1x1x1024x128xf32> -> vector<1x2x1024x128xf32>
    %reshape3A_1691 = vector.shape_cast %concatenate3A_1690 : vector<1x2x1024x128xf32> to vector<2048x128xf32>
    %reshape3A_1692 = vector.shape_cast %reshape3A_1691 : vector<2048x128xf32> to vector<2x2x512x128xf32>
    %slice3A_1693 = vector.extract_strided_slice %reshape3A_1692 {offsets = [0, 0, 0, 0], sizes = [2, 1, 512, 128], strides = [1, 1, 1, 1]} : vector<2x2x512x128xf32> to vector<2x1x512x128xf32>
    %squeeze3A_1694 = vector.shape_cast %slice3A_1693 : vector<2x1x512x128xf32> to vector<2x512x128xf32>
    %slice3A_1695 = vector.extract_strided_slice %reshape3A_1692 {offsets = [0, 1, 0, 0], sizes = [2, 1, 512, 128], strides = [1, 1, 1, 1]} : vector<2x2x512x128xf32> to vector<2x1x512x128xf32>
    %squeeze3A_1696 = vector.shape_cast %slice3A_1695 : vector<2x1x512x128xf32> to vector<2x512x128xf32>
    %max3A_1697 = arith.maximumf %squeeze3A_1694, %squeeze3A_1696 : vector<2x512x128xf32>
    %slice3A_1698 = vector.extract_strided_slice %reshape3A_1692 {offsets = [0, 0, 0, 0], sizes = [2, 1, 512, 128], strides = [1, 1, 1, 1]} : vector<2x2x512x128xf32> to vector<2x1x512x128xf32>
    %squeeze3A_1699 = vector.shape_cast %slice3A_1698 : vector<2x1x512x128xf32> to vector<2x512x128xf32>
    %slice3A_1700 = vector.extract_strided_slice %reshape3A_1692 {offsets = [0, 1, 0, 0], sizes = [2, 1, 512, 128], strides = [1, 1, 1, 1]} : vector<2x2x512x128xf32> to vector<2x1x512x128xf32>
    %squeeze3A_1701 = vector.shape_cast %slice3A_1700 : vector<2x1x512x128xf32> to vector<2x512x128xf32>
    %min3A_1702 = arith.minimumf %squeeze3A_1699, %squeeze3A_1701 : vector<2x512x128xf32>
    %broadcast_in_dim3A_1703 = vector.shape_cast %max3A_1697 : vector<2x512x128xf32> to vector<2x1x512x128xf32>
    %broadcast_in_dim3A_1704 = vector.shape_cast %min3A_1702 : vector<2x512x128xf32> to vector<2x1x512x128xf32>
    %concatenate3A_1705 = tpu.concatenate %broadcast_in_dim3A_1703, %broadcast_in_dim3A_1704 in 1 : vector<2x1x512x128xf32>, vector<2x1x512x128xf32> -> vector<2x2x512x128xf32>
    %reshape3A_1706 = vector.shape_cast %concatenate3A_1705 : vector<2x2x512x128xf32> to vector<2048x128xf32>
    %reshape3A_1707 = vector.shape_cast %reshape3A_1706 : vector<2048x128xf32> to vector<4x2x256x128xf32>
    %slice3A_1708 = vector.extract_strided_slice %reshape3A_1707 {offsets = [0, 0, 0, 0], sizes = [4, 1, 256, 128], strides = [1, 1, 1, 1]} : vector<4x2x256x128xf32> to vector<4x1x256x128xf32>
    %squeeze3A_1709 = vector.shape_cast %slice3A_1708 : vector<4x1x256x128xf32> to vector<4x256x128xf32>
    %slice3A_1710 = vector.extract_strided_slice %reshape3A_1707 {offsets = [0, 1, 0, 0], sizes = [4, 1, 256, 128], strides = [1, 1, 1, 1]} : vector<4x2x256x128xf32> to vector<4x1x256x128xf32>
    %squeeze3A_1711 = vector.shape_cast %slice3A_1710 : vector<4x1x256x128xf32> to vector<4x256x128xf32>
    %max3A_1712 = arith.maximumf %squeeze3A_1709, %squeeze3A_1711 : vector<4x256x128xf32>
    %slice3A_1713 = vector.extract_strided_slice %reshape3A_1707 {offsets = [0, 0, 0, 0], sizes = [4, 1, 256, 128], strides = [1, 1, 1, 1]} : vector<4x2x256x128xf32> to vector<4x1x256x128xf32>
    %squeeze3A_1714 = vector.shape_cast %slice3A_1713 : vector<4x1x256x128xf32> to vector<4x256x128xf32>
    %slice3A_1715 = vector.extract_strided_slice %reshape3A_1707 {offsets = [0, 1, 0, 0], sizes = [4, 1, 256, 128], strides = [1, 1, 1, 1]} : vector<4x2x256x128xf32> to vector<4x1x256x128xf32>
    %squeeze3A_1716 = vector.shape_cast %slice3A_1715 : vector<4x1x256x128xf32> to vector<4x256x128xf32>
    %min3A_1717 = arith.minimumf %squeeze3A_1714, %squeeze3A_1716 : vector<4x256x128xf32>
    %broadcast_in_dim3A_1718 = vector.shape_cast %max3A_1712 : vector<4x256x128xf32> to vector<4x1x256x128xf32>
    %broadcast_in_dim3A_1719 = vector.shape_cast %min3A_1717 : vector<4x256x128xf32> to vector<4x1x256x128xf32>
    %concatenate3A_1720 = tpu.concatenate %broadcast_in_dim3A_1718, %broadcast_in_dim3A_1719 in 1 : vector<4x1x256x128xf32>, vector<4x1x256x128xf32> -> vector<4x2x256x128xf32>
    %reshape3A_1721 = vector.shape_cast %concatenate3A_1720 : vector<4x2x256x128xf32> to vector<2048x128xf32>
    %reshape3A_1722 = vector.shape_cast %reshape3A_1721 : vector<2048x128xf32> to vector<8x2x128x128xf32>
    %slice3A_1723 = vector.extract_strided_slice %reshape3A_1722 {offsets = [0, 0, 0, 0], sizes = [8, 1, 128, 128], strides = [1, 1, 1, 1]} : vector<8x2x128x128xf32> to vector<8x1x128x128xf32>
    %squeeze3A_1724 = vector.shape_cast %slice3A_1723 : vector<8x1x128x128xf32> to vector<8x128x128xf32>
    %slice3A_1725 = vector.extract_strided_slice %reshape3A_1722 {offsets = [0, 1, 0, 0], sizes = [8, 1, 128, 128], strides = [1, 1, 1, 1]} : vector<8x2x128x128xf32> to vector<8x1x128x128xf32>
    %squeeze3A_1726 = vector.shape_cast %slice3A_1725 : vector<8x1x128x128xf32> to vector<8x128x128xf32>
    %max3A_1727 = arith.maximumf %squeeze3A_1724, %squeeze3A_1726 : vector<8x128x128xf32>
    %slice3A_1728 = vector.extract_strided_slice %reshape3A_1722 {offsets = [0, 0, 0, 0], sizes = [8, 1, 128, 128], strides = [1, 1, 1, 1]} : vector<8x2x128x128xf32> to vector<8x1x128x128xf32>
    %squeeze3A_1729 = vector.shape_cast %slice3A_1728 : vector<8x1x128x128xf32> to vector<8x128x128xf32>
    %slice3A_1730 = vector.extract_strided_slice %reshape3A_1722 {offsets = [0, 1, 0, 0], sizes = [8, 1, 128, 128], strides = [1, 1, 1, 1]} : vector<8x2x128x128xf32> to vector<8x1x128x128xf32>
    %squeeze3A_1731 = vector.shape_cast %slice3A_1730 : vector<8x1x128x128xf32> to vector<8x128x128xf32>
    %min3A_1732 = arith.minimumf %squeeze3A_1729, %squeeze3A_1731 : vector<8x128x128xf32>
    %broadcast_in_dim3A_1733 = vector.shape_cast %max3A_1727 : vector<8x128x128xf32> to vector<8x1x128x128xf32>
    %broadcast_in_dim3A_1734 = vector.shape_cast %min3A_1732 : vector<8x128x128xf32> to vector<8x1x128x128xf32>
    %concatenate3A_1735 = tpu.concatenate %broadcast_in_dim3A_1733, %broadcast_in_dim3A_1734 in 1 : vector<8x1x128x128xf32>, vector<8x1x128x128xf32> -> vector<8x2x128x128xf32>
    %reshape3A_1736 = vector.shape_cast %concatenate3A_1735 : vector<8x2x128x128xf32> to vector<2048x128xf32>
    %reshape3A_1737 = vector.shape_cast %reshape3A_1736 : vector<2048x128xf32> to vector<16x2x64x128xf32>
    %slice3A_1738 = vector.extract_strided_slice %reshape3A_1737 {offsets = [0, 0, 0, 0], sizes = [16, 1, 64, 128], strides = [1, 1, 1, 1]} : vector<16x2x64x128xf32> to vector<16x1x64x128xf32>
    %squeeze3A_1739 = vector.shape_cast %slice3A_1738 : vector<16x1x64x128xf32> to vector<16x64x128xf32>
    %slice3A_1740 = vector.extract_strided_slice %reshape3A_1737 {offsets = [0, 1, 0, 0], sizes = [16, 1, 64, 128], strides = [1, 1, 1, 1]} : vector<16x2x64x128xf32> to vector<16x1x64x128xf32>
    %squeeze3A_1741 = vector.shape_cast %slice3A_1740 : vector<16x1x64x128xf32> to vector<16x64x128xf32>
    %max3A_1742 = arith.maximumf %squeeze3A_1739, %squeeze3A_1741 : vector<16x64x128xf32>
    %slice3A_1743 = vector.extract_strided_slice %reshape3A_1737 {offsets = [0, 0, 0, 0], sizes = [16, 1, 64, 128], strides = [1, 1, 1, 1]} : vector<16x2x64x128xf32> to vector<16x1x64x128xf32>
    %squeeze3A_1744 = vector.shape_cast %slice3A_1743 : vector<16x1x64x128xf32> to vector<16x64x128xf32>
    %slice3A_1745 = vector.extract_strided_slice %reshape3A_1737 {offsets = [0, 1, 0, 0], sizes = [16, 1, 64, 128], strides = [1, 1, 1, 1]} : vector<16x2x64x128xf32> to vector<16x1x64x128xf32>
    %squeeze3A_1746 = vector.shape_cast %slice3A_1745 : vector<16x1x64x128xf32> to vector<16x64x128xf32>
    %min3A_1747 = arith.minimumf %squeeze3A_1744, %squeeze3A_1746 : vector<16x64x128xf32>
    %broadcast_in_dim3A_1748 = vector.shape_cast %max3A_1742 : vector<16x64x128xf32> to vector<16x1x64x128xf32>
    %broadcast_in_dim3A_1749 = vector.shape_cast %min3A_1747 : vector<16x64x128xf32> to vector<16x1x64x128xf32>
    %concatenate3A_1750 = tpu.concatenate %broadcast_in_dim3A_1748, %broadcast_in_dim3A_1749 in 1 : vector<16x1x64x128xf32>, vector<16x1x64x128xf32> -> vector<16x2x64x128xf32>
    %reshape3A_1751 = vector.shape_cast %concatenate3A_1750 : vector<16x2x64x128xf32> to vector<2048x128xf32>
    %reshape3A_1752 = vector.shape_cast %reshape3A_1751 : vector<2048x128xf32> to vector<32x2x32x128xf32>
    %slice3A_1753 = vector.extract_strided_slice %reshape3A_1752 {offsets = [0, 0, 0, 0], sizes = [32, 1, 32, 128], strides = [1, 1, 1, 1]} : vector<32x2x32x128xf32> to vector<32x1x32x128xf32>
    %squeeze3A_1754 = vector.shape_cast %slice3A_1753 : vector<32x1x32x128xf32> to vector<32x32x128xf32>
    %slice3A_1755 = vector.extract_strided_slice %reshape3A_1752 {offsets = [0, 1, 0, 0], sizes = [32, 1, 32, 128], strides = [1, 1, 1, 1]} : vector<32x2x32x128xf32> to vector<32x1x32x128xf32>
    %squeeze3A_1756 = vector.shape_cast %slice3A_1755 : vector<32x1x32x128xf32> to vector<32x32x128xf32>
    %max3A_1757 = arith.maximumf %squeeze3A_1754, %squeeze3A_1756 : vector<32x32x128xf32>
    %slice3A_1758 = vector.extract_strided_slice %reshape3A_1752 {offsets = [0, 0, 0, 0], sizes = [32, 1, 32, 128], strides = [1, 1, 1, 1]} : vector<32x2x32x128xf32> to vector<32x1x32x128xf32>
    %squeeze3A_1759 = vector.shape_cast %slice3A_1758 : vector<32x1x32x128xf32> to vector<32x32x128xf32>
    %slice3A_1760 = vector.extract_strided_slice %reshape3A_1752 {offsets = [0, 1, 0, 0], sizes = [32, 1, 32, 128], strides = [1, 1, 1, 1]} : vector<32x2x32x128xf32> to vector<32x1x32x128xf32>
    %squeeze3A_1761 = vector.shape_cast %slice3A_1760 : vector<32x1x32x128xf32> to vector<32x32x128xf32>
    %min3A_1762 = arith.minimumf %squeeze3A_1759, %squeeze3A_1761 : vector<32x32x128xf32>
    %broadcast_in_dim3A_1763 = vector.shape_cast %max3A_1757 : vector<32x32x128xf32> to vector<32x1x32x128xf32>
    %broadcast_in_dim3A_1764 = vector.shape_cast %min3A_1762 : vector<32x32x128xf32> to vector<32x1x32x128xf32>
    %concatenate3A_1765 = tpu.concatenate %broadcast_in_dim3A_1763, %broadcast_in_dim3A_1764 in 1 : vector<32x1x32x128xf32>, vector<32x1x32x128xf32> -> vector<32x2x32x128xf32>
    %reshape3A_1766 = vector.shape_cast %concatenate3A_1765 : vector<32x2x32x128xf32> to vector<2048x128xf32>
    %reshape3A_1767 = vector.shape_cast %reshape3A_1766 : vector<2048x128xf32> to vector<64x2x16x128xf32>
    %slice3A_1768 = vector.extract_strided_slice %reshape3A_1767 {offsets = [0, 0, 0, 0], sizes = [64, 1, 16, 128], strides = [1, 1, 1, 1]} : vector<64x2x16x128xf32> to vector<64x1x16x128xf32>
    %squeeze3A_1769 = vector.shape_cast %slice3A_1768 : vector<64x1x16x128xf32> to vector<64x16x128xf32>
    %slice3A_1770 = vector.extract_strided_slice %reshape3A_1767 {offsets = [0, 1, 0, 0], sizes = [64, 1, 16, 128], strides = [1, 1, 1, 1]} : vector<64x2x16x128xf32> to vector<64x1x16x128xf32>
    %squeeze3A_1771 = vector.shape_cast %slice3A_1770 : vector<64x1x16x128xf32> to vector<64x16x128xf32>
    %max3A_1772 = arith.maximumf %squeeze3A_1769, %squeeze3A_1771 : vector<64x16x128xf32>
    %slice3A_1773 = vector.extract_strided_slice %reshape3A_1767 {offsets = [0, 0, 0, 0], sizes = [64, 1, 16, 128], strides = [1, 1, 1, 1]} : vector<64x2x16x128xf32> to vector<64x1x16x128xf32>
    %squeeze3A_1774 = vector.shape_cast %slice3A_1773 : vector<64x1x16x128xf32> to vector<64x16x128xf32>
    %slice3A_1775 = vector.extract_strided_slice %reshape3A_1767 {offsets = [0, 1, 0, 0], sizes = [64, 1, 16, 128], strides = [1, 1, 1, 1]} : vector<64x2x16x128xf32> to vector<64x1x16x128xf32>
    %squeeze3A_1776 = vector.shape_cast %slice3A_1775 : vector<64x1x16x128xf32> to vector<64x16x128xf32>
    %min3A_1777 = arith.minimumf %squeeze3A_1774, %squeeze3A_1776 : vector<64x16x128xf32>
    %broadcast_in_dim3A_1778 = vector.shape_cast %max3A_1772 : vector<64x16x128xf32> to vector<64x1x16x128xf32>
    %broadcast_in_dim3A_1779 = vector.shape_cast %min3A_1777 : vector<64x16x128xf32> to vector<64x1x16x128xf32>
    %concatenate3A_1780 = tpu.concatenate %broadcast_in_dim3A_1778, %broadcast_in_dim3A_1779 in 1 : vector<64x1x16x128xf32>, vector<64x1x16x128xf32> -> vector<64x2x16x128xf32>
    %reshape3A_1781 = vector.shape_cast %concatenate3A_1780 : vector<64x2x16x128xf32> to vector<2048x128xf32>
    %reshape3A_1782 = vector.shape_cast %reshape3A_1781 : vector<2048x128xf32> to vector<128x2x8x128xf32>
    %slice3A_1783 = vector.extract_strided_slice %reshape3A_1782 {offsets = [0, 0, 0, 0], sizes = [128, 1, 8, 128], strides = [1, 1, 1, 1]} : vector<128x2x8x128xf32> to vector<128x1x8x128xf32>
    %squeeze3A_1784 = vector.shape_cast %slice3A_1783 : vector<128x1x8x128xf32> to vector<128x8x128xf32>
    %slice3A_1785 = vector.extract_strided_slice %reshape3A_1782 {offsets = [0, 1, 0, 0], sizes = [128, 1, 8, 128], strides = [1, 1, 1, 1]} : vector<128x2x8x128xf32> to vector<128x1x8x128xf32>
    %squeeze3A_1786 = vector.shape_cast %slice3A_1785 : vector<128x1x8x128xf32> to vector<128x8x128xf32>
    %max3A_1787 = arith.maximumf %squeeze3A_1784, %squeeze3A_1786 : vector<128x8x128xf32>
    %slice3A_1788 = vector.extract_strided_slice %reshape3A_1782 {offsets = [0, 0, 0, 0], sizes = [128, 1, 8, 128], strides = [1, 1, 1, 1]} : vector<128x2x8x128xf32> to vector<128x1x8x128xf32>
    %squeeze3A_1789 = vector.shape_cast %slice3A_1788 : vector<128x1x8x128xf32> to vector<128x8x128xf32>
    %slice3A_1790 = vector.extract_strided_slice %reshape3A_1782 {offsets = [0, 1, 0, 0], sizes = [128, 1, 8, 128], strides = [1, 1, 1, 1]} : vector<128x2x8x128xf32> to vector<128x1x8x128xf32>
    %squeeze3A_1791 = vector.shape_cast %slice3A_1790 : vector<128x1x8x128xf32> to vector<128x8x128xf32>
    %min3A_1792 = arith.minimumf %squeeze3A_1789, %squeeze3A_1791 : vector<128x8x128xf32>
    %broadcast_in_dim3A_1793 = vector.shape_cast %max3A_1787 : vector<128x8x128xf32> to vector<128x1x8x128xf32>
    %broadcast_in_dim3A_1794 = vector.shape_cast %min3A_1792 : vector<128x8x128xf32> to vector<128x1x8x128xf32>
    %concatenate3A_1795 = tpu.concatenate %broadcast_in_dim3A_1793, %broadcast_in_dim3A_1794 in 1 : vector<128x1x8x128xf32>, vector<128x1x8x128xf32> -> vector<128x2x8x128xf32>
    %reshape3A_1796 = vector.shape_cast %concatenate3A_1795 : vector<128x2x8x128xf32> to vector<2048x128xf32>
    %slice3A_1797 = vector.extract_strided_slice %reshape3A_1796 {offsets = [4, 0], sizes = [2044, 128], strides = [1, 1]} : vector<2048x128xf32> to vector<2044x128xf32>
    %slice3A_1798 = vector.extract_strided_slice %reshape3A_1796 {offsets = [0, 0], sizes = [4, 128], strides = [1, 1]} : vector<2048x128xf32> to vector<4x128xf32>
    %concatenate3A_1799 = tpu.concatenate %slice3A_1797, %slice3A_1798 in 0 : vector<2044x128xf32>, vector<4x128xf32> -> vector<2048x128xf32>
    %slice3A_1800 = vector.extract_strided_slice %reshape3A_1796 {offsets = [2044, 0], sizes = [4, 128], strides = [1, 1]} : vector<2048x128xf32> to vector<4x128xf32>
    %slice3A_1801 = vector.extract_strided_slice %reshape3A_1796 {offsets = [0, 0], sizes = [2044, 128], strides = [1, 1]} : vector<2048x128xf32> to vector<2044x128xf32>
    %concatenate3A_1802 = tpu.concatenate %slice3A_1800, %slice3A_1801 in 0 : vector<4x128xf32>, vector<2044x128xf32> -> vector<2048x128xf32>
    %and3A_1803 = arith.constant 4 : i32
    %and3A_1804 = vector.broadcast %and3A_1803 : i32 to vector<2048x1xi32>
    %and3A_1805 = arith.andi %iota3A_1636, %and3A_1804 : vector<2048x1xi32>
    %eq3A_1806 = arith.constant 0 : i32
    %eq3A_1807 = vector.broadcast %eq3A_1806 : i32 to vector<2048x1xi32>
    %eq3A_1808 = arith.cmpi eq, %and3A_1805, %eq3A_1807 : vector<2048x1xi32>
    %broadcast_in_dim3A_1809 = vector.shape_cast %eq3A_1808 : vector<2048x1xi1> to vector<2048x1xi1>
    %broadcast_in_dim3A_1810 = vector.broadcast %broadcast_in_dim3A_1809 : vector<2048x1xi1> to vector<2048x128xi1>
    %select_n3A_1811 = arith.select %broadcast_in_dim3A_1810, %concatenate3A_1799, %concatenate3A_1802 : vector<2048x128xi1>, vector<2048x128xf32>
    %min3A_1812 = arith.minimumf %reshape3A_1796, %select_n3A_1811 : vector<2048x128xf32>
    %max3A_1813 = arith.maximumf %reshape3A_1796, %select_n3A_1811 : vector<2048x128xf32>
    %broadcast_in_dim3A_1814 = vector.shape_cast %eq3A_1808 : vector<2048x1xi1> to vector<2048x1xi1>
    %broadcast_in_dim3A_1815 = vector.broadcast %broadcast_in_dim3A_1814 : vector<2048x1xi1> to vector<2048x128xi1>
    %select_n3A_1816 = arith.select %broadcast_in_dim3A_1815, %max3A_1813, %min3A_1812 : vector<2048x128xi1>, vector<2048x128xf32>
    %reshape3A_1817 = vector.shape_cast %select_n3A_1816 : vector<2048x128xf32> to vector<512x4x128xf32>
    %swap3A = arith.constant 0 : index
    %swap3A_1818 = arith.constant 0 : index
    %swap3A_1819 = arith.constant 0 : index
    %swap3A_1820 = vector.load %arg2[%swap3A, %swap3A_1818, %swap3A_1819] : memref<512x4x128xf32, #tpu.memory_space<vmem>>, vector<512x4x128xf32>
    tpu.vector_store %arg2[%swap3A, %swap3A_1818, %swap3A_1819], %reshape3A_1817 {strides = array<i32>} : memref<512x4x128xf32, #tpu.memory_space<vmem>>, vector<512x4x128xf32>,
    return
  }
  func.func @transform_0(%arg0: i32) -> (i32, i32) {
    %c0_i32 = arith.constant 0 : i32
    %c0_i32_0 = arith.constant 0 : i32
    return %c0_i32, %arg0 : i32, i32
  }
  func.func @transform_1(%arg0: i32) -> (i32, i32, i32) {
    %c0_i32 = arith.constant 0 : i32
    %c0_i32_0 = arith.constant 0 : i32
    %c0_i32_1 = arith.constant 0 : i32
    return %c0_i32, %c0_i32_0, %arg0 : i32, i32, i32
  }
}

</mosaic_0001>

<sc_bundles>
// kernel: sparse-core-data-format-call.1.cloned.1.call-start
scs
called_computation.1_lowered:
.L_overlay_start_0:
0x0: {  	s1 =	sld [smem:$0x3FD9]  }
0x1: {  	s2 =	sld [smem:$0x3FFE];
	_ =	sdelay $0x1  }
0x2: {  	s3 =	srdreg.scid  }
0x3: {  	s0 =	sand.u32 $0x1, s3  }
0x4: {  	s17 =	sshll.u32 s0, $0xA;
	s1 =	sadd.s32 s2, s1  }
0x5: {  	s1 =	sadd.s32 s1, s17  }
0x6: {  	[smem:$0x3FC7] =	sst s1  }
0x7: {  	_ = 	snop  }
0x8: {  	(tm) =	ssettm $0x1  }
0x9: {  	s18 =	sld [smem:$0x3FFB];
	_ =	sdelay $0x3  }
0xa: {  	_ =	strace s18  }
0xb: {  	s1 =	sld [smem:$0x3FFC];
	_ =	sdelay $0x3  }
0xc: {  	_ =	strace s1  }
0xd: {  	s1 =	sld [smem:$0x3FFD];
	_ =	sdelay $0x3  }
0xe: {  	_ =	strace s1  }
0xf: {  	_ =	strace $0x8FFFFFFF  }
0x10: {  	s19 =	sld [smem:$0x3FDB];
	_ =	sdelay $0x1  }
0x11: {  	s20 =	simm.s32 $_scs_section_size  }
0x12: {  	s4 =	simm.s32 $_size__tile_overlayer_lowered;
	s5 =	simm.s32 $_tile_overlayer_lowered  }
0x13: {  	s23 =	simm.s32 $0x1BFF;
	s22 =	sshll.u32 s5, $0x1;
	s1 =	sadd.s32 s20, s19  }
0x14: {  	s6 =	simm.s32 $0x0;
	s21 =	sshll.u32 s4, $0x1;
	s4 =	sadd.s32 s22, s1  }
0x15: {  	[timem:s6], [sflag:s23] =	dma.local [hbm:s4], s21  }
0x16: {  	_ =	swait.ge [sflag:s23], s21  }
0x17: {  	s2 =	ssub.s32 $0x0, s21;
	[sflag:s23] =	ssyncset.done $0x0  }
0x18: {  	[sflag:s23] =	ssyncadd.s32 s2;
	_ =	sdelay $0x1  }
0x19: {  	s24 =	simm.s32 $0x1B8B  }
0x1a: {  	_ =	swait.ge [sflag:s24], $0x1  }
0x1b: {  	[sflag:s24] =	ssyncset.done $0x0  }
0x1c: {  	s26 =	simm.s32 $0x1B8E;
	s25 =	sld [smem:$0x3FFE];
	[sflag:s24] =	ssyncadd.s32 $0xFFFFFFFF  }
0x1d: {  	s27 =	simm.s32 $execute0_lowered;
	[smem:$0x3FD2] =	sst s26  }
0x1e: {  	s4 =	sshll.u32 s27, $0x1;
	_ =	strace $0x80000049;
	[dreg:$0x1] =	wrdreg $0xFFFFFFFF  }
0x1f: {  	s28 =	simm.s32 $_size_execute0_lowered;
	s1 =	sadd.s32 s1, s4;
	[dreg:$0x0] =	wrdreg $0x0  }
0x20: {  	s4 =	sshll.u32 s28, $0x1;
	[dreg:$0x2] =	wrdreg s1  }
0x21: {  	[dreg:$0x3] =	wrdreg s4  }
0x22: {  	[dreg:$0x4] =	wrdreg $0xC0  }
0x23: {  	_ =	task [dreg:s6], $0x5FFFF  }
0x24: {  	[dreg:$0x1] =	wrdreg $0xFFFFFFFF  }
0x25: {  	[dreg:$0x0] =	wrdreg $0x60  }
0x26: {  	[dreg:$0x2] =	wrdreg s25  }
0x27: {  	[dreg:$0x3] =	wrdreg $0x9  }
0x28: {  	_ =	task.clear_ibuf [dreg:s6], $0x4FFFF;
	_ =	strace $0x90000049  }
0x29: {  	s29 =	simm.s32 $0x9;
	_ =	strace $0x8000004B  }
0x2a: {  	_ =	swait.ge [sflag:s29], $0x1  }
0x2b: {  	[sflag:s29] =	ssyncadd.s32 $0xFFFFFFFF  }
0x2c: {  	_ =	strace $0x9000004B  }
0x2d: {  	_ =	sfence  }
0x2e: {  	s30 =	sld [smem:$0x0];
	_ =	sdelay $0x2  }
0x2f: {  	s31 =	sshll.u32 s3, $0xD;
	s3 =	sshrl.u32 s3, $0x2  }
0x30: {  	s2 =	sand.u32 $0x4000, s31;
	s1 =	sadd.s32 s3, s30  }
0x31: {  	s0 =	sor.u32 s2, s0;
	s1 =	sshll.u32 s1, $0x11  }
0x32: {  	s0 =	sor.u32 s1, s0  }
0x33: {  	s0 =	sadd.s32 $0x8F2B, s0  }
0x34: {  	[sflag:s0] =	ssyncadd.remote.s32 $0x1  }
0x35: {  	_ =	sfence.sel $0xFFFF  }
0x36: {  	[dreg:$0x0] =	wrdreg $0xFFFFFFFF;
	(pc) =	sbr.abs _section_cstart, $3  }
0x37: {  	[dreg:$0x1] =	wrdreg $0xFFFFFFFF  }
0x38: {  	_ =	task.clear_ibuf [dreg:s6], $0x2FFFF;
	_ =	strace $0x9FFFFFFF  }
0x39: {  	(tm) =	ssettm $0x7FFFFFFF  }
tec
execute0_lowered:
.L_overlay_start_1:
0x0: {  	(tag) =	ssettag $0x1  }
0x1: {  	s0 =	stileid.u32  }
0x2: {  	s1 =	srdreg.scid;
	s4 =	rddreg [dreg:$0x0]  }
0x3: {  	s8 =	simm.s32 $0x1;
	s1 =	sshll.u32 s1, $0x8;
	s6 =	sshll.u32 s0, $0x4  }
0x4: {  	s31 =	simm.s32 $0x2;
	s12 =	simm.s32 $0x0;
	s1 =	sor.u32 s6, s1  }
0x5: {  	s14 =	simm.s32 $0x0;
	s13 =	simm.s32 $0x0;
	s2 =	sand.u32 $0x180, s1  }
0x6: {  	s10 =	simm.s32 $0x0;
	s11 =	simm.s32 $0x0;
	s5 =	ssub.s32 $0x200, s2  }
0x7: {  	s9 =	sand.u32 $0x70, s6;
	s6 =	sand.u32 $0x7, s0;
	s3 =	sand.u32 $0x180, s5  }
0x8: {  	s1 =	rddreg [dreg:$0x1];
	_ =	strace $0x8000004A;
	p0 =	sne.s32 s3, $0x0  }
.Ltmp0:
0x9: {  	s5 =	sshrl.u32 s5, $0x9;
	s8 =	simm.s32 @!p0 $0x0;
	(pc) =	sbr.rel .LBB1_1-.Ltmp0, $4  }
0xa: {  	s7 =	sadd.s32 s2, s4;
	s4 =	sadd.s32 $0x300C00, s4;
	s5 =	sadd.s32 s8, s5  }
0xb: {  	s7 =	sadd.s32 s9, s7;
	s3 =	simm.s32 $0x1;
	s5 =	smul.u32 $0x30, s5  }
0xc: {  	s9 =	simm.s32 $0xC000;
	s7 =	sadd.s32 $0xC00, s7;
	[sflag:s3] =	ssyncpa.u1 $0x0  }
0xd: {  	p0 =	por $0x0, $0x0;
	[sflag:s31] =	ssyncpa.u1 $0x0;
	s8 =	sor.u32 $0x1, s5  }
.LBB1_4:
0xe: {  	v5 =	vld [tilespmem:s18+$0xFFFFFFD0];
	[tilespmem:s17+$0x2040 ss:$0x81] =	vst.msk $0xffff, v4;
	s20 =	sand.u32 $0x7F, s13;
	s28 =	sshll.u32 s13, $0x3;
	s14 =	sshll.u32 s14, $0x7  }
0xf: {  	v58 =	vld [tilespmem:s18+$0xFFFFFFE0];
	[tilespmem:s17+$0x2850 ss:$0x81] =	vst.msk $0xffff, v3;
	s14 =	sor.u32 s20, s14;
	s29 =	sand.u32 $0xFFFFFC00, s28  }
0x10: {  	s19 =	sshra.s32 s19, $0x2;
	v59 =	vld [tilespmem:s18+$0xFFFFFFF0];
	[tilespmem:s17+$0x3060 ss:$0x81] =	vst.msk $0xffff, v2;
	s14 =	sor.u32 s29, s14  }
0x11: {  	v60 =	vld [tilespmem:s18+$0x0];
	[tilespmem:s17+$0x0 ss:$0x81] =	vst.msk $0xffff, v0;
	s16 =	sadd.s32 s19, s16;
	s30 =	smulhi.u32 $0xAAAAAAAB, s14  }
0x12: {  	v61 =	vld [tilespmem:s18+$0x10];
	s13 =	smulhi.u32 $0xAAAAAAAB, s28;
	[tilespmem:s16+$0x3870 ss:$0x81] =	vst.msk $0xffff, v1  }
0x13: {  	v62 =	vld [tilespmem:s18+$0x20];
	[tilespmem:s16+$0x810 ss:$0x81] =	vst.msk $0xffff, v5;
	s17 =	sshrl.u32 s30, $0xC  }
0x14: {  	v63 =	vld [tilespmem:s18+$0xFFFFFFC0];
	s13 =	sshrl.u32 s13, $0xC;
	[tilespmem:s16+$0x1020 ss:$0x81] =	vst.msk $0xffff, v58;
	s17 =	smul.u32 $0x1800, s17  }
0x15: {  	s12 =	smul.u32 $0x1800, s12;
	s13 =	sand.u32 $0x7, s13;
	[tilespmem:s16+$0x1830 ss:$0x81] =	vst.msk $0xffff, v59  }
0x16: {  	[tilespmem:s16+$0x2040 ss:$0x81] =	vst.msk $0xffff, v60;
	s13 =	smul.u32 $0x300, s13;
	s14 =	ssub.s32 s14, s17  }
0x17: {  	s12 =	sadd.s32 s4, s12;
	[tilespmem:s16+$0x2850 ss:$0x81] =	vst.msk $0xffff, v61;
	s17 =	sand.u32 $0x7, s14  }
0x18: {  	[tilespmem:s16+$0x3060 ss:$0x81] =	vst.msk $0xffff, v62;
	s12 =	sadd.s32 s13, s12;
	s14 =	sshrl.u32 s14, $0x3;
	s31 =	sshll.u32 s17, $0x12  }
0x19: {  	[tilespmem:s16+$0x0 ss:$0x81] =	vst.msk $0xffff, v63;
	s12 =	sadd.s32 s14, s12;
	s13 =	sor.u32 $0x80, s31  }
0x1a: {  	[hbm4b:s12+s13] =	stream.strided.scatter [tilespmem:s15], [sflag:$0x2], $0x4000, s9, s13, $0x20;
	[tilespmem:$0x10100] =	vst v63  }
.LBB1_5:
0x1b: {  	s15 =	sadd.s32 $0x80, s10  }
0x1c: {  	p2 =	sgt.s32 s15, $0x17FF  }
0x1d: {  	s15 =	simm.s32 @p2 $0x0;
	p2 =	sne.s32 s11, s8  }
.Ltmp1:
0x1e: {  	p1 =	slt.u32 s11, $0x2;
	(pc) =	sbr.rel @!p2 .LBB1_6-.Ltmp1, $4  }
0x1f: {  	s16 =	sadd.s32 $0x1, s11;
	s12 =	simm.s32 @!p1 $0x2  }
0x20: {  	s13 =	smov.u32 s10;
	p0 =	por !p0, !p0;
	_ =	swait.ge @!p1 [sflag:s12], $0x4000  }
0x21: {  	s14 =	smov.u32 s6;
	s11 =	smov.u32 s16;
	[sflag:s12] =	ssyncset.done @!p1 $0x0  }
0x22: {  	s10 =	smov.u32 s15;
	[sflag:s12] =	ssyncadd.s32 @!p1 $0xFFFFC000;
	s12 =	smov.u32 s2  }
.LBB1_1:
0x23: {  	p1 =	sge.u32 s11, s5  }
0x24: {  	s31 =	sadd.s32 $0xFFFFFFFF, s11;
	s15 =	sxor.u32 @!p1 $0xFFFFFFFF, s11  }
0x25: {  	s16 =	sshll.u32 @!p1 s10, $0x9;
	s17 =	simm.s32 @!p1 $0x80;
	s15 =	sshll.u32 @!p1 s15, $0xE  }
0x26: {  	s18 =	simm.s32 @!p1 $0x1000;
	s16 =	sadd.s32 @!p1 s16, s7;
	s15 =	sand.u32 @!p1 $0x4000, s15  }
0x27: {  	[tilespmem:s15], [sflag:$0x1] =	stream.strided.gather @!p1 [hbm4b:s16+s17], $0x4000, s18, s17, $0x38;
	[tilespmem:$0x10100] =	vst v63  }
0x28: {  	p1 =	sge.u32 s31, s5  }
.Ltmp2:
0x29: {  	_ = 	snop;
	(pc) =	sbr.rel @p1 .LBB1_5-.Ltmp2, $1  }
0x2a: {  	_ =	sdelay $0x3  }
0x2b: {  	s15 =	simm.s32 $0x1  }
0x2c: {  	_ =	swait.ge [sflag:s3], $0x4000;
	s15 =	simm.s32 @!p0 $0x0  }
0x2d: {  	[sflag:s3] =	ssyncset.done $0x0;
	s16 =	sshll.u32 s15, $0xE  }
0x2e: {  	[sflag:s3] =	ssyncadd.s32 $0xFFFFC000;
	s18 =	sor.u32 $0x40, s16  }
0x2f: {  	s15 =	smul.u32 $0x10200, s15;
	v0 =	vld [tilespmem:s18+$0x30]  }
0x30: {  	v1 =	vld [tilespmem:s18+$0xFFFFFFD0]  }
0x31: {  	s15 =	sshrl.u32 s15, $0x2;
	v5 =	vld [tilespmem:s18+$0xFFFFFFE0]  }
0x32: {  	v6 =	vld [tilespmem:s18+$0xFFFFFFF0];
	s16 =	sor.u32 $0x8000, s15  }
0x33: {  	s31 =	sand.u32 $0x1, s11;
	v4 =	vld [tilespmem:s18+$0x0];
	s17 =	sadd.s32 $0x0, s16  }
0x34: {  	v3 =	vld [tilespmem:s18+$0x10];
	s15 =	smul.u32 $0x10200, s31;
	[tilespmem:s17+$0x3870 ss:$0x81] =	vst.msk $0xffff, v0  }
0x35: {  	v2 =	vld [tilespmem:s18+$0x20];
	[tilespmem:s17+$0x810 ss:$0x81] =	vst.msk $0xffff, v1  }
0x36: {  	s15 =	sshrl.u32 s15, $0x2;
	v0 =	vld [tilespmem:s18+$0xFFFFFFC0];
	[tilespmem:s17+$0x1020 ss:$0x81] =	vst.msk $0xffff, v5;
	s18 =	sadd.s32 $0x80, s18  }
0x37: {  	s19 =	simm.s32 $0x4;
	s20 =	simm.s32 $0x8;
	s15 =	sor.u32 $0x8000, s15;
	[tilespmem:s17+$0x1830 ss:$0x81] =	vst.msk $0xffff, v6;
	v1 =	vld [tilespmem:s18+$0x30]  }
.LBB1_3:
0x38: {  	p1 =	sne.s32 s20, $0x1FC;
	v5 =	vld [tilespmem:s18+$0xFFFFFFD0];
	[tilespmem:s17+$0x2040 ss:$0x81] =	vst.msk $0xffff, v4  }
0x39: {  	v6 =	vld [tilespmem:s18+$0xFFFFFFE0];
	[tilespmem:s17+$0x2850 ss:$0x81] =	vst.msk $0xffff, v3  }
0x3a: {  	s21 =	sshra.s32 s19, $0x2;
	s19 =	smov.u32 s20;
	v7 =	vld [tilespmem:s18+$0xFFFFFFF0];
	[tilespmem:s17+$0x3060 ss:$0x81] =	vst.msk $0xffff, v2  }
.Ltmp3:
0x3b: {  	v4 =	vld [tilespmem:s18+$0x0];
	[tilespmem:s17+$0x0 ss:$0x81] =	vst.msk $0xffff, v0;
	s17 =	sadd.s32 s21, s16;
	(pc) =	sbr.rel @p1 .LBB1_3-.Ltmp3, $4  }
0x3c: {  	v3 =	vld [tilespmem:s18+$0x10];
	[tilespmem:s17+$0x3870 ss:$0x81] =	vst.msk $0xffff, v1  }
0x3d: {  	[tilespmem:s17+$0x810 ss:$0x81] =	vst.msk $0xffff, v5;
	v2 =	vld [tilespmem:s18+$0x20]  }
0x3e: {  	v0 =	vld [tilespmem:s18+$0xFFFFFFC0];
	[tilespmem:s17+$0x1020 ss:$0x81] =	vst.msk $0xffff, v6;
	s18 =	sadd.s32 $0x80, s18  }
0x3f: {  	s20 =	sadd.s32 $0x4, s20;
	v1 =	vld [tilespmem:s18+$0x30];
	[tilespmem:s17+$0x1830 ss:$0x81] =	vst.msk $0xffff, v7  }
.Ltmp4:
0x40: {  	_ = 	snop;
	(pc) =	sbr.rel .LBB1_4-.Ltmp4, $1  }
0x41: {  	_ =	sdelay $0x3  }
.LBB1_6:
0x42: {  	_ =	sfence.sel $0x180000  }
0x43: {  	s2 =	simm.s32 $0x1;
	[bflag:$0x0] =	sbarrier.arrive $0xFFFF  }
0x44: {  	s31 =	simm.s32 $0x2;
	[sflag:s2] =	ssyncpa.u1 $0x1  }
0x45: {  	[sflag:s31] =	ssyncpa.u1 $0x1  }
0x46: {  	p0 =	sne.s32 s0, $0x0;
	_ =	strace $0x9000004A  }
0x47: {  	s0 =	sadd.s32 @!p0 $0x100000, s1;
	[bflag:$0x2] =	sbarrier.arrive $0xFFFF  }
0x48: {  	[sflag:s0] =	ssyncadd.tile.s32 @!p0 $0x1;
	_ =	shalt  }
.Lfunc_end1:
_tile_overlayer_lowered:
.L_overlay_start_2:
0x49: {  	(tag) =	ssettag $0x2  }
0x4a: {  	s0 =	rddreg [dreg:$0x0];
	s2 =	stileid.u32  }
0x4b: {  	s1 =	rddreg [dreg:$0x1];
	p0 =	sne.s32 s2, $0x0  }
0x4c: {  	s3 =	rddreg [dreg:$0x2];
	[bflag:$0x3] =	sbarrier.arrive $0xFFFF;
	s2 =	simm.s32 @!p0 $0x1C01  }
0x4d: {  	[timem:s3], [sflag:s2] =	dma.local @!p0 [hbm:s0], s1  }
0x4e: {  	s0 =	simm.s32 @!p0 $0x1  }
0x4f: {  	_ =	swait.ge @!p0 [sflag:s0], s1  }
0x50: {  	s1 =	ssub.s32 @!p0 $0x0, s1;
	[sflag:s0] =	ssyncset.done @!p0 $0x0  }
0x51: {  	[sflag:s0] =	ssyncadd.s32 @!p0 s1  }
0x52: {  	[bflag:$0x3] =	sbarrier.arrive $0xFFFF  }
0x53: {  	_ =	shalt  }

// kernel: sparse-core-data-format-call.2.cloned.1.call-start
scs
called_computation.2_lowered:
.L_overlay_start_0:
0x0: {  	s2 =	sld [smem:$0x3FD9]  }
0x1: {  	s3 =	sld [smem:$0x3FFE];
	_ =	sdelay $0x1  }
0x2: {  	s1 =	srdreg.scid  }
0x3: {  	s0 =	sand.u32 $0x1, s1  }
0x4: {  	s18 =	sshll.u32 s0, $0xA;
	s2 =	sadd.s32 s3, s2  }
0x5: {  	s2 =	sadd.s32 s2, s18  }
0x6: {  	[smem:$0x3FC7] =	sst s2  }
0x7: {  	_ = 	snop  }
0x8: {  	s2 =	sld [smem:$0x3FC9];
	(tm) =	ssettm $0x1  }
0x9: {  	s19 =	sld [smem:$0x3FFB];
	_ =	sdelay $0x3  }
0xa: {  	_ =	strace s19  }
0xb: {  	s3 =	sld [smem:$0x3FFC];
	_ =	sdelay $0x3  }
0xc: {  	_ =	strace s3  }
0xd: {  	s3 =	sld [smem:$0x3FFD];
	_ =	sdelay $0x3  }
0xe: {  	_ =	strace s3  }
0xf: {  	_ =	strace $0x8FFFFFFF  }
0x10: {  	s20 =	sld [smem:$0x3FDB];
	_ =	sdelay $0x1  }
0x11: {  	s4 =	simm.s32 $_scs_section_size  }
0x12: {  	s5 =	simm.s32 $_size__tile_overlayer_lowered;
	s6 =	simm.s32 $_tile_overlayer_lowered  }
0x13: {  	s23 =	simm.s32 $0x1BFF;
	s22 =	sshll.u32 s6, $0x1;
	s3 =	sadd.s32 s4, s20  }
0x14: {  	s7 =	simm.s32 $0x0;
	s21 =	sshll.u32 s5, $0x1;
	s5 =	sadd.s32 s22, s3  }
0x15: {  	[timem:s7], [sflag:s23] =	dma.local [hbm:s5], s21  }
0x16: {  	_ =	swait.ge [sflag:s23], s21  }
0x17: {  	s4 =	ssub.s32 $0x0, s21;
	[sflag:s23] =	ssyncset.done $0x0  }
0x18: {  	[sflag:s23] =	ssyncadd.s32 s4;
	_ =	sdelay $0x1  }
0x19: {  	s24 =	simm.s32 $0x1B8B  }
0x1a: {  	_ =	swait.ge [sflag:s24], $0x1  }
0x1b: {  	[sflag:s24] =	ssyncset.done $0x0  }
0x1c: {  	s26 =	simm.s32 $0x1B8E;
	s25 =	sld [smem:$0x3FFE];
	[sflag:s24] =	ssyncadd.s32 $0xFFFFFFFF  }
0x1d: {  	s27 =	simm.s32 $execute0_lowered;
	[smem:$0x3FD2] =	sst s26  }
0x1e: {  	s5 =	sshll.u32 s27, $0x1;
	_ =	strace $0x80000046;
	[dreg:$0x1] =	wrdreg $0xFFFFFFFF  }
0x1f: {  	s28 =	simm.s32 $_size_execute0_lowered;
	s3 =	sadd.s32 s3, s5;
	[dreg:$0x0] =	wrdreg $0x0  }
0x20: {  	s5 =	sshll.u32 s28, $0x1;
	[dreg:$0x2] =	wrdreg s3  }
0x21: {  	[dreg:$0x3] =	wrdreg s5  }
0x22: {  	[dreg:$0x4] =	wrdreg $0xC0  }
0x23: {  	_ =	task [dreg:s7], $0x5FFFF  }
0x24: {  	[dreg:$0x1] =	wrdreg $0xFFFFFFFF  }
0x25: {  	[dreg:$0x0] =	wrdreg $0x60  }
0x26: {  	[dreg:$0x2] =	wrdreg s2  }
0x27: {  	[dreg:$0x3] =	wrdreg s25  }
0x28: {  	[dreg:$0x4] =	wrdreg $0x9  }
0x29: {  	_ =	task.clear_ibuf [dreg:s7], $0x5FFFF;
	_ =	strace $0x90000046  }
0x2a: {  	s29 =	simm.s32 $0x9;
	_ =	strace $0x80000048  }
0x2b: {  	_ =	swait.ge [sflag:s29], $0x1  }
0x2c: {  	[sflag:s29] =	ssyncadd.s32 $0xFFFFFFFF  }
0x2d: {  	_ =	strace $0x90000048  }
0x2e: {  	_ =	sfence  }
0x2f: {  	s30 =	sld [smem:$0x0];
	_ =	sdelay $0x2  }
0x30: {  	s31 =	sshll.u32 s1, $0xD;
	s1 =	sshrl.u32 s1, $0x2  }
0x31: {  	s3 =	sand.u32 $0x4000, s31;
	s1 =	sadd.s32 s1, s30  }
0x32: {  	s0 =	sor.u32 s3, s0;
	s1 =	sshll.u32 s1, $0x11  }
0x33: {  	s0 =	sor.u32 s1, s0  }
0x34: {  	s0 =	sadd.s32 $0x8F2B, s0  }
0x35: {  	[sflag:s0] =	ssyncadd.remote.s32 $0x1  }
0x36: {  	_ =	sfence.sel $0xFFFF  }
0x37: {  	[dreg:$0x0] =	wrdreg $0xFFFFFFFF;
	(pc) =	sbr.abs _section_cstart, $3  }
0x38: {  	[dreg:$0x1] =	wrdreg $0xFFFFFFFF  }
0x39: {  	_ =	task.clear_ibuf [dreg:s7], $0x2FFFF;
	_ =	strace $0x9FFFFFFF  }
0x3a: {  	(tm) =	ssettm $0x7FFFFFFF  }
0x3b: {  	_ =	shalt  }
tec
execute0_lowered:
.L_overlay_start_1:
0x0: {  	(tag) =	ssettag $0x1  }
0x1: {  	s2 =	rddreg [dreg:$0x0]  }
0x2: {  	s1 =	rddreg [dreg:$0x1]  }
0x3: {  	s0 =	rddreg [dreg:$0x2];
	_ =	strace $0x80000047;
	s4 =	srdreg.scid  }
0x4: {  	s6 =	simm.s32 $0x2;
	s12 =	simm.s32 $0x0;
	p0 =	por $0x0, $0x0  }
0x5: {  	s13 =	simm.s32 $0x0;
	s15 =	simm.s32 $0x0;
	s14 =	simm.s32 $0x0  }
.Ltmp0:
0x6: {  	s8 =	simm.s32 $0x0;
	s9 =	simm.s32 $0x0;
	(pc) =	sbr.rel .LBB1_1-.Ltmp0, $4  }
0x7: {  	s10 =	simm.s32 $0x0;
	s3 =	sadd.s32 $0xC00, s1;
	s5 =	sshll.u32 s4, $0x4  }
0x8: {  	s1 =	stileid.u32;
	s4 =	simm.s32 $0x1;
	s5 =	sand.u32 $0x10, s5  }
0x9: {  	s7 =	simm.s32 $0x0;
	[sflag:s4] =	ssyncpa.u1 $0x0;
	s5 =	sor.u32 s1, s5  }
0xa: {  	[sflag:s6] =	ssyncpa.u1 $0x0;
	s6 =	simm.s32 $0x1000;
	s11 =	smov.u32 s5  }
.LBB1_7:
0xb: {  	s16 =	sadd.s32 $0x100, s8  }
0xc: {  	s12 =	sadd.s32 $0x8, s9;
	s17 =	smov.u32 s9;
	p2 =	sgt.s32 s16, $0x1FF  }
0xd: {  	s17 =	smov.u32 @p2 s12  }
0xe: {  	s18 =	smov.u32 s10;
	s12 =	sadd.s32 $0x8, s10;
	p3 =	sgt.s32 s17, $0x7  }
0xf: {  	s18 =	smov.u32 @p3 s12  }
0x10: {  	s19 =	smov.u32 s11;
	s12 =	sadd.s32 $0x20, s11;
	p4 =	sgt.s32 s18, $0x7  }
0x11: {  	p1 =	slt.u32 s7, $0x2;
	s19 =	smov.u32 @p4 s12  }
0x12: {  	s7 =	sadd.s32 $0x1, s7;
	s16 =	simm.s32 @p2 $0x0;
	p2 =	sgt.s32 s19, $0x2FF  }
0x13: {  	s20 =	simm.s32 @!p1 $0x2;
	s19 =	smov.u32 @p2 s5;
	p2 =	sne.s32 s7, $0x32  }
.Ltmp1:
0x14: {  	s13 =	smov.u32 s9;
	_ =	swait.ge @!p1 [sflag:s20], $0x4000;
	(pc) =	sbr.rel @!p2 .LBB1_8-.Ltmp1, $4  }
0x15: {  	s15 =	smov.u32 s10;
	s14 =	smov.u32 s11;
	[sflag:s20] =	ssyncset.done @!p1 $0x0  }
0x16: {  	p0 =	por !p0, !p0;
	s17 =	simm.s32 @p3 $0x0;
	[sflag:s20] =	ssyncadd.s32 @!p1 $0xFFFFC000  }
0x17: {  	s9 =	smov.u32 s17;
	s18 =	simm.s32 @p4 $0x0;
	s12 =	smov.u32 s8  }
0x18: {  	s8 =	smov.u32 s16;
	s10 =	smov.u32 s18;
	s11 =	smov.u32 s19  }
.LBB1_1:
0x19: {  	p1 =	sgt.u32 s7, $0x2F  }
0x1a: {  	s16 =	sxor.u32 @!p1 $0xFFFFFFFF, s7;
	s17 =	sshll.u32 @!p1 s8, $0x3  }
0x1b: {  	s18 =	sshll.u32 @!p1 s9, $0x7;
	s19 =	sand.u32 @!p1 $0x78, s8;
	s20 =	sshll.u32 @!p1 s11, $0xC  }
0x1c: {  	s21 =	sshll.u32 @!p1 s10, $0x9;
	s16 =	sshll.u32 @!p1 s16, $0xE;
	s18 =	sand.u32 @!p1 $0x380, s18  }
0x1d: {  	s17 =	sand.u32 @!p1 $0xC00, s17;
	s16 =	sand.u32 @!p1 $0x4000, s16;
	s18 =	sor.u32 @!p1 s19, s18  }
0x1e: {  	s19 =	sand.u32 @!p1 $0x7, s8;
	s17 =	sor.u32 @!p1 s17, s18;
	s18 =	sadd.s32 @!p1 s2, s20  }
0x1f: {  	s19 =	sshll.u32 @!p1 s19, $0x12;
	s17 =	sshrl.u32 @!p1 s17, $0x3;
	s18 =	sadd.s32 @!p1 s21, s18  }
0x20: {  	s17 =	sadd.s32 @!p1 s17, s18;
	s18 =	sor.u32 @!p1 $0x800, s19;
	s19 =	simm.s32 @!p1 $0x1000  }
0x21: {  	[tilespmem:s16], [sflag:$0x1] =	stream.strided.gather @!p1 [hbm4b:s17+s18], $0x4000, s19, s18, $0x38;
	[tilespmem:$0x10000] =	vst v63  }
0x22: {  	p1 =	seq.s32 s7, $0x0  }
0x23: {  	p2 =	seq.s32 @!p1 s7, $0x31  }
0x24: {  	p1 =	por p1, p2  }
.Ltmp2:
0x25: {  	_ = 	snop;
	(pc) =	sbr.rel @p1 .LBB1_7-.Ltmp2, $1  }
0x26: {  	_ =	sdelay $0x3  }
0x27: {  	s16 =	simm.s32 $0x1;
	_ =	swait.ge [sflag:s4], $0x4000  }
0x28: {  	s31 =	sshll.u32 s7, $0xE;
	s21 =	simm.s32 $0x0;
	p1 =	por $0x0, $0x0  }
0x29: {  	s22 =	simm.s32 $0x0;
	s23 =	simm.s32 $0x0;
	s16 =	simm.s32 @!p0 $0x0  }
0x2a: {  	[sflag:s4] =	ssyncset.done $0x0;
	s19 =	sand.u32 $0x4000, s31;
	s16 =	sshll.u32 s16, $0x10  }
0x2b: {  	[sflag:s4] =	ssyncadd.s32 $0xFFFFC000;
	s20 =	sshrl.u32 s16, $0x2;
	s16 =	sor.u32 $0x8000, s19  }
0x2c: {  	s17 =	sor.u32 $0x40, s20;
	s18 =	sor.u32 $0x8410, s20;
	s20 =	sadd.s32 $0x8400, s20  }
.LBB1_3:
0x2d: {  	v1 =	vld [tilespmem:s17+$0xFFFFFFD0]  }
0x2e: {  	v2 =	vld [tilespmem:s17+$0x430]  }
0x2f: {  	s24 =	sshll.u32 s23, $0xB;
	v4 =	vld [tilespmem:s17+$0xFFFFFFE0]  }
0x30: {  	v7 =	vld [tilespmem:s17+$0xFFFFFFF0];
	v0 =	vmov s24  }
0x31: {  	v8 =	vld [tilespmem:s17+$0x0]  }
0x32: {  	s30 =	sand.u32 $0x300, s21;
	v9 =	vld [tilespmem:s17+$0x10]  }
0x33: {  	s25 =	sand.u32 $0x80, s21;
	v10 =	vld [tilespmem:s17+$0x20];
	s24 =	sadd.s32 s30, s19  }
0x34: {  	v11 =	vld [tilespmem:s17+$0x30];
	s24 =	sadd.s32 s25, s24;
	s25 =	simm.s32 $0x1;
	[tilespmem:s18+$0x60] =	vst v2  }
0x35: {  	s31 =	sshll.u32 s22, $0x2;
	s25 =	simm.s32 @!p1 $0x0;
	[tilespmem:s18+$0xFFFFFC00] =	vst v1;
	v3 =	vld.idx.msk [tilespmem:v0+s24+$0x400 ss:$0x1], $0xffff  }
0x36: {  	v6 =	vld [tilespmem:s17+$0x3D0];
	s25 =	sshll.u32 s25, $0x9;
	[tilespmem:s18+$0xFFFFFC10] =	vst v4;
	s24 =	sand.u32 $0xFFFFFC00, s31  }
0x37: {  	v5 =	vld [tilespmem:s17+$0x3E0];
	[tilespmem:s18+$0xFFFFFC20] =	vst v7;
	s24 =	sor.u32 s25, s24  }
0x38: {  	[tilespmem:s18+$0xFFFFFC30] =	vst v8;
	v4 =	vld [tilespmem:s17+$0x400];
	s24 =	sshrl.u32 s24, $0x2  }
0x39: {  	[tilespmem:s18+$0xFFFFFC40] =	vst v9;
	v1 =	vld [tilespmem:s17+$0x410];
	s24 =	sadd.s32 s24, s20  }
0x3a: {  	[tilespmem:s24+$0x0] =	vst v3;
	v3 =	vld [tilespmem:s17+$0x3F0]  }
0x3b: {  	s28 =	simm.s32 $0x80;
	s27 =	simm.s32 $0x100;
	[tilespmem:s18+$0xFFFFFC50] =	vst v10;
	v2 =	vld [tilespmem:s17+$0x420]  }
0x3c: {  	s26 =	smov.u32 s18;
	s29 =	sand.u32 $0x300, s28;
	v7 =	vld [tilespmem:s17+$0xFFFFFFC0];
	[tilespmem:s18+$0xFFFFFC60] =	vst v11;
	s25 =	sadd.s32 $0x80, s17  }
.LBB1_4:
0x3d: {  	p2 =	sne.s32 s27, $0x380;
	v8 =	vld [tilespmem:s25+$0xFFFFFFD0];
	s28 =	sand.u32 $0x80, s28;
	s29 =	sadd.s32 s29, s19;
	[tilespmem:s26+$0x0] =	vst v6  }
0x3e: {  	s29 =	sadd.s32 s28, s29;
	v6 =	vld [tilespmem:s25+$0x430];
	[tilespmem:s26+$0x10] =	vst v5;
	s28 =	smov.u32 s27  }
0x3f: {  	v5 =	vld.idx.msk [tilespmem:v0+s29+$0x400 ss:$0x1], $0xffff;
	[tilespmem:s26+$0x20] =	vst v3  }
0x40: {  	v3 =	vld [tilespmem:s25+$0xFFFFFFE0];
	[tilespmem:s26+$0x30] =	vst v4  }
0x41: {  	v4 =	vld [tilespmem:s25+$0xFFFFFFF0];
	[tilespmem:s26+$0xFFFFFBF0] =	vst v7  }
0x42: {  	v7 =	vld [tilespmem:s25+$0x0];
	[tilespmem:s26+$0x40] =	vst v1  }
0x43: {  	v1 =	vld [tilespmem:s25+$0x10];
	[tilespmem:s26+$0x50] =	vst v2;
	s26 =	sadd.s32 $0x800, s26  }
0x44: {  	s24 =	sadd.s32 $0x800, s24;
	v2 =	vld [tilespmem:s25+$0x20];
	[tilespmem:s26+$0x60] =	vst v6  }
0x45: {  	v9 =	vld [tilespmem:s25+$0x30];
	[tilespmem:s24+$0x0] =	vst v5  }
0x46: {  	[tilespmem:s26+$0xFFFFFC00] =	vst v8;
	v6 =	vld [tilespmem:s25+$0x3D0]  }
0x47: {  	[tilespmem:s26+$0xFFFFFC10] =	vst v3;
	v5 =	vld [tilespmem:s25+$0x3E0]  }
.Ltmp3:
0x48: {  	[tilespmem:s26+$0xFFFFFC20] =	vst v4;
	v3 =	vld [tilespmem:s25+$0x3F0];
	(pc) =	sbr.rel @p2 .LBB1_4-.Ltmp3, $4  }
0x49: {  	[tilespmem:s26+$0xFFFFFC30] =	vst v7;
	v4 =	vld [tilespmem:s25+$0x400]  }
0x4a: {  	[tilespmem:s26+$0xFFFFFC40] =	vst v1;
	v1 =	vld [tilespmem:s25+$0x410]  }
0x4b: {  	[tilespmem:s26+$0xFFFFFC50] =	vst v2;
	v2 =	vld [tilespmem:s25+$0x420]  }
0x4c: {  	s27 =	sadd.s32 $0x80, s27;
	s29 =	sand.u32 $0x300, s28;
	v7 =	vld [tilespmem:s25+$0xFFFFFFC0];
	[tilespmem:s26+$0xFFFFFC60] =	vst v9;
	s25 =	sadd.s32 $0x80, s25  }
0x4d: {  	[tilespmem:s26+$0x0] =	vst v6  }
0x4e: {  	[tilespmem:s26+$0x10] =	vst v5  }
0x4f: {  	v49 =	vld [tilespmem:s25+$0x430];
	[tilespmem:s26+$0x20] =	vst v3  }
0x50: {  	v50 =	vld [tilespmem:s25+$0xFFFFFFD0];
	[tilespmem:s26+$0x30] =	vst v4  }
0x51: {  	v51 =	vld [tilespmem:s25+$0xFFFFFFE0];
	[tilespmem:s26+$0x40] =	vst v1  }
0x52: {  	v52 =	vld [tilespmem:s25+$0xFFFFFFF0];
	[tilespmem:s26+$0x50] =	vst v2  }
0x53: {  	s31 =	sadd.s32 $0x800, s26;
	v53 =	vld [tilespmem:s25+$0x0];
	[tilespmem:s26+$0xFFFFFBF0] =	vst v7  }
0x54: {  	v54 =	vld [tilespmem:s25+$0x10];
	[tilespmem:s31+$0x60] =	vst v49  }
0x55: {  	v55 =	vld [tilespmem:s25+$0x20];
	[tilespmem:s31+$0xFFFFFC00] =	vst v50  }
0x56: {  	v56 =	vld [tilespmem:s25+$0x30];
	[tilespmem:s31+$0xFFFFFC10] =	vst v51  }
0x57: {  	v57 =	vld [tilespmem:s25+$0x3D0];
	[tilespmem:s31+$0xFFFFFC20] =	vst v52  }
0x58: {  	v58 =	vld [tilespmem:s25+$0x3E0];
	[tilespmem:s31+$0xFFFFFC30] =	vst v53  }
0x59: {  	v59 =	vld [tilespmem:s25+$0x3F0];
	[tilespmem:s31+$0xFFFFFC40] =	vst v54  }
0x5a: {  	v60 =	vld [tilespmem:s25+$0x400];
	[tilespmem:s31+$0xFFFFFC50] =	vst v55  }
0x5b: {  	v61 =	vld [tilespmem:s25+$0xFFFFFFC0];
	[tilespmem:s31+$0xFFFFFC60] =	vst v56  }
0x5c: {  	s27 =	sand.u32 $0x80, s28;
	s30 =	sadd.s32 s29, s19;
	v62 =	vld [tilespmem:s25+$0x410];
	[tilespmem:s31+$0x0] =	vst v57  }
0x5d: {  	v63 =	vld [tilespmem:s25+$0x420];
	s23 =	sadd.s32 $0x1, s23;
	s27 =	sadd.s32 s27, s30;
	[tilespmem:s31+$0x10] =	vst v58  }
0x5e: {  	p2 =	sne.s32 s23, $0x8;
	v0 =	vld.idx.msk [tilespmem:v0+s27+$0x400 ss:$0x1], $0xffff;
	[tilespmem:s31+$0x20] =	vst v59  }
.Ltmp4:
0x5f: {  	[tilespmem:s31+$0x30] =	vst v60;
	(pc) =	sbr.rel @p2 .LBB1_3-.Ltmp4, $4  }
0x60: {  	[tilespmem:s31+$0xFFFFFBF0] =	vst v61  }
0x61: {  	[tilespmem:s31+$0x40] =	vst v62  }
0x62: {  	s24 =	sadd.s32 $0x800, s24;
	s17 =	sadd.s32 $0x800, s17;
	[tilespmem:s31+$0x50] =	vst v63  }
0x63: {  	s22 =	sadd.s32 $0x80, s22;
	p1 =	por !p1, !p1;
	s18 =	sadd.s32 $0x80, s18;
	[tilespmem:s24+$0x0] =	vst v0  }
0x64: {  	s17 =	sshll.u32 s12, $0x3;
	s15 =	sshll.u32 s15, $0x7;
	s18 =	sand.u32 $0x78, s12  }
0x65: {  	s14 =	sshll.u32 s14, $0xC;
	s13 =	sshll.u32 s13, $0x9;
	s15 =	sand.u32 $0x380, s15  }
.Ltmp5:
0x66: {  	s17 =	sand.u32 $0xC00, s17;
	s15 =	sor.u32 s18, s15;
	(pc) =	sbr.rel .LBB1_7-.Ltmp5, $4  }
0x67: {  	s31 =	sand.u32 $0x7, s12;
	s14 =	sadd.s32 s3, s14;
	s15 =	sor.u32 s17, s15  }
0x68: {  	s12 =	sshll.u32 s31, $0x12;
	s13 =	sadd.s32 s13, s14;
	s15 =	sshrl.u32 s15, $0x3  }
0x69: {  	s12 =	sor.u32 $0x800, s12;
	s13 =	sadd.s32 s15, s13  }
0x6a: {  	[hbm4b:s13+s12] =	stream.strided.scatter [tilespmem:s16], [sflag:$0x2], $0x4000, s6, s12, $0x38;
	[tilespmem:$0x10000] =	vst v63  }
.LBB1_8:
0x6b: {  	_ =	sfence.sel $0x180000  }
0x6c: {  	s2 =	simm.s32 $0x1;
	[bflag:$0x0] =	sbarrier.arrive $0xFFFF  }
0x6d: {  	s31 =	simm.s32 $0x2;
	[sflag:s2] =	ssyncpa.u1 $0x1  }
0x6e: {  	[sflag:s31] =	ssyncpa.u1 $0x1  }
0x6f: {  	p0 =	sne.s32 s1, $0x0;
	_ =	strace $0x90000047  }
0x70: {  	s0 =	sadd.s32 @!p0 $0x100000, s0;
	[bflag:$0x2] =	sbarrier.arrive $0xFFFF  }
0x71: {  	[sflag:s0] =	ssyncadd.tile.s32 @!p0 $0x1;
	_ =	shalt  }
.Lfunc_end1:
_tile_overlayer_lowered:
.L_overlay_start_2:
0x72: {  	(tag) =	ssettag $0x2  }
0x73: {  	s0 =	rddreg [dreg:$0x0];
	s2 =	stileid.u32  }
0x74: {  	s1 =	rddreg [dreg:$0x1];
	p0 =	sne.s32 s2, $0x0  }
0x75: {  	s3 =	rddreg [dreg:$0x2];
	[bflag:$0x3] =	sbarrier.arrive $0xFFFF;
	s2 =	simm.s32 @!p0 $0x1C01  }
0x76: {  	[timem:s3], [sflag:s2] =	dma.local @!p0 [hbm:s0], s1  }
0x77: {  	s0 =	simm.s32 @!p0 $0x1  }
0x78: {  	_ =	swait.ge @!p0 [sflag:s0], s1  }
0x79: {  	s1 =	ssub.s32 @!p0 $0x0, s1;
	[sflag:s0] =	ssyncset.done @!p0 $0x0  }
0x7a: {  	[sflag:s0] =	ssyncadd.s32 @!p0 s1  }
0x7b: {  	[bflag:$0x3] =	sbarrier.arrive $0xFFFF  }
0x7c: {  	_ =	shalt  }

// kernel: sparse-core-data-format-call.cloned.1.call-start
scs
called_computation_lowered:
.L_overlay_start_0:
0x0: {  	s2 =	sld [smem:$0x3FD9]  }
0x1: {  	s3 =	sld [smem:$0x3FFE];
	_ =	sdelay $0x1  }
0x2: {  	s1 =	srdreg.scid  }
0x3: {  	s0 =	sand.u32 $0x1, s1  }
0x4: {  	s18 =	sshll.u32 s0, $0xA;
	s2 =	sadd.s32 s3, s2  }
0x5: {  	s2 =	sadd.s32 s2, s18  }
0x6: {  	[smem:$0x3FC7] =	sst s2  }
0x7: {  	_ = 	snop  }
0x8: {  	s2 =	sld [smem:$0x3FD0];
	(tm) =	ssettm $0x1  }
0x9: {  	s19 =	sld [smem:$0x3FFB];
	_ =	sdelay $0x3  }
0xa: {  	_ =	strace s19  }
0xb: {  	s3 =	sld [smem:$0x3FFC];
	_ =	sdelay $0x3  }
0xc: {  	_ =	strace s3  }
0xd: {  	s3 =	sld [smem:$0x3FFD];
	_ =	sdelay $0x3  }
0xe: {  	_ =	strace s3  }
0xf: {  	_ =	strace $0x8FFFFFFF  }
0x10: {  	s20 =	sld [smem:$0x3FDB];
	_ =	sdelay $0x1  }
0x11: {  	s4 =	simm.s32 $_scs_section_size  }
0x12: {  	s5 =	simm.s32 $_size__tile_overlayer_lowered;
	s6 =	simm.s32 $_tile_overlayer_lowered  }
0x13: {  	s23 =	simm.s32 $0x1BFF;
	s22 =	sshll.u32 s6, $0x1;
	s3 =	sadd.s32 s4, s20  }
0x14: {  	s7 =	simm.s32 $0x0;
	s21 =	sshll.u32 s5, $0x1;
	s5 =	sadd.s32 s22, s3  }
0x15: {  	[timem:s7], [sflag:s23] =	dma.local [hbm:s5], s21  }
0x16: {  	_ =	swait.ge [sflag:s23], s21  }
0x17: {  	s4 =	ssub.s32 $0x0, s21;
	[sflag:s23] =	ssyncset.done $0x0  }
0x18: {  	[sflag:s23] =	ssyncadd.s32 s4;
	_ =	sdelay $0x1  }
0x19: {  	s24 =	simm.s32 $0x1B8B  }
0x1a: {  	_ =	swait.ge [sflag:s24], $0x1  }
0x1b: {  	[sflag:s24] =	ssyncset.done $0x0  }
0x1c: {  	s26 =	simm.s32 $0x1B8E;
	s25 =	sld [smem:$0x3FFE];
	[sflag:s24] =	ssyncadd.s32 $0xFFFFFFFF  }
0x1d: {  	s27 =	simm.s32 $execute0_lowered;
	[smem:$0x3FD2] =	sst s26  }
0x1e: {  	s5 =	sshll.u32 s27, $0x1;
	_ =	strace $0x8000004C;
	[dreg:$0x1] =	wrdreg $0xFFFFFFFF  }
0x1f: {  	s28 =	simm.s32 $_size_execute0_lowered;
	s3 =	sadd.s32 s3, s5;
	[dreg:$0x0] =	wrdreg $0x0  }
0x20: {  	s5 =	sshll.u32 s28, $0x1;
	[dreg:$0x2] =	wrdreg s3  }
0x21: {  	[dreg:$0x3] =	wrdreg s5  }
0x22: {  	[dreg:$0x4] =	wrdreg $0xC0  }
0x23: {  	_ =	task [dreg:s7], $0x5FFFF  }
0x24: {  	[dreg:$0x1] =	wrdreg $0xFFFFFFFF  }
0x25: {  	[dreg:$0x0] =	wrdreg $0x60  }
0x26: {  	[dreg:$0x2] =	wrdreg s2  }
0x27: {  	[dreg:$0x3] =	wrdreg s25  }
0x28: {  	[dreg:$0x4] =	wrdreg $0x9  }
0x29: {  	_ =	task.clear_ibuf [dreg:s7], $0x5FFFF;
	_ =	strace $0x9000004C  }
0x2a: {  	s29 =	simm.s32 $0x9;
	_ =	strace $0x8000004E  }
0x2b: {  	_ =	swait.ge [sflag:s29], $0x1  }
0x2c: {  	[sflag:s29] =	ssyncadd.s32 $0xFFFFFFFF  }
0x2d: {  	_ =	strace $0x9000004E  }
0x2e: {  	_ =	sfence  }
0x2f: {  	s30 =	sld [smem:$0x0];
	_ =	sdelay $0x2  }
0x30: {  	s31 =	sshll.u32 s1, $0xD;
	s1 =	sshrl.u32 s1, $0x2  }
0x31: {  	s3 =	sand.u32 $0x4000, s31;
	s1 =	sadd.s32 s1, s30  }
0x32: {  	s0 =	sor.u32 s3, s0;
	s1 =	sshll.u32 s1, $0x11  }
0x33: {  	s0 =	sor.u32 s1, s0  }
0x34: {  	s0 =	sadd.s32 $0x8F2B, s0  }
0x35: {  	[sflag:s0] =	ssyncadd.remote.s32 $0x1  }
0x36: {  	_ =	sfence.sel $0xFFFF  }
0x37: {  	[dreg:$0x0] =	wrdreg $0xFFFFFFFF;
	(pc) =	sbr.abs _section_cstart, $3  }
0x38: {  	[dreg:$0x1] =	wrdreg $0xFFFFFFFF  }
0x39: {  	_ =	task.clear_ibuf [dreg:s7], $0x2FFFF;
	_ =	strace $0x9FFFFFFF  }
0x3a: {  	(tm) =	ssettm $0x7FFFFFFF  }
0x3b: {  	_ =	shalt  }
tec
execute0_lowered:
.L_overlay_start_1:
0x0: {  	(tag) =	ssettag $0x1  }
0x1: {  	s0 =	stileid.u32;
	s1 =	rddreg [dreg:$0x0]  }
0x2: {  	s3 =	srdreg.scid;
	s7 =	rddreg [dreg:$0x1]  }
0x3: {  	s8 =	simm.s32 $0x1;
	s31 =	simm.s32 $0x2;
	s15 =	simm.s32 $0x0  }
0x4: {  	s10 =	simm.s32 $0x800;
	s17 =	simm.s32 $0x0;
	s16 =	simm.s32 $0x0  }
0x5: {  	s14 =	simm.s32 $0x0;
	s2 =	sshll.u32 s0, $0x7;
	s3 =	sshll.u32 s3, $0x7  }
0x6: {  	s7 =	sadd.s32 $0xC00, s7;
	s2 =	sand.u32 $0x180, s2;
	s3 =	sand.u32 $0x80, s3  }
0x7: {  	s4 =	ssub.s32 $0x200, s2;
	s6 =	ssub.s32 $0x1800, s3;
	s11 =	smov.u32 s3  }
0x8: {  	s13 =	smov.u32 s2;
	s5 =	sshrl.u32 s4, $0x9;
	s4 =	sand.u32 $0x180, s4  }
0x9: {  	s30 =	sshrl.u32 s6, $0x7;
	s6 =	sshrl.u32 s6, $0x8;
	p0 =	sne.s32 s4, $0x0  }
.Ltmp0:
0xa: {  	s9 =	sand.u32 $0x1, s30;
	s8 =	simm.s32 @!p0 $0x0;
	(pc) =	sbr.rel .LBB1_1-.Ltmp0, $4  }
0xb: {  	s4 =	rddreg [dreg:$0x2];
	s6 =	sadd.s32 s6, s9;
	s8 =	sadd.s32 s8, s5  }
0xc: {  	_ =	strace $0x8000004D;
	s5 =	simm.s32 $0x1;
	s6 =	smul.u32 s6, s8  }
0xd: {  	p0 =	por $0x0, $0x0;
	[sflag:s5] =	ssyncpa.u1 $0x0;
	s8 =	sshrl.u32 s0, $0x2  }
0xe: {  	[sflag:s31] =	ssyncpa.u1 $0x0;
	s12 =	smov.u32 s8;
	s9 =	sadd.s32 $0x1, s6  }
.LBB1_4:
0xf: {  	v5 =	vld [tilespmem:s21+$0xFFFFFFD0];
	[tilespmem:s20+$0x2040 ss:$0x81] =	vst.msk $0xffff, v1  }
0x10: {  	v58 =	vld [tilespmem:s21+$0xFFFFFFE0];
	[tilespmem:s20+$0x2850 ss:$0x81] =	vst.msk $0xffff, v2  }
0x11: {  	s22 =	sshra.s32 s22, $0x2;
	v59 =	vld [tilespmem:s21+$0xFFFFFFF0];
	[tilespmem:s20+$0x3060 ss:$0x81] =	vst.msk $0xffff, v3  }
0x12: {  	v60 =	vld [tilespmem:s21+$0x0];
	[tilespmem:s20+$0x0 ss:$0x81] =	vst.msk $0xffff, v0;
	s19 =	sadd.s32 s22, s19  }
0x13: {  	v61 =	vld [tilespmem:s21+$0x10];
	[tilespmem:s19+$0x3870 ss:$0x81] =	vst.msk $0xffff, v4  }
0x14: {  	v62 =	vld [tilespmem:s21+$0x20];
	[tilespmem:s19+$0x810 ss:$0x81] =	vst.msk $0xffff, v5  }
0x15: {  	v63 =	vld [tilespmem:s21+$0xFFFFFFC0];
	[tilespmem:s19+$0x1020 ss:$0x81] =	vst.msk $0xffff, v58  }
0x16: {  	s17 =	sshll.u32 s17, $0x7;
	s28 =	sand.u32 $0x78, s16;
	s29 =	sshrl.u32 s16, $0x1;
	[tilespmem:s19+$0x1830 ss:$0x81] =	vst.msk $0xffff, v59  }
0x17: {  	s15 =	sshll.u32 s15, $0x8;
	s17 =	sand.u32 $0x180, s17;
	s30 =	sand.u32 $0xC0, s29;
	[tilespmem:s19+$0x2040 ss:$0x81] =	vst.msk $0xffff, v60  }
0x18: {  	s31 =	sand.u32 $0x7, s16;
	s17 =	sor.u32 s28, s17;
	s20 =	sadd.s32 s7, s30;
	[tilespmem:s19+$0x2850 ss:$0x81] =	vst.msk $0xffff, v61  }
0x19: {  	s16 =	sshll.u32 s31, $0x12;
	s17 =	sshrl.u32 s17, $0x3;
	s15 =	sadd.s32 s15, s20;
	[tilespmem:s19+$0x3060 ss:$0x81] =	vst.msk $0xffff, v62  }
0x1a: {  	s16 =	sor.u32 $0x80, s16;
	s15 =	sadd.s32 s17, s15;
	[tilespmem:s19+$0x0 ss:$0x81] =	vst.msk $0xffff, v63  }
0x1b: {  	[hbm4b:s15+s16] =	stream.strided.scatter [tilespmem:s18], [sflag:$0x2], $0x4000, s10, s16, $0x20;
	[tilespmem:$0x10100] =	vst v63  }
.LBB1_5:
0x1c: {  	s18 =	sadd.s32 $0x100, s11  }
0x1d: {  	s15 =	sadd.s32 $0x4, s12;
	s19 =	smov.u32 s12;
	p2 =	sgt.s32 s18, $0x17FF  }
0x1e: {  	s19 =	smov.u32 @p2 s15  }
0x1f: {  	s21 =	smov.u32 s13;
	s15 =	sadd.s32 $0x200, s13;
	p3 =	sgt.s32 s19, $0x3  }
0x20: {  	s21 =	smov.u32 @p3 s15  }
0x21: {  	s18 =	smov.u32 @p2 s3;
	p2 =	sgt.s32 s21, $0x1FF  }
0x22: {  	p1 =	slt.u32 s14, $0x2;
	s21 =	smov.u32 @p2 s2;
	p2 =	sne.s32 s14, s9  }
.Ltmp1:
0x23: {  	s20 =	simm.s32 @!p1 $0x2;
	(pc) =	sbr.rel @!p2 .LBB1_6-.Ltmp1, $4  }
0x24: {  	s17 =	smov.u32 s12;
	s16 =	smov.u32 s13;
	_ =	swait.ge @!p1 [sflag:s20], $0x4000  }
0x25: {  	p0 =	por !p0, !p0;
	[sflag:s20] =	ssyncset.done @!p1 $0x0;
	s19 =	smov.u32 @p3 s8  }
0x26: {  	s15 =	smov.u32 s11;
	[sflag:s20] =	ssyncadd.s32 @!p1 $0xFFFFC000;
	s11 =	smov.u32 s18  }
0x27: {  	s12 =	smov.u32 s19;
	s14 =	sadd.s32 $0x1, s14;
	s13 =	smov.u32 s21  }
.LBB1_1:
0x28: {  	p1 =	sge.u32 s14, s6  }
0x29: {  	s18 =	sshrl.u32 @!p1 s12, $0x2  }
0x2a: {  	s19 =	sshll.u32 @!p1 s11, $0x2;
	s20 =	sshll.u32 @!p1 s12, $0x7;
	s18 =	smul.u32 @!p1 $0x6000, s18  }
0x2b: {  	s21 =	sand.u32 @!p1 $0x7F, s11;
	s19 =	sand.u32 @!p1 $0xFFFFFE00, s19;
	s20 =	sand.u32 @!p1 $0x180, s20  }
0x2c: {  	s18 =	sadd.s32 @!p1 s18, s19;
	s19 =	sor.u32 @!p1 s21, s20  }
0x2d: {  	s19 =	sor.u32 @!p1 s18, s19  }
0x2e: {  	s20 =	smulhi.u32 @!p1 $0xAAAAAAAB, s19  }
0x2f: {  	s18 =	smulhi.u32 @!p1 $0xAAAAAAAB, s18  }
0x30: {  	s20 =	sshrl.u32 @!p1 s20, $0xC  }
0x31: {  	s31 =	sadd.s32 $0xFFFFFFFF, s14;
	s18 =	sshrl.u32 @!p1 s18, $0xC;
	s20 =	smul.u32 @!p1 $0x1800, s20  }
0x32: {  	s22 =	smul.u32 @!p1 $0xC00, s13;
	s21 =	sxor.u32 @!p1 $0xFFFFFFFF, s14;
	s18 =	sand.u32 @!p1 $0x3, s18  }
0x33: {  	s21 =	sshll.u32 @!p1 s21, $0xE;
	s18 =	smul.u32 @!p1 $0x300, s18;
	s19 =	ssub.s32 @!p1 s19, s20  }
0x34: {  	s20 =	sand.u32 @!p1 $0x4000, s21;
	s21 =	sadd.s32 @!p1 s1, s22;
	s22 =	sand.u32 @!p1 $0x7, s19  }
0x35: {  	s19 =	sshrl.u32 @!p1 s19, $0x3;
	s18 =	sadd.s32 @!p1 s18, s21;
	s21 =	sshll.u32 @!p1 s22, $0x12  }
0x36: {  	s18 =	sadd.s32 @!p1 s19, s18;
	s19 =	sor.u32 @!p1 $0x80, s21;
	s21 =	simm.s32 @!p1 $0x6000  }
0x37: {  	[tilespmem:s20], [sflag:$0x1] =	stream.strided.gather @!p1 [hbm4b:s18+s19], $0x4000, s21, s19, $0x38;
	[tilespmem:$0x10100] =	vst v63  }
0x38: {  	p1 =	sge.u32 s31, s6  }
.Ltmp2:
0x39: {  	_ = 	snop;
	(pc) =	sbr.rel @p1 .LBB1_5-.Ltmp2, $1  }
0x3a: {  	_ =	sdelay $0x3  }
0x3b: {  	s18 =	simm.s32 $0x1  }
0x3c: {  	_ =	swait.ge [sflag:s5], $0x4000;
	s18 =	simm.s32 @!p0 $0x0  }
0x3d: {  	[sflag:s5] =	ssyncset.done $0x0;
	s19 =	sshll.u32 s18, $0xE  }
0x3e: {  	[sflag:s5] =	ssyncadd.s32 $0xFFFFC000;
	s21 =	sor.u32 $0x40, s19  }
0x3f: {  	s18 =	smul.u32 $0x10200, s18;
	v0 =	vld [tilespmem:s21+$0x30]  }
0x40: {  	v3 =	vld [tilespmem:s21+$0xFFFFFFD0]  }
0x41: {  	s18 =	sshrl.u32 s18, $0x2;
	v4 =	vld [tilespmem:s21+$0xFFFFFFE0]  }
0x42: {  	v5 =	vld [tilespmem:s21+$0xFFFFFFF0];
	s19 =	sor.u32 $0x8000, s18  }
0x43: {  	s31 =	sand.u32 $0x1, s14;
	v1 =	vld [tilespmem:s21+$0x0];
	s20 =	sadd.s32 $0x0, s19  }
0x44: {  	v2 =	vld [tilespmem:s21+$0x10];
	s18 =	smul.u32 $0x10200, s31;
	[tilespmem:s20+$0x3870 ss:$0x81] =	vst.msk $0xffff, v0  }
0x45: {  	[tilespmem:s20+$0x810 ss:$0x81] =	vst.msk $0xffff, v3;
	v3 =	vld [tilespmem:s21+$0x20]  }
0x46: {  	s18 =	sshrl.u32 s18, $0x2;
	v0 =	vld [tilespmem:s21+$0xFFFFFFC0];
	[tilespmem:s20+$0x1020 ss:$0x81] =	vst.msk $0xffff, v4;
	s21 =	sadd.s32 $0x80, s21  }
0x47: {  	s22 =	simm.s32 $0x4;
	s23 =	simm.s32 $0x8;
	s18 =	sor.u32 $0x8000, s18;
	[tilespmem:s20+$0x1830 ss:$0x81] =	vst.msk $0xffff, v5;
	v4 =	vld [tilespmem:s21+$0x30]  }
.LBB1_3:
0x48: {  	p1 =	sne.s32 s23, $0x1FC;
	v5 =	vld [tilespmem:s21+$0xFFFFFFD0];
	[tilespmem:s20+$0x2040 ss:$0x81] =	vst.msk $0xffff, v1  }
0x49: {  	v6 =	vld [tilespmem:s21+$0xFFFFFFE0];
	[tilespmem:s20+$0x2850 ss:$0x81] =	vst.msk $0xffff, v2  }
0x4a: {  	s24 =	sshra.s32 s22, $0x2;
	s22 =	smov.u32 s23;
	v7 =	vld [tilespmem:s21+$0xFFFFFFF0];
	[tilespmem:s20+$0x3060 ss:$0x81] =	vst.msk $0xffff, v3  }
.Ltmp3:
0x4b: {  	v1 =	vld [tilespmem:s21+$0x0];
	[tilespmem:s20+$0x0 ss:$0x81] =	vst.msk $0xffff, v0;
	s20 =	sadd.s32 s24, s19;
	(pc) =	sbr.rel @p1 .LBB1_3-.Ltmp3, $4  }
0x4c: {  	v2 =	vld [tilespmem:s21+$0x10];
	[tilespmem:s20+$0x3870 ss:$0x81] =	vst.msk $0xffff, v4  }
0x4d: {  	[tilespmem:s20+$0x810 ss:$0x81] =	vst.msk $0xffff, v5;
	v3 =	vld [tilespmem:s21+$0x20]  }
0x4e: {  	v0 =	vld [tilespmem:s21+$0xFFFFFFC0];
	[tilespmem:s20+$0x1020 ss:$0x81] =	vst.msk $0xffff, v6;
	s21 =	sadd.s32 $0x80, s21  }
0x4f: {  	s23 =	sadd.s32 $0x4, s23;
	v4 =	vld [tilespmem:s21+$0x30];
	[tilespmem:s20+$0x1830 ss:$0x81] =	vst.msk $0xffff, v7  }
.Ltmp4:
0x50: {  	_ = 	snop;
	(pc) =	sbr.rel .LBB1_4-.Ltmp4, $1  }
0x51: {  	_ =	sdelay $0x3  }
.LBB1_6:
0x52: {  	_ =	sfence.sel $0x180000  }
0x53: {  	s1 =	simm.s32 $0x1;
	[bflag:$0x0] =	sbarrier.arrive $0xFFFF  }
0x54: {  	s31 =	simm.s32 $0x2;
	[sflag:s1] =	ssyncpa.u1 $0x1  }
0x55: {  	[sflag:s31] =	ssyncpa.u1 $0x1  }
0x56: {  	p0 =	sne.s32 s0, $0x0;
	_ =	strace $0x9000004D  }
0x57: {  	s0 =	sadd.s32 @!p0 $0x100000, s4;
	[bflag:$0x2] =	sbarrier.arrive $0xFFFF  }
0x58: {  	[sflag:s0] =	ssyncadd.tile.s32 @!p0 $0x1;
	_ =	shalt  }
.Lfunc_end1:
_tile_overlayer_lowered:
.L_overlay_start_2:
0x59: {  	(tag) =	ssettag $0x2  }
0x5a: {  	s0 =	rddreg [dreg:$0x0];
	s2 =	stileid.u32  }
0x5b: {  	s1 =	rddreg [dreg:$0x1];
	p0 =	sne.s32 s2, $0x0  }
0x5c: {  	s3 =	rddreg [dreg:$0x2];
	[bflag:$0x3] =	sbarrier.arrive $0xFFFF;
	s2 =	simm.s32 @!p0 $0x1C01  }
0x5d: {  	[timem:s3], [sflag:s2] =	dma.local @!p0 [hbm:s0], s1  }
0x5e: {  	s0 =	simm.s32 @!p0 $0x1  }
0x5f: {  	_ =	swait.ge @!p0 [sflag:s0], s1  }
0x60: {  	s1 =	ssub.s32 @!p0 $0x0, s1;
	[sflag:s0] =	ssyncset.done @!p0 $0x0  }
0x61: {  	[sflag:s0] =	ssyncadd.s32 @!p0 s1  }
0x62: {  	[bflag:$0x3] =	sbarrier.arrive $0xFFFF  }
0x63: {  	_ =	shalt  }

</sc_bundles>
